<compile_context>
chip_gen: v7x
topology: tpu7x:2x2x1
jax: 0.10.2.dev20260603
libtpu: 0.0.44.dev20260713+nightly
codegen_flags: <defaults>
</compile_context>

<pallas_src>
import functools

import jax
import jax.numpy as jnp
from jax import lax
from jax.experimental import pallas as pl
from jax.experimental.pallas import tpu as pltpu
from jax.experimental.pallas import tpu_sc as plsc

N = 10000
E = 160000
D = 256
H = 32
G = 64

NC = 2
NS = 16
NP = 10240
NPV = NP // 4
ROWS_PER_TILE = NP // NS
CH = 128
EP = 163840
EDGES_PER_TILE = EP // (NC * NS)
NCHUNK = EDGES_PER_TILE // CH
NB = 8
IG = 4
BN = 2048
BNV = BN // 4
BR = BN // 128
GRID = NP // BN

_mesh = plsc.VectorSubcoreMesh(core_axis_name="c", subcore_axis_name="s")
_sc_params = pltpu.CompilerParams(use_tc_tiling_on_sc=False)


@functools.partial(
    pl.kernel,
    out_type=jax.ShapeDtypeStruct((NC, NP // 128, 128), jnp.float32),
    mesh=_mesh,
    scratch_types=[
        pltpu.VMEM((CH,), jnp.float32),
        pltpu.VMEM((NCHUNK, CH), jnp.int32),
        pltpu.VMEM_SHARED((NP,), jnp.float32),
        pltpu.SemaphoreType.DMA,
        pltpu.SemaphoreType.DMA,
    ],
    compiler_params=_sc_params,
)
def _deg_kernel(dst_hbm, out_hbm, ones_v, idx_v, acc_s, sem_a, sem_b):
    c = lax.axis_index("c")
    s = lax.axis_index("s")
    wid = c * NS + s
    z = jnp.zeros((16,), jnp.float32)
    for i in range(CH // 16):
        ones_v[pl.ds(i * 16, 16)] = z
    def _zero(j, _):
        pltpu.sync_copy(ones_v, acc_s.at[pl.ds(s * ROWS_PER_TILE + j * CH, CH)])
        return _
    lax.fori_loop(0, ROWS_PER_TILE // CH, _zero, None)
    o = jnp.ones((16,), jnp.float32)
    for i in range(CH // 16):
        ones_v[pl.ds(i * 16, 16)] = o
    pltpu.sync_copy(dst_hbm.at[pl.ds(wid * NCHUNK, NCHUNK)], idx_v)
    plsc.subcore_barrier()
    pltpu.async_copy(ones_v, acc_s.at[idx_v.at[0]], sem_a, add=True)
    def _body(i, _):
        ja = 2 * i
        pltpu.async_copy(ones_v, acc_s.at[idx_v.at[ja + 1]], sem_b, add=True)
        pltpu.make_async_copy(ones_v, acc_s.at[idx_v.at[ja]], sem_a).wait()
        @pl.when(ja + 2 < NCHUNK)
        def _next():
            pltpu.async_copy(ones_v, acc_s.at[idx_v.at[ja + 2]], sem_a,
                             add=True)
        pltpu.make_async_copy(ones_v, acc_s.at[idx_v.at[ja + 1]], sem_b).wait()
        return _
    lax.fori_loop(0, NCHUNK // 2, _body, None)
    plsc.subcore_barrier()
    def _out(k, _):
        pltpu.sync_copy(acc_s.at[pl.ds(s * ROWS_PER_TILE + k * 128, 128)],
                        out_hbm.at[c, s * (ROWS_PER_TILE // 128) + k])
        return _
    lax.fori_loop(0, ROWS_PER_TILE // 128, _out, None)


@functools.partial(
    pl.kernel,
    out_type=jax.ShapeDtypeStruct((NC, NP, H), jnp.float32),
    mesh=_mesh,
    scratch_types=(
        [pltpu.VMEM((NCHUNK, CH), jnp.int32)] * 2
        + [pltpu.VMEM((CH, H), jnp.float32)] * NB
        + [pltpu.VMEM_SHARED((NP, H), jnp.float32)]
        + [pltpu.VMEM_SHARED((NP, H), jnp.float32)]
        + [pltpu.SemaphoreType.DMA] * (2 * NB)
    ),
    compiler_params=_sc_params,
)
def _scatter_kernel(g_hbm, src_hbm, dst_hbm, out_hbm, src_v, dst_v, *rest):
    rows = list(rest[:NB])
    acc_s = rest[NB]
    g_s = rest[NB + 1]
    sem_g = list(rest[NB + 2:NB + 2 + NB])
    sem_s = list(rest[NB + 2 + NB:])
    c = lax.axis_index("c")
    s = lax.axis_index("s")
    wid = c * NS + s
    z = jnp.zeros((16,), jnp.float32)
    def _zrow(j, _):
        rows[0][j, pl.ds(0, 16)] = z
        rows[0][j, pl.ds(16, 16)] = z
        return _
    lax.fori_loop(0, CH, _zrow, None)
    off = s * ROWS_PER_TILE
    @pl.when(c == 0)
    def _initg():
        pltpu.async_copy(g_hbm.at[pl.ds(off, ROWS_PER_TILE)],
                         acc_s.at[pl.ds(off, ROWS_PER_TILE)], sem_s[5])
    @pl.when(c != 0)
    def _initz():
        for j in range(ROWS_PER_TILE // CH):
            pltpu.async_copy(rows[0], acc_s.at[pl.ds(off + j * CH, CH)],
                             sem_s[j])
    pltpu.async_copy(src_hbm.at[pl.ds(wid * NCHUNK, NCHUNK)], src_v, sem_g[0])
    pltpu.async_copy(dst_hbm.at[pl.ds(wid * NCHUNK, NCHUNK)], dst_v, sem_g[1])
    pltpu.async_copy(g_hbm.at[pl.ds(off, ROWS_PER_TILE)],
                     g_s.at[pl.ds(off, ROWS_PER_TILE)], sem_g[2])
    @pl.when(c == 0)
    def _initgw():
        pltpu.make_async_copy(g_hbm.at[pl.ds(off, ROWS_PER_TILE)],
                              acc_s.at[pl.ds(off, ROWS_PER_TILE)],
                              sem_s[5]).wait()
    @pl.when(c != 0)
    def _initzw():
        for j in range(ROWS_PER_TILE // CH):
            pltpu.make_async_copy(rows[0], acc_s.at[pl.ds(off + j * CH, CH)],
                                  sem_s[j]).wait()
    pltpu.make_async_copy(src_hbm.at[pl.ds(wid * NCHUNK, NCHUNK)], src_v,
                          sem_g[0]).wait()
    pltpu.make_async_copy(dst_hbm.at[pl.ds(wid * NCHUNK, NCHUNK)], dst_v,
                          sem_g[1]).wait()
    pltpu.make_async_copy(g_hbm.at[pl.ds(off, ROWS_PER_TILE)],
                          g_s.at[pl.ds(off, ROWS_PER_TILE)], sem_g[2]).wait()
    plsc.subcore_barrier()
    for k in range(IG):
        pltpu.async_copy(g_s.at[src_v.at[k]], rows[k], sem_g[k])
    def _body(i, _):
        for b in range(NB):
            j = NB * i + b
            pltpu.make_async_copy(g_s.at[src_v.at[j]], rows[b], sem_g[b]).wait()
            pltpu.async_copy(rows[b], acc_s.at[dst_v.at[j]], sem_s[b], add=True)
            bi = (b + IG) % NB
            @pl.when(j + IG < NCHUNK)
            def _issue():
                @pl.when(j + IG >= NB)
                def _drain():
                    pltpu.make_async_copy(
                        rows[bi], acc_s.at[dst_v.at[j]], sem_s[bi]).wait()
                pltpu.async_copy(g_s.at[src_v.at[j + IG]], rows[bi], sem_g[bi])
        return _
    lax.fori_loop(0, NCHUNK // NB, _body, None)
    for b in range(NB):
        pltpu.make_async_copy(rows[b], acc_s.at[dst_v.at[0]], sem_s[b]).wait()
    plsc.subcore_barrier()
    pltpu.sync_copy(acc_s.at[pl.ds(off, ROWS_PER_TILE)],
                    out_hbm.at[c, pl.ds(off, ROWS_PER_TILE)])


def _expand_rows(col_view):
    a_rows = lax.broadcasted_iota(jnp.int32, (BN, BR), 0) // 128
    a_cols = lax.broadcasted_iota(jnp.int32, (BN, BR), 1)
    sel = (a_rows == a_cols).astype(jnp.float32)
    o1 = jnp.dot(sel, col_view, preferred_element_type=jnp.float32,
                 precision=lax.Precision.HIGHEST)
    m_rows = lax.broadcasted_iota(jnp.int32, (BN, 128), 0) % 128
    m_cols = lax.broadcasted_iota(jnp.int32, (BN, 128), 1)
    msk = (m_rows == m_cols).astype(jnp.float32)
    return jnp.sum(o1 * msk, axis=1, keepdims=True)


def _expand_view(col_view):
    a_rows = lax.broadcasted_iota(jnp.int32, (BNV, BR), 0) // 32
    a_cols = lax.broadcasted_iota(jnp.int32, (BNV, BR), 1)
    sel = (a_rows == a_cols).astype(jnp.float32)
    o1 = jnp.dot(sel, col_view, preferred_element_type=jnp.float32,
                 precision=lax.Precision.HIGHEST)
    r_mod = lax.broadcasted_iota(jnp.int32, (BNV, 128), 0) % 32
    cols = lax.broadcasted_iota(jnp.int32, (BNV, 128), 1)
    parts = []
    for a in range(4):
        msk = (cols == 4 * r_mod + a).astype(jnp.float32)
        sa = jnp.sum(o1 * msk, axis=1, keepdims=True)
        parts.append(jnp.broadcast_to(sa, (BNV, 32)))
    return jnp.concatenate(parts, axis=1)


def _tc1_body(x_ref, w_ref, d_ref, g_ref, dinv_ref):
    i = pl.program_id(0)
    dview = lax.rsqrt(d_ref[0] + d_ref[1] + 1.0)
    dinv = _expand_rows(dview)
    rows = i * BN + lax.broadcasted_iota(jnp.int32, (BN, 1), 0)
    h = jnp.dot(x_ref[...], w_ref[...], preferred_element_type=jnp.float32)
    g_ref[...] = jnp.where(rows < N, h * dinv, 0.0)
    dinv_ref[...] = _expand_view(dview)


def _tc1(x, W1, deg):
    return pl.pallas_call(
        _tc1_body,
        out_shape=[jax.ShapeDtypeStruct((NP, H), jnp.float32),
                   jax.ShapeDtypeStruct((NPV, 128), jnp.float32)],
        grid=(GRID,),
        in_specs=[
            pl.BlockSpec((BN, D), lambda i: (i, 0)),
            pl.BlockSpec((D, H), lambda i: (0, 0)),
            pl.BlockSpec((NC, BR, 128), lambda i: (0, i, 0)),
        ],
        out_specs=[pl.BlockSpec((BN, H), lambda i: (i, 0)),
                   pl.BlockSpec((BNV, 128), lambda i: (i, 0))],
    )(x, W1, deg)


def _tc2_body(p_ref, dinv_ref, b_ref, w_ref, out_ref):
    dinv = dinv_ref[...]
    pre = dinv * (p_ref[0] + p_ref[1]) + b_ref[...]
    h = jnp.maximum(pre, 0.0)
    out_ref[...] = jnp.dot(h, w_ref[...],
                           preferred_element_type=jnp.float32) * dinv


def _tc2(p, dinv_v, b1t, W2k):
    return pl.pallas_call(
        _tc2_body,
        out_shape=jax.ShapeDtypeStruct((NPV, 128), jnp.float32),
        grid=(GRID,),
        in_specs=[
            pl.BlockSpec((NC, BNV, 128), lambda i: (0, i, 0)),
            pl.BlockSpec((BNV, 128), lambda i: (i, 0)),
            pl.BlockSpec((1, 128), lambda i: (0, 0)),
            pl.BlockSpec((128, 128), lambda i: (0, 0)),
        ],
        out_specs=pl.BlockSpec((BNV, 128), lambda i: (i, 0)),
    )(p, dinv_v, b1t, W2k)


def _tc3_body(q_ref, dinv_ref, b_ref, batch_ref,
              wfc_ref, bfc_ref, wreg_ref, breg_ref, wcls_ref, bcls_ref,
              reg_ref, cls_ref, sums_ref, cnt_ref):
    i = pl.program_id(0)

    @pl.when(i == 0)
    def _init():
        sums_ref[...] = jnp.zeros((G, H), jnp.float32)
        cnt_ref[...] = jnp.zeros((G, 1), jnp.float32)

    pre = dinv_ref[...] * (q_ref[0] + q_ref[1]) + b_ref[...]
    h = jnp.maximum(pre, 0.0)
    b4 = batch_ref[...]
    gids = lax.broadcasted_iota(jnp.int32, (G, BNV), 0)
    for a in range(4):
        onehot_t = (gids == b4[a:a + 1, :]).astype(jnp.float32)
        sa = jnp.dot(onehot_t, h, preferred_element_type=jnp.float32,
                     precision=lax.Precision.HIGHEST)
        sums_ref[...] += sa[:, 32 * a:32 * a + 32]
        cnt_ref[...] += jnp.sum(onehot_t, axis=1, keepdims=True)

    @pl.when(i == pl.num_programs(0) - 1)
    def _final():
        pooled = sums_ref[...] / jnp.maximum(cnt_ref[...], 1.0)
        sfc = jnp.maximum(
            jnp.dot(pooled, wfc_ref[...],
                    preferred_element_type=jnp.float32) + bfc_ref[...], 0.0)
        reg_ref[...] = jnp.dot(sfc, wreg_ref[...],
                               preferred_element_type=jnp.float32) + breg_ref[...]
        cls_ref[...] = jnp.dot(sfc, wcls_ref[...],
                               preferred_element_type=jnp.float32) + bcls_ref[...]


def _tc3(q, dinv_v, b2t, batch4, Wfc, bfc, Wreg, breg, Wcls, bcls):
    return pl.pallas_call(
        _tc3_body,
        out_shape=[jax.ShapeDtypeStruct((G, 2), jnp.float32),
                   jax.ShapeDtypeStruct((G, 2), jnp.float32)],
        grid=(GRID,),
        in_specs=[
            pl.BlockSpec((NC, BNV, 128), lambda i: (0, i, 0)),
            pl.BlockSpec((BNV, 128), lambda i: (i, 0)),
            pl.BlockSpec((1, 128), lambda i: (0, 0)),
            pl.BlockSpec((4, BNV), lambda i: (0, i)),
            pl.BlockSpec((H, H), lambda i: (0, 0)),
            pl.BlockSpec((1, H), lambda i: (0, 0)),
            pl.BlockSpec((H, 2), lambda i: (0, 0)),
            pl.BlockSpec((1, 2), lambda i: (0, 0)),
            pl.BlockSpec((H, 2), lambda i: (0, 0)),
            pl.BlockSpec((1, 2), lambda i: (0, 0)),
        ],
        out_specs=[pl.BlockSpec((G, 2), lambda i: (0, 0)),
                   pl.BlockSpec((G, 2), lambda i: (0, 0))],
        scratch_shapes=[pltpu.VMEM((G, H), jnp.float32),
                        pltpu.VMEM((G, 1), jnp.float32)],
    )(q, dinv_v, b2t, batch4, Wfc, bfc, Wreg, breg, Wcls, bcls)


def kernel(x, edge_index, batch, W1, b1, W2, b2, Wfc, bfc, Wreg, breg,
           Wcls, bcls):
    pad_ids = (N + (jnp.arange(EP - E, dtype=jnp.int32) % (NP - N)))
    srcp = jnp.concatenate([edge_index[0], pad_ids]).reshape(EP // CH, CH)
    dstp = jnp.concatenate([edge_index[1], pad_ids]).reshape(EP // CH, CH)
    batchp = jnp.concatenate([batch, jnp.full((NP - N,), G, jnp.int32)])
    batch4 = batchp.reshape(NPV, 4).T
    eye4 = jnp.eye(4, dtype=jnp.float32)
    W2k = jnp.kron(eye4, W2)
    b1t = jnp.tile(b1.reshape(1, H), (1, 4))
    b2t = jnp.tile(b2.reshape(1, H), (1, 4))

    deg = _deg_kernel(dstp)
    g1, dinv_v = _tc1(x, W1, deg)
    p = _scatter_kernel(g1, srcp, dstp).reshape(NC, NPV, 128)
    g2v = _tc2(p, dinv_v, b1t, W2k)
    q = _scatter_kernel(g2v.reshape(NP, H), srcp, dstp).reshape(NC, NPV, 128)
    reg, cls = _tc3(q, dinv_v, b2t, batch4,
                    Wfc, bfc.reshape(1, H), Wreg, breg.reshape(1, 2),
                    Wcls, bcls.reshape(1, 2))
    return (reg, cls)

# --- scband reference (transcript-rebuilt; emitter-appended) ---
"""Pipeline reference for scband-tau-gnnmulti-task-16638703305208 (READ-ONLY COPY).

The authoritative reference and input builder live on the scoring server;
editing this copy changes nothing except your own understanding.
"""

import jax, jax.numpy as jnp
import numpy as np

N = 10000
E = 160000
D = 256
H = 32
G = 64


def setup_inputs(seed: int = 0) -> dict:
    key = jax.random.key(seed)
    ks = jax.random.split(key, 14)
    x = jax.random.normal(ks[0], (N, D), dtype=jnp.float32)
    edge_index = jax.random.randint(ks[1], (2, E), 0, N, dtype=jnp.int32)
    batch = jnp.sort(jax.random.randint(ks[2], (N,), 0, G, dtype=jnp.int32))
    W1 = jax.random.normal(ks[3], (D, H), dtype=jnp.float32) * 0.05
    b1 = jnp.zeros((H,), dtype=jnp.float32)
    W2 = jax.random.normal(ks[4], (H, H), dtype=jnp.float32) * 0.05
    b2 = jnp.zeros((H,), dtype=jnp.float32)
    Wfc = jax.random.normal(ks[5], (H, H), dtype=jnp.float32) * 0.05
    bfc = jnp.zeros((H,), dtype=jnp.float32)
    Wreg = jax.random.normal(ks[6], (H, 2), dtype=jnp.float32) * 0.05
    breg = jnp.zeros((2,), dtype=jnp.float32)
    Wcls = jax.random.normal(ks[7], (H, 2), dtype=jnp.float32) * 0.05
    bcls = jnp.zeros((2,), dtype=jnp.float32)
    return {"x": x, "edge_index": edge_index, "batch": batch,
            "W1": W1, "b1": b1, "W2": W2, "b2": b2,
            "Wfc": Wfc, "bfc": bfc, "Wreg": Wreg, "breg": breg,
            "Wcls": Wcls, "bcls": bcls}


def _gcn_conv(x, edge_index, W, b):
    # GCNConv with self-loops and symmetric normalization (PyG default)
    loop = jnp.arange(N, dtype=edge_index.dtype)
    src = jnp.concatenate([edge_index[0], loop])
    dst = jnp.concatenate([edge_index[1], loop])
    deg = jnp.zeros((N,), dtype=x.dtype).at[dst].add(1.0)
    dinv = jnp.where(deg > 0, 1.0 / jnp.sqrt(deg), 0.0)
    norm = dinv[src] * dinv[dst]
    h = x @ W
    out = jnp.zeros((N, W.shape[1]), dtype=x.dtype).at[dst].add(h[src] * norm[:, None])
    return out + b


def reference(x, edge_index, batch, W1, b1, W2, b2, Wfc, bfc, Wreg, breg, Wcls, bcls):
    h = jax.nn.relu(_gcn_conv(x, edge_index, W1, b1))
    h = jax.nn.relu(_gcn_conv(h, edge_index, W2, b2))
    # global_mean_pool over batch assignment
    sums = jnp.zeros((G, H), dtype=h.dtype).at[batch].add(h)
    cnt = jnp.zeros((G,), dtype=h.dtype).at[batch].add(1.0)
    pooled = sums / jnp.maximum(cnt, 1.0)[:, None]
    s = jax.nn.relu(pooled @ Wfc + bfc)
    reg = s @ Wreg + breg
    cls = s @ Wcls + bcls
    return (reg, cls)

if __name__ == "__main__":
    import jax
    _d = setup_inputs()
    print(jax.jit(kernel)(*tuple(_d.values())))

</pallas_src>

<mosaic_0001>
#map = affine_map<(d0, d1) -> (0, 0)>
#map1 = affine_map<(d0, d1) -> (0, 0, 0)>
module attributes {stable_mosaic.version = 14 : i64} {
  func.func @_deg_kernel(%arg0: i32, %arg1: i32, %arg2: memref<1280x128xi32, #tpu.memory_space<hbm>>, %arg3: memref<2x80x128xf32, #tpu.memory_space<hbm>>, %arg4: memref<128xf32, #tpu.memory_space<vmem>>, %arg5: memref<40x128xi32, #tpu.memory_space<vmem>>, %arg6: memref<10240xf32, #tpu.memory_space<vmem_shared>>, %arg7: memref<!tpu.dma_semaphore, #tpu.memory_space<semaphore_mem>>, %arg8: memref<!tpu.dma_semaphore, #tpu.memory_space<semaphore_mem>>) attributes {dimension_semantics = [#tpu.dimension_semantics<core_parallel>, #tpu.dimension_semantics<subcore_parallel>], iteration_bounds = array<i64: 2, 16>, scalar_prefetch = 0 : i64, scratch_operands = 5 : i64, tpu.core_type = #tpu.core_type<sc_vector_subcore>, window_params = [{transform_indices = #map}, {transform_indices = #map1}]} {
    %mul3A = arith.constant 16 : i32
    %mul3A_0 = arith.muli %arg0, %mul3A : i32
    %add3A = arith.addi %mul3A_0, %arg1 : i32
    %broadcast_in_dim3A = arith.constant 0.000000e+00 : f32
    %broadcast_in_dim3A_1 = vector.broadcast %broadcast_in_dim3A : f32 to vector<16xf32>
    %swap3A = arith.constant 0 : index
    %swap3A_2 = tpu.vector_load %arg4[%swap3A] {strides = array<i32>} : memref<128xf32, #tpu.memory_space<vmem>>, vector<16xf32>,
    %swap3A_3 = vector.shape_cast %swap3A_2 : vector<16xf32> to vector<16xf32>
    %swap3A_4 = vector.shape_cast %broadcast_in_dim3A_1 : vector<16xf32> to vector<16xf32>
    tpu.vector_store %arg4[%swap3A], %swap3A_4 {strides = array<i32>} : memref<128xf32, #tpu.memory_space<vmem>>, vector<16xf32>,
    %swap3A_5 = arith.constant 16 : index
    %swap3A_6 = tpu.vector_load %arg4[%swap3A_5] {strides = array<i32>} : memref<128xf32, #tpu.memory_space<vmem>>, vector<16xf32>,
    %swap3A_7 = vector.shape_cast %swap3A_6 : vector<16xf32> to vector<16xf32>
    %swap3A_8 = vector.shape_cast %broadcast_in_dim3A_1 : vector<16xf32> to vector<16xf32>
    tpu.vector_store %arg4[%swap3A_5], %swap3A_8 {strides = array<i32>} : memref<128xf32, #tpu.memory_space<vmem>>, vector<16xf32>,
    %swap3A_9 = arith.constant 32 : index
    %swap3A_10 = tpu.vector_load %arg4[%swap3A_9] {strides = array<i32>} : memref<128xf32, #tpu.memory_space<vmem>>, vector<16xf32>,
    %swap3A_11 = vector.shape_cast %swap3A_10 : vector<16xf32> to vector<16xf32>
    %swap3A_12 = vector.shape_cast %broadcast_in_dim3A_1 : vector<16xf32> to vector<16xf32>
    tpu.vector_store %arg4[%swap3A_9], %swap3A_12 {strides = array<i32>} : memref<128xf32, #tpu.memory_space<vmem>>, vector<16xf32>,
    %swap3A_13 = arith.constant 48 : index
    %swap3A_14 = tpu.vector_load %arg4[%swap3A_13] {strides = array<i32>} : memref<128xf32, #tpu.memory_space<vmem>>, vector<16xf32>,
    %swap3A_15 = vector.shape_cast %swap3A_14 : vector<16xf32> to vector<16xf32>
    %swap3A_16 = vector.shape_cast %broadcast_in_dim3A_1 : vector<16xf32> to vector<16xf32>
    tpu.vector_store %arg4[%swap3A_13], %swap3A_16 {strides = array<i32>} : memref<128xf32, #tpu.memory_space<vmem>>, vector<16xf32>,
    %swap3A_17 = arith.constant 64 : index
    %swap3A_18 = tpu.vector_load %arg4[%swap3A_17] {strides = array<i32>} : memref<128xf32, #tpu.memory_space<vmem>>, vector<16xf32>,
    %swap3A_19 = vector.shape_cast %swap3A_18 : vector<16xf32> to vector<16xf32>
    %swap3A_20 = vector.shape_cast %broadcast_in_dim3A_1 : vector<16xf32> to vector<16xf32>
    tpu.vector_store %arg4[%swap3A_17], %swap3A_20 {strides = array<i32>} : memref<128xf32, #tpu.memory_space<vmem>>, vector<16xf32>,
    %swap3A_21 = arith.constant 80 : index
    %swap3A_22 = tpu.vector_load %arg4[%swap3A_21] {strides = array<i32>} : memref<128xf32, #tpu.memory_space<vmem>>, vector<16xf32>,
    %swap3A_23 = vector.shape_cast %swap3A_22 : vector<16xf32> to vector<16xf32>
    %swap3A_24 = vector.shape_cast %broadcast_in_dim3A_1 : vector<16xf32> to vector<16xf32>
    tpu.vector_store %arg4[%swap3A_21], %swap3A_24 {strides = array<i32>} : memref<128xf32, #tpu.memory_space<vmem>>, vector<16xf32>,
    %swap3A_25 = arith.constant 96 : index
    %swap3A_26 = tpu.vector_load %arg4[%swap3A_25] {strides = array<i32>} : memref<128xf32, #tpu.memory_space<vmem>>, vector<16xf32>,
    %swap3A_27 = vector.shape_cast %swap3A_26 : vector<16xf32> to vector<16xf32>
    %swap3A_28 = vector.shape_cast %broadcast_in_dim3A_1 : vector<16xf32> to vector<16xf32>
    tpu.vector_store %arg4[%swap3A_25], %swap3A_28 {strides = array<i32>} : memref<128xf32, #tpu.memory_space<vmem>>, vector<16xf32>,
    %swap3A_29 = arith.constant 112 : index
    %swap3A_30 = tpu.vector_load %arg4[%swap3A_29] {strides = array<i32>} : memref<128xf32, #tpu.memory_space<vmem>>, vector<16xf32>,
    %swap3A_31 = vector.shape_cast %swap3A_30 : vector<16xf32> to vector<16xf32>
    %swap3A_32 = vector.shape_cast %broadcast_in_dim3A_1 : vector<16xf32> to vector<16xf32>
    tpu.vector_store %arg4[%swap3A_29], %swap3A_32 {strides = array<i32>} : memref<128xf32, #tpu.memory_space<vmem>>, vector<16xf32>,
    %scan3A = arith.constant 0 : i32
    %scan3A_33 = arith.constant 5 : i32
    %scan3A_34 = arith.addi %scan3A, %scan3A_33 : i32
    %scan3A_35 = arith.constant 1 : i32
    scf.for %scan3A_89 = %scan3A to %scan3A_34 step %scan3A_35  : i32 {
      %mul3A_90 = arith.constant 640 : i32
      %mul3A_91 = arith.muli %arg1, %mul3A_90 : i32
      %mul3A_92 = arith.constant 128 : i32
      %mul3A_93 = arith.muli %scan3A_89, %mul3A_92 : i32
      %add3A_94 = arith.addi %mul3A_91, %mul3A_93 : i32
      "tpu.region"() ({
        %run_scoped3A = tpu.sem_alloc : memref<!tpu.dma_semaphore, #tpu.memory_space<semaphore_mem>>
        %dma_start3A_95 = tpu.memref_slice %arg6[%add3A_94] : memref<10240xf32, #tpu.memory_space<vmem_shared>> -> memref<128xf32, #tpu.memory_space<vmem_shared>>
        %dma_start3A_96 = tpu.memref_slice %arg6[%add3A_94] : memref<10240xf32, #tpu.memory_space<vmem_shared>> -> memref<128xf32, #tpu.memory_space<vmem_shared>>
        tpu.enqueue_dma source(%arg4 : memref<128xf32, #tpu.memory_space<vmem>>) target(%dma_start3A_96 : memref<128xf32, #tpu.memory_space<vmem_shared>>) target_semaphore(%run_scoped3A : memref<!tpu.dma_semaphore, #tpu.memory_space<semaphore_mem>>)
        %dma_wait3A = tpu.memref_slice %arg6[%add3A_94] : memref<10240xf32, #tpu.memory_space<vmem_shared>> -> memref<128xf32, #tpu.memory_space<vmem_shared>>
        %dma_wait3A_97 = tpu.memref_slice %arg6[%add3A_94] : memref<10240xf32, #tpu.memory_space<vmem_shared>> -> memref<128xf32, #tpu.memory_space<vmem_shared>>
        tpu.wait_dma2 semaphore(%run_scoped3A : memref<!tpu.dma_semaphore, #tpu.memory_space<semaphore_mem>>) src(%arg4 : memref<128xf32, #tpu.memory_space<vmem>>) dst(%dma_wait3A_97 : memref<128xf32, #tpu.memory_space<vmem_shared>>)
        tpu.yield
      }) : () -> ()
    }
    %scan3A_36 = arith.constant 5 : i32
    %broadcast_in_dim3A_37 = arith.constant 1.000000e+00 : f32
    %broadcast_in_dim3A_38 = vector.broadcast %broadcast_in_dim3A_37 : f32 to vector<16xf32>
    %swap3A_39 = arith.constant 0 : index
    %swap3A_40 = tpu.vector_load %arg4[%swap3A_39] {strides = array<i32>} : memref<128xf32, #tpu.memory_space<vmem>>, vector<16xf32>,
    %swap3A_41 = vector.shape_cast %swap3A_40 : vector<16xf32> to vector<16xf32>
    %swap3A_42 = vector.shape_cast %broadcast_in_dim3A_38 : vector<16xf32> to vector<16xf32>
    tpu.vector_store %arg4[%swap3A_39], %swap3A_42 {strides = array<i32>} : memref<128xf32, #tpu.memory_space<vmem>>, vector<16xf32>,
    %swap3A_43 = arith.constant 16 : index
    %swap3A_44 = tpu.vector_load %arg4[%swap3A_43] {strides = array<i32>} : memref<128xf32, #tpu.memory_space<vmem>>, vector<16xf32>,
    %swap3A_45 = vector.shape_cast %swap3A_44 : vector<16xf32> to vector<16xf32>
    %swap3A_46 = vector.shape_cast %broadcast_in_dim3A_38 : vector<16xf32> to vector<16xf32>
    tpu.vector_store %arg4[%swap3A_43], %swap3A_46 {strides = array<i32>} : memref<128xf32, #tpu.memory_space<vmem>>, vector<16xf32>,
    %swap3A_47 = arith.constant 32 : index
    %swap3A_48 = tpu.vector_load %arg4[%swap3A_47] {strides = array<i32>} : memref<128xf32, #tpu.memory_space<vmem>>, vector<16xf32>,
    %swap3A_49 = vector.shape_cast %swap3A_48 : vector<16xf32> to vector<16xf32>
    %swap3A_50 = vector.shape_cast %broadcast_in_dim3A_38 : vector<16xf32> to vector<16xf32>
    tpu.vector_store %arg4[%swap3A_47], %swap3A_50 {strides = array<i32>} : memref<128xf32, #tpu.memory_space<vmem>>, vector<16xf32>,
    %swap3A_51 = arith.constant 48 : index
    %swap3A_52 = tpu.vector_load %arg4[%swap3A_51] {strides = array<i32>} : memref<128xf32, #tpu.memory_space<vmem>>, vector<16xf32>,
    %swap3A_53 = vector.shape_cast %swap3A_52 : vector<16xf32> to vector<16xf32>
    %swap3A_54 = vector.shape_cast %broadcast_in_dim3A_38 : vector<16xf32> to vector<16xf32>
    tpu.vector_store %arg4[%swap3A_51], %swap3A_54 {strides = array<i32>} : memref<128xf32, #tpu.memory_space<vmem>>, vector<16xf32>,
    %swap3A_55 = arith.constant 64 : index
    %swap3A_56 = tpu.vector_load %arg4[%swap3A_55] {strides = array<i32>} : memref<128xf32, #tpu.memory_space<vmem>>, vector<16xf32>,
    %swap3A_57 = vector.shape_cast %swap3A_56 : vector<16xf32> to vector<16xf32>
    %swap3A_58 = vector.shape_cast %broadcast_in_dim3A_38 : vector<16xf32> to vector<16xf32>
    tpu.vector_store %arg4[%swap3A_55], %swap3A_58 {strides = array<i32>} : memref<128xf32, #tpu.memory_space<vmem>>, vector<16xf32>,
    %swap3A_59 = arith.constant 80 : index
    %swap3A_60 = tpu.vector_load %arg4[%swap3A_59] {strides = array<i32>} : memref<128xf32, #tpu.memory_space<vmem>>, vector<16xf32>,
    %swap3A_61 = vector.shape_cast %swap3A_60 : vector<16xf32> to vector<16xf32>
    %swap3A_62 = vector.shape_cast %broadcast_in_dim3A_38 : vector<16xf32> to vector<16xf32>
    tpu.vector_store %arg4[%swap3A_59], %swap3A_62 {strides = array<i32>} : memref<128xf32, #tpu.memory_space<vmem>>, vector<16xf32>,
    %swap3A_63 = arith.constant 96 : index
    %swap3A_64 = tpu.vector_load %arg4[%swap3A_63] {strides = array<i32>} : memref<128xf32, #tpu.memory_space<vmem>>, vector<16xf32>,
    %swap3A_65 = vector.shape_cast %swap3A_64 : vector<16xf32> to vector<16xf32>
    %swap3A_66 = vector.shape_cast %broadcast_in_dim3A_38 : vector<16xf32> to vector<16xf32>
    tpu.vector_store %arg4[%swap3A_63], %swap3A_66 {strides = array<i32>} : memref<128xf32, #tpu.memory_space<vmem>>, vector<16xf32>,
    %swap3A_67 = arith.constant 112 : index
    %swap3A_68 = tpu.vector_load %arg4[%swap3A_67] {strides = array<i32>} : memref<128xf32, #tpu.memory_space<vmem>>, vector<16xf32>,
    %swap3A_69 = vector.shape_cast %swap3A_68 : vector<16xf32> to vector<16xf32>
    %swap3A_70 = vector.shape_cast %broadcast_in_dim3A_38 : vector<16xf32> to vector<16xf32>
    tpu.vector_store %arg4[%swap3A_67], %swap3A_70 {strides = array<i32>} : memref<128xf32, #tpu.memory_space<vmem>>, vector<16xf32>,
    %mul3A_71 = arith.constant 40 : i32
    %mul3A_72 = arith.muli %add3A, %mul3A_71 : i32
    "tpu.region"() ({
      %run_scoped3A = tpu.sem_alloc : memref<!tpu.dma_semaphore, #tpu.memory_space<semaphore_mem>>
      %dma_start3A_89 = arith.constant 0 : i32
      %dma_start3A_90 = tpu.memref_slice %arg2[%mul3A_72, %dma_start3A_89] : memref<1280x128xi32, #tpu.memory_space<hbm>> -> memref<40x128xi32, #tpu.memory_space<hbm>>
      %dma_start3A_91 = arith.constant 0 : i32
      %dma_start3A_92 = tpu.memref_slice %arg2[%mul3A_72, %dma_start3A_91] : memref<1280x128xi32, #tpu.memory_space<hbm>> -> memref<40x128xi32, #tpu.memory_space<hbm>>
      tpu.enqueue_dma source(%dma_start3A_92 : memref<40x128xi32, #tpu.memory_space<hbm>>) target(%arg5 : memref<40x128xi32, #tpu.memory_space<vmem>>) target_semaphore(%run_scoped3A : memref<!tpu.dma_semaphore, #tpu.memory_space<semaphore_mem>>)
      %dma_wait3A = arith.constant 0 : i32
      %dma_wait3A_93 = tpu.memref_slice %arg2[%mul3A_72, %dma_wait3A] : memref<1280x128xi32, #tpu.memory_space<hbm>> -> memref<40x128xi32, #tpu.memory_space<hbm>>
      %dma_wait3A_94 = arith.constant 0 : i32
      %dma_wait3A_95 = tpu.memref_slice %arg2[%mul3A_72, %dma_wait3A_94] : memref<1280x128xi32, #tpu.memory_space<hbm>> -> memref<40x128xi32, #tpu.memory_space<hbm>>
      tpu.wait_dma2 semaphore(%run_scoped3A : memref<!tpu.dma_semaphore, #tpu.memory_space<semaphore_mem>>) src(%dma_wait3A_95 : memref<40x128xi32, #tpu.memory_space<hbm>>) dst(%arg5 : memref<40x128xi32, #tpu.memory_space<vmem>>)
      tpu.yield
    }) : () -> ()
    %barrier3A = arith.constant 0 : index
    tpu.barrier barrier_id(%barrier3A)
    %dma_start3A = arith.constant 0 : i32
    %dma_start3A_73 = arith.constant 0 : i32
    %dma_start3A_74 = tpu.memref_slice %arg5[%dma_start3A, %dma_start3A_73] : memref<40x128xi32, #tpu.memory_space<vmem>> -> memref<1x128xi32, #tpu.memory_space<vmem>>
    %dma_start3A_75 = tpu.memref_squeeze %dma_start3A_74 : memref<1x128xi32, #tpu.memory_space<vmem>> -> memref<128xi32, #tpu.memory_space<vmem>>
    %dma_start3A_76 = arith.constant 0 : i32
    %dma_start3A_77 = tpu.memref_slice %arg6[%dma_start3A_76] : memref<10240xf32, #tpu.memory_space<vmem_shared>> -> memref<10240xf32, #tpu.memory_space<vmem_shared>>
    tpu.enqueue_indirect_dma source(%arg4 : memref<128xf32, #tpu.memory_space<vmem>>) target(%dma_start3A_77 : memref<10240xf32, #tpu.memory_space<vmem_shared>>) offsets(%dma_start3A_75 : memref<128xi32, #tpu.memory_space<vmem>>) semaphore(%arg7 : memref<!tpu.dma_semaphore, #tpu.memory_space<semaphore_mem>>) {add = true}
    %scan3A_78 = arith.constant 0 : i32
    %scan3A_79 = arith.constant 20 : i32
    %scan3A_80 = arith.addi %scan3A_78, %scan3A_79 : i32
    %scan3A_81 = arith.constant 1 : i32
    scf.for %scan3A_89 = %scan3A_78 to %scan3A_80 step %scan3A_81  : i32 {
      %mul3A_90 = arith.constant 2 : i32
      %mul3A_91 = arith.muli %mul3A_90, %scan3A_89 : i32
      %add3A_92 = arith.constant 1 : i32
      %add3A_93 = arith.addi %mul3A_91, %add3A_92 : i32
      %dma_start3A_94 = arith.constant 0 : i32
      %dma_start3A_95 = tpu.memref_slice %arg5[%add3A_93, %dma_start3A_94] : memref<40x128xi32, #tpu.memory_space<vmem>> -> memref<1x128xi32, #tpu.memory_space<vmem>>
      %dma_start3A_96 = tpu.memref_squeeze %dma_start3A_95 : memref<1x128xi32, #tpu.memory_space<vmem>> -> memref<128xi32, #tpu.memory_space<vmem>>
      %dma_start3A_97 = arith.constant 0 : i32
      %dma_start3A_98 = tpu.memref_slice %arg6[%dma_start3A_97] : memref<10240xf32, #tpu.memory_space<vmem_shared>> -> memref<10240xf32, #tpu.memory_space<vmem_shared>>
      tpu.enqueue_indirect_dma source(%arg4 : memref<128xf32, #tpu.memory_space<vmem>>) target(%dma_start3A_98 : memref<10240xf32, #tpu.memory_space<vmem_shared>>) offsets(%dma_start3A_96 : memref<128xi32, #tpu.memory_space<vmem>>) semaphore(%arg8 : memref<!tpu.dma_semaphore, #tpu.memory_space<semaphore_mem>>) {add = true}
      %dma_wait3A = arith.constant 0 : i32
      %dma_wait3A_99 = tpu.memref_slice %arg5[%mul3A_91, %dma_wait3A] : memref<40x128xi32, #tpu.memory_space<vmem>> -> memref<1x128xi32, #tpu.memory_space<vmem>>
      %dma_wait3A_100 = tpu.memref_squeeze %dma_wait3A_99 : memref<1x128xi32, #tpu.memory_space<vmem>> -> memref<128xi32, #tpu.memory_space<vmem>>
      %dma_wait3A_101 = arith.constant 0 : i32
      %dma_wait3A_102 = tpu.memref_slice %arg6[%dma_wait3A_101] : memref<10240xf32, #tpu.memory_space<vmem_shared>> -> memref<10240xf32, #tpu.memory_space<vmem_shared>>
      tpu.wait_indirect_dma semaphore(%arg7 : memref<!tpu.dma_semaphore, #tpu.memory_space<semaphore_mem>>) src(%arg4 : memref<128xf32, #tpu.memory_space<vmem>>) dst(%dma_wait3A_102 : memref<10240xf32, #tpu.memory_space<vmem_shared>>)
      %add3A_103 = arith.constant 2 : i32
      %add3A_104 = arith.addi %mul3A_91, %add3A_103 : i32
      %lt3A = arith.constant 40 : i32
      %lt3A_105 = arith.cmpi slt, %add3A_104, %lt3A : i32
      %convert_element_type3A = arith.extui %lt3A_105 : i1 to i32
      %cond3A = arith.constant 0 : i32
      %cond3A_106 = arith.cmpi ne, %convert_element_type3A, %cond3A : i32
      scf.if %cond3A_106 {
        %add3A_114 = arith.constant 2 : i32
        %add3A_115 = arith.addi %mul3A_91, %add3A_114 : i32
        %dma_start3A_116 = arith.constant 0 : i32
        %dma_start3A_117 = tpu.memref_slice %arg5[%add3A_115, %dma_start3A_116] : memref<40x128xi32, #tpu.memory_space<vmem>> -> memref<1x128xi32, #tpu.memory_space<vmem>>
        %dma_start3A_118 = tpu.memref_squeeze %dma_start3A_117 : memref<1x128xi32, #tpu.memory_space<vmem>> -> memref<128xi32, #tpu.memory_space<vmem>>
        %dma_start3A_119 = arith.constant 0 : i32
        %dma_start3A_120 = tpu.memref_slice %arg6[%dma_start3A_119] : memref<10240xf32, #tpu.memory_space<vmem_shared>> -> memref<10240xf32, #tpu.memory_space<vmem_shared>>
        tpu.enqueue_indirect_dma source(%arg4 : memref<128xf32, #tpu.memory_space<vmem>>) target(%dma_start3A_120 : memref<10240xf32, #tpu.memory_space<vmem_shared>>) offsets(%dma_start3A_118 : memref<128xi32, #tpu.memory_space<vmem>>) semaphore(%arg7 : memref<!tpu.dma_semaphore, #tpu.memory_space<semaphore_mem>>) {add = true}
      } else {
      }
      %add3A_107 = arith.constant 1 : i32
      %add3A_108 = arith.addi %mul3A_91, %add3A_107 : i32
      %dma_wait3A_109 = arith.constant 0 : i32
      %dma_wait3A_110 = tpu.memref_slice %arg5[%add3A_108, %dma_wait3A_109] : memref<40x128xi32, #tpu.memory_space<vmem>> -> memref<1x128xi32, #tpu.memory_space<vmem>>
      %dma_wait3A_111 = tpu.memref_squeeze %dma_wait3A_110 : memref<1x128xi32, #tpu.memory_space<vmem>> -> memref<128xi32, #tpu.memory_space<vmem>>
      %dma_wait3A_112 = arith.constant 0 : i32
      %dma_wait3A_113 = tpu.memref_slice %arg6[%dma_wait3A_112] : memref<10240xf32, #tpu.memory_space<vmem_shared>> -> memref<10240xf32, #tpu.memory_space<vmem_shared>>
      tpu.wait_indirect_dma semaphore(%arg8 : memref<!tpu.dma_semaphore, #tpu.memory_space<semaphore_mem>>) src(%arg4 : memref<128xf32, #tpu.memory_space<vmem>>) dst(%dma_wait3A_113 : memref<10240xf32, #tpu.memory_space<vmem_shared>>)
    }
    %scan3A_82 = arith.constant 20 : i32
    %barrier3A_83 = arith.constant 0 : index
    tpu.barrier barrier_id(%barrier3A_83)
    %scan3A_84 = arith.constant 0 : i32
    %scan3A_85 = arith.constant 5 : i32
    %scan3A_86 = arith.addi %scan3A_84, %scan3A_85 : i32
    %scan3A_87 = arith.constant 1 : i32
    scf.for %scan3A_89 = %scan3A_84 to %scan3A_86 step %scan3A_87  : i32 {
      %mul3A_90 = arith.constant 640 : i32
      %mul3A_91 = arith.muli %arg1, %mul3A_90 : i32
      %mul3A_92 = arith.constant 128 : i32
      %mul3A_93 = arith.muli %scan3A_89, %mul3A_92 : i32
      %add3A_94 = arith.addi %mul3A_91, %mul3A_93 : i32
      %mul3A_95 = arith.constant 5 : i32
      %mul3A_96 = arith.muli %arg1, %mul3A_95 : i32
      %add3A_97 = arith.addi %mul3A_96, %scan3A_89 : i32
      "tpu.region"() ({
        %run_scoped3A = tpu.sem_alloc : memref<!tpu.dma_semaphore, #tpu.memory_space<semaphore_mem>>
        %dma_start3A_98 = arith.constant 0 : i32
        %dma_start3A_99 = tpu.memref_slice %arg3[%arg0, %add3A_97, %dma_start3A_98] : memref<2x80x128xf32, #tpu.memory_space<hbm>> -> memref<1x1x128xf32, #tpu.memory_space<hbm>>
        %dma_start3A_100 = tpu.memref_squeeze %dma_start3A_99 : memref<1x1x128xf32, #tpu.memory_space<hbm>> -> memref<128xf32, #tpu.memory_space<hbm>>
        %dma_start3A_101 = tpu.memref_slice %arg6[%add3A_94] : memref<10240xf32, #tpu.memory_space<vmem_shared>> -> memref<128xf32, #tpu.memory_space<vmem_shared>>
        tpu.enqueue_dma source(%dma_start3A_101 : memref<128xf32, #tpu.memory_space<vmem_shared>>) target(%dma_start3A_100 : memref<128xf32, #tpu.memory_space<hbm>>) target_semaphore(%run_scoped3A : memref<!tpu.dma_semaphore, #tpu.memory_space<semaphore_mem>>)
        %dma_wait3A = arith.constant 0 : i32
        %dma_wait3A_102 = tpu.memref_slice %arg3[%arg0, %add3A_97, %dma_wait3A] : memref<2x80x128xf32, #tpu.memory_space<hbm>> -> memref<1x1x128xf32, #tpu.memory_space<hbm>>
        %dma_wait3A_103 = tpu.memref_squeeze %dma_wait3A_102 : memref<1x1x128xf32, #tpu.memory_space<hbm>> -> memref<128xf32, #tpu.memory_space<hbm>>
        %dma_wait3A_104 = tpu.memref_slice %arg6[%add3A_94] : memref<10240xf32, #tpu.memory_space<vmem_shared>> -> memref<128xf32, #tpu.memory_space<vmem_shared>>
        tpu.wait_dma2 semaphore(%run_scoped3A : memref<!tpu.dma_semaphore, #tpu.memory_space<semaphore_mem>>) src(%dma_wait3A_104 : memref<128xf32, #tpu.memory_space<vmem_shared>>) dst(%dma_wait3A_103 : memref<128xf32, #tpu.memory_space<hbm>>)
        tpu.yield
      }) : () -> ()
    }
    %scan3A_88 = arith.constant 5 : i32
    return
  }
}

#map = affine_map<(d0, d1) -> (0, 0)>
#map1 = affine_map<(d0, d1) -> (0, 0, 0)>
module attributes {stable_mosaic.version = 14 : i64} {
  func.func @_scatter_kernel(%arg0: i32, %arg1: i32, %arg2: memref<10240x32xf32, #tpu.memory_space<hbm>>, %arg3: memref<1280x128xi32, #tpu.memory_space<hbm>>, %arg4: memref<1280x128xi32, #tpu.memory_space<hbm>>, %arg5: memref<2x10240x32xf32, #tpu.memory_space<hbm>>, %arg6: memref<40x128xi32, #tpu.memory_space<vmem>>, %arg7: memref<40x128xi32, #tpu.memory_space<vmem>>, %arg8: memref<128x32xf32, #tpu.memory_space<vmem>>, %arg9: memref<128x32xf32, #tpu.memory_space<vmem>>, %arg10: memref<128x32xf32, #tpu.memory_space<vmem>>, %arg11: memref<128x32xf32, #tpu.memory_space<vmem>>, %arg12: memref<128x32xf32, #tpu.memory_space<vmem>>, %arg13: memref<128x32xf32, #tpu.memory_space<vmem>>, %arg14: memref<128x32xf32, #tpu.memory_space<vmem>>, %arg15: memref<128x32xf32, #tpu.memory_space<vmem>>, %arg16: memref<10240x32xf32, #tpu.memory_space<vmem_shared>>, %arg17: memref<10240x32xf32, #tpu.memory_space<vmem_shared>>, %arg18: memref<!tpu.dma_semaphore, #tpu.memory_space<semaphore_mem>>, %arg19: memref<!tpu.dma_semaphore, #tpu.memory_space<semaphore_mem>>, %arg20: memref<!tpu.dma_semaphore, #tpu.memory_space<semaphore_mem>>, %arg21: memref<!tpu.dma_semaphore, #tpu.memory_space<semaphore_mem>>, %arg22: memref<!tpu.dma_semaphore, #tpu.memory_space<semaphore_mem>>, %arg23: memref<!tpu.dma_semaphore, #tpu.memory_space<semaphore_mem>>, %arg24: memref<!tpu.dma_semaphore, #tpu.memory_space<semaphore_mem>>, %arg25: memref<!tpu.dma_semaphore, #tpu.memory_space<semaphore_mem>>, %arg26: memref<!tpu.dma_semaphore, #tpu.memory_space<semaphore_mem>>, %arg27: memref<!tpu.dma_semaphore, #tpu.memory_space<semaphore_mem>>, %arg28: memref<!tpu.dma_semaphore, #tpu.memory_space<semaphore_mem>>, %arg29: memref<!tpu.dma_semaphore, #tpu.memory_space<semaphore_mem>>, %arg30: memref<!tpu.dma_semaphore, #tpu.memory_space<semaphore_mem>>, %arg31: memref<!tpu.dma_semaphore, #tpu.memory_space<semaphore_mem>>, %arg32: memref<!tpu.dma_semaphore, #tpu.memory_space<semaphore_mem>>, %arg33: memref<!tpu.dma_semaphore, #tpu.memory_space<semaphore_mem>>) attributes {dimension_semantics = [#tpu.dimension_semantics<core_parallel>, #tpu.dimension_semantics<subcore_parallel>], iteration_bounds = array<i64: 2, 16>, scalar_prefetch = 0 : i64, scratch_operands = 28 : i64, tpu.core_type = #tpu.core_type<sc_vector_subcore>, window_params = [{transform_indices = #map}, {transform_indices = #map}, {transform_indices = #map}, {transform_indices = #map1}]} {
    %mul3A = arith.constant 16 : i32
    %mul3A_0 = arith.muli %arg0, %mul3A : i32
    %add3A = arith.addi %mul3A_0, %arg1 : i32
    %broadcast_in_dim3A = arith.constant 0.000000e+00 : f32
    %broadcast_in_dim3A_1 = vector.broadcast %broadcast_in_dim3A : f32 to vector<16xf32>
    %scan3A = arith.constant 0 : i32
    %scan3A_2 = arith.constant 128 : i32
    %scan3A_3 = arith.addi %scan3A, %scan3A_2 : i32
    %scan3A_4 = arith.constant 1 : i32
    scf.for %scan3A_144 = %scan3A to %scan3A_3 step %scan3A_4  : i32 {
      %swap3A = arith.index_cast %scan3A_144 : i32 to index
      %swap3A_145 = arith.constant 0 : index
      %swap3A_146 = tpu.vector_load %arg8[%swap3A, %swap3A_145] {strides = array<i32>} : memref<128x32xf32, #tpu.memory_space<vmem>>, vector<1x16xf32>,
      %swap3A_147 = vector.shape_cast %swap3A_146 : vector<1x16xf32> to vector<16xf32>
      %swap3A_148 = vector.shape_cast %broadcast_in_dim3A_1 : vector<16xf32> to vector<1x16xf32>
      tpu.vector_store %arg8[%swap3A, %swap3A_145], %swap3A_148 {strides = array<i32>} : memref<128x32xf32, #tpu.memory_space<vmem>>, vector<1x16xf32>,
      %swap3A_149 = arith.index_cast %scan3A_144 : i32 to index
      %swap3A_150 = arith.constant 16 : index
      %swap3A_151 = tpu.vector_load %arg8[%swap3A_149, %swap3A_150] {strides = array<i32>} : memref<128x32xf32, #tpu.memory_space<vmem>>, vector<1x16xf32>,
      %swap3A_152 = vector.shape_cast %swap3A_151 : vector<1x16xf32> to vector<16xf32>
      %swap3A_153 = vector.shape_cast %broadcast_in_dim3A_1 : vector<16xf32> to vector<1x16xf32>
      tpu.vector_store %arg8[%swap3A_149, %swap3A_150], %swap3A_153 {strides = array<i32>} : memref<128x32xf32, #tpu.memory_space<vmem>>, vector<1x16xf32>,
    }
    %scan3A_5 = arith.constant 128 : i32
    %mul3A_6 = arith.constant 640 : i32
    %mul3A_7 = arith.muli %arg1, %mul3A_6 : i32
    %eq3A = arith.constant 0 : i32
    %eq3A_8 = arith.cmpi eq, %arg0, %eq3A : i32
    %convert_element_type3A = arith.extui %eq3A_8 : i1 to i32
    %cond3A = arith.constant 0 : i32
    %cond3A_9 = arith.cmpi ne, %convert_element_type3A, %cond3A : i32
    scf.if %cond3A_9 {
      %dma_start3A_144 = arith.constant 0 : i32
      %dma_start3A_145 = tpu.memref_slice %arg16[%mul3A_7, %dma_start3A_144] : memref<10240x32xf32, #tpu.memory_space<vmem_shared>> -> memref<640x32xf32, #tpu.memory_space<vmem_shared>>
      %dma_start3A_146 = arith.constant 0 : i32
      %dma_start3A_147 = tpu.memref_slice %arg2[%mul3A_7, %dma_start3A_146] : memref<10240x32xf32, #tpu.memory_space<hbm>> -> memref<640x32xf32, #tpu.memory_space<hbm>>
      tpu.enqueue_dma source(%dma_start3A_147 : memref<640x32xf32, #tpu.memory_space<hbm>>) target(%dma_start3A_145 : memref<640x32xf32, #tpu.memory_space<vmem_shared>>) target_semaphore(%arg31 : memref<!tpu.dma_semaphore, #tpu.memory_space<semaphore_mem>>)
    } else {
    }
    %ne3A = arith.constant 0 : i32
    %ne3A_10 = arith.cmpi ne, %arg0, %ne3A : i32
    %convert_element_type3A_11 = arith.extui %ne3A_10 : i1 to i32
    %cond3A_12 = arith.constant 0 : i32
    %cond3A_13 = arith.cmpi ne, %convert_element_type3A_11, %cond3A_12 : i32
    scf.if %cond3A_13 {
      %add3A_144 = arith.constant 0 : i32
      %add3A_145 = arith.addi %mul3A_7, %add3A_144 : i32
      %dma_start3A_146 = arith.constant 0 : i32
      %dma_start3A_147 = tpu.memref_slice %arg16[%add3A_145, %dma_start3A_146] : memref<10240x32xf32, #tpu.memory_space<vmem_shared>> -> memref<128x32xf32, #tpu.memory_space<vmem_shared>>
      %dma_start3A_148 = arith.constant 0 : i32
      %dma_start3A_149 = tpu.memref_slice %arg16[%add3A_145, %dma_start3A_148] : memref<10240x32xf32, #tpu.memory_space<vmem_shared>> -> memref<128x32xf32, #tpu.memory_space<vmem_shared>>
      tpu.enqueue_dma source(%arg8 : memref<128x32xf32, #tpu.memory_space<vmem>>) target(%dma_start3A_149 : memref<128x32xf32, #tpu.memory_space<vmem_shared>>) target_semaphore(%arg26 : memref<!tpu.dma_semaphore, #tpu.memory_space<semaphore_mem>>)
      %add3A_150 = arith.constant 128 : i32
      %add3A_151 = arith.addi %mul3A_7, %add3A_150 : i32
      %dma_start3A_152 = arith.constant 0 : i32
      %dma_start3A_153 = tpu.memref_slice %arg16[%add3A_151, %dma_start3A_152] : memref<10240x32xf32, #tpu.memory_space<vmem_shared>> -> memref<128x32xf32, #tpu.memory_space<vmem_shared>>
      %dma_start3A_154 = arith.constant 0 : i32
      %dma_start3A_155 = tpu.memref_slice %arg16[%add3A_151, %dma_start3A_154] : memref<10240x32xf32, #tpu.memory_space<vmem_shared>> -> memref<128x32xf32, #tpu.memory_space<vmem_shared>>
      tpu.enqueue_dma source(%arg8 : memref<128x32xf32, #tpu.memory_space<vmem>>) target(%dma_start3A_155 : memref<128x32xf32, #tpu.memory_space<vmem_shared>>) target_semaphore(%arg27 : memref<!tpu.dma_semaphore, #tpu.memory_space<semaphore_mem>>)
      %add3A_156 = arith.constant 256 : i32
      %add3A_157 = arith.addi %mul3A_7, %add3A_156 : i32
      %dma_start3A_158 = arith.constant 0 : i32
      %dma_start3A_159 = tpu.memref_slice %arg16[%add3A_157, %dma_start3A_158] : memref<10240x32xf32, #tpu.memory_space<vmem_shared>> -> memref<128x32xf32, #tpu.memory_space<vmem_shared>>
      %dma_start3A_160 = arith.constant 0 : i32
      %dma_start3A_161 = tpu.memref_slice %arg16[%add3A_157, %dma_start3A_160] : memref<10240x32xf32, #tpu.memory_space<vmem_shared>> -> memref<128x32xf32, #tpu.memory_space<vmem_shared>>
      tpu.enqueue_dma source(%arg8 : memref<128x32xf32, #tpu.memory_space<vmem>>) target(%dma_start3A_161 : memref<128x32xf32, #tpu.memory_space<vmem_shared>>) target_semaphore(%arg28 : memref<!tpu.dma_semaphore, #tpu.memory_space<semaphore_mem>>)
      %add3A_162 = arith.constant 384 : i32
      %add3A_163 = arith.addi %mul3A_7, %add3A_162 : i32
      %dma_start3A_164 = arith.constant 0 : i32
      %dma_start3A_165 = tpu.memref_slice %arg16[%add3A_163, %dma_start3A_164] : memref<10240x32xf32, #tpu.memory_space<vmem_shared>> -> memref<128x32xf32, #tpu.memory_space<vmem_shared>>
      %dma_start3A_166 = arith.constant 0 : i32
      %dma_start3A_167 = tpu.memref_slice %arg16[%add3A_163, %dma_start3A_166] : memref<10240x32xf32, #tpu.memory_space<vmem_shared>> -> memref<128x32xf32, #tpu.memory_space<vmem_shared>>
      tpu.enqueue_dma source(%arg8 : memref<128x32xf32, #tpu.memory_space<vmem>>) target(%dma_start3A_167 : memref<128x32xf32, #tpu.memory_space<vmem_shared>>) target_semaphore(%arg29 : memref<!tpu.dma_semaphore, #tpu.memory_space<semaphore_mem>>)
      %add3A_168 = arith.constant 512 : i32
      %add3A_169 = arith.addi %mul3A_7, %add3A_168 : i32
      %dma_start3A_170 = arith.constant 0 : i32
      %dma_start3A_171 = tpu.memref_slice %arg16[%add3A_169, %dma_start3A_170] : memref<10240x32xf32, #tpu.memory_space<vmem_shared>> -> memref<128x32xf32, #tpu.memory_space<vmem_shared>>
      %dma_start3A_172 = arith.constant 0 : i32
      %dma_start3A_173 = tpu.memref_slice %arg16[%add3A_169, %dma_start3A_172] : memref<10240x32xf32, #tpu.memory_space<vmem_shared>> -> memref<128x32xf32, #tpu.memory_space<vmem_shared>>
      tpu.enqueue_dma source(%arg8 : memref<128x32xf32, #tpu.memory_space<vmem>>) target(%dma_start3A_173 : memref<128x32xf32, #tpu.memory_space<vmem_shared>>) target_semaphore(%arg30 : memref<!tpu.dma_semaphore, #tpu.memory_space<semaphore_mem>>)
    } else {
    }
    %mul3A_14 = arith.constant 40 : i32
    %mul3A_15 = arith.muli %add3A, %mul3A_14 : i32
    %dma_start3A = arith.constant 0 : i32
    %dma_start3A_16 = tpu.memref_slice %arg3[%mul3A_15, %dma_start3A] : memref<1280x128xi32, #tpu.memory_space<hbm>> -> memref<40x128xi32, #tpu.memory_space<hbm>>
    %dma_start3A_17 = arith.constant 0 : i32
    %dma_start3A_18 = tpu.memref_slice %arg3[%mul3A_15, %dma_start3A_17] : memref<1280x128xi32, #tpu.memory_space<hbm>> -> memref<40x128xi32, #tpu.memory_space<hbm>>
    tpu.enqueue_dma source(%dma_start3A_18 : memref<40x128xi32, #tpu.memory_space<hbm>>) target(%arg6 : memref<40x128xi32, #tpu.memory_space<vmem>>) target_semaphore(%arg18 : memref<!tpu.dma_semaphore, #tpu.memory_space<semaphore_mem>>)
    %mul3A_19 = arith.constant 40 : i32
    %mul3A_20 = arith.muli %add3A, %mul3A_19 : i32
    %dma_start3A_21 = arith.constant 0 : i32
    %dma_start3A_22 = tpu.memref_slice %arg4[%mul3A_20, %dma_start3A_21] : memref<1280x128xi32, #tpu.memory_space<hbm>> -> memref<40x128xi32, #tpu.memory_space<hbm>>
    %dma_start3A_23 = arith.constant 0 : i32
    %dma_start3A_24 = tpu.memref_slice %arg4[%mul3A_20, %dma_start3A_23] : memref<1280x128xi32, #tpu.memory_space<hbm>> -> memref<40x128xi32, #tpu.memory_space<hbm>>
    tpu.enqueue_dma source(%dma_start3A_24 : memref<40x128xi32, #tpu.memory_space<hbm>>) target(%arg7 : memref<40x128xi32, #tpu.memory_space<vmem>>) target_semaphore(%arg19 : memref<!tpu.dma_semaphore, #tpu.memory_space<semaphore_mem>>)
    %dma_start3A_25 = arith.constant 0 : i32
    %dma_start3A_26 = tpu.memref_slice %arg17[%mul3A_7, %dma_start3A_25] : memref<10240x32xf32, #tpu.memory_space<vmem_shared>> -> memref<640x32xf32, #tpu.memory_space<vmem_shared>>
    %dma_start3A_27 = arith.constant 0 : i32
    %dma_start3A_28 = tpu.memref_slice %arg2[%mul3A_7, %dma_start3A_27] : memref<10240x32xf32, #tpu.memory_space<hbm>> -> memref<640x32xf32, #tpu.memory_space<hbm>>
    tpu.enqueue_dma source(%dma_start3A_28 : memref<640x32xf32, #tpu.memory_space<hbm>>) target(%dma_start3A_26 : memref<640x32xf32, #tpu.memory_space<vmem_shared>>) target_semaphore(%arg20 : memref<!tpu.dma_semaphore, #tpu.memory_space<semaphore_mem>>)
    %eq3A_29 = arith.constant 0 : i32
    %eq3A_30 = arith.cmpi eq, %arg0, %eq3A_29 : i32
    %convert_element_type3A_31 = arith.extui %eq3A_30 : i1 to i32
    %cond3A_32 = arith.constant 0 : i32
    %cond3A_33 = arith.cmpi ne, %convert_element_type3A_31, %cond3A_32 : i32
    scf.if %cond3A_33 {
      %dma_wait3A_144 = arith.constant 0 : i32
      %dma_wait3A_145 = tpu.memref_slice %arg16[%mul3A_7, %dma_wait3A_144] : memref<10240x32xf32, #tpu.memory_space<vmem_shared>> -> memref<640x32xf32, #tpu.memory_space<vmem_shared>>
      %dma_wait3A_146 = arith.constant 0 : i32
      %dma_wait3A_147 = tpu.memref_slice %arg2[%mul3A_7, %dma_wait3A_146] : memref<10240x32xf32, #tpu.memory_space<hbm>> -> memref<640x32xf32, #tpu.memory_space<hbm>>
      tpu.wait_dma2 semaphore(%arg31 : memref<!tpu.dma_semaphore, #tpu.memory_space<semaphore_mem>>) src(%dma_wait3A_147 : memref<640x32xf32, #tpu.memory_space<hbm>>) dst(%dma_wait3A_145 : memref<640x32xf32, #tpu.memory_space<vmem_shared>>)
    } else {
    }
    %ne3A_34 = arith.constant 0 : i32
    %ne3A_35 = arith.cmpi ne, %arg0, %ne3A_34 : i32
    %convert_element_type3A_36 = arith.extui %ne3A_35 : i1 to i32
    %cond3A_37 = arith.constant 0 : i32
    %cond3A_38 = arith.cmpi ne, %convert_element_type3A_36, %cond3A_37 : i32
    scf.if %cond3A_38 {
      %add3A_144 = arith.constant 0 : i32
      %add3A_145 = arith.addi %mul3A_7, %add3A_144 : i32
      %dma_wait3A_146 = arith.constant 0 : i32
      %dma_wait3A_147 = tpu.memref_slice %arg16[%add3A_145, %dma_wait3A_146] : memref<10240x32xf32, #tpu.memory_space<vmem_shared>> -> memref<128x32xf32, #tpu.memory_space<vmem_shared>>
      %dma_wait3A_148 = arith.constant 0 : i32
      %dma_wait3A_149 = tpu.memref_slice %arg16[%add3A_145, %dma_wait3A_148] : memref<10240x32xf32, #tpu.memory_space<vmem_shared>> -> memref<128x32xf32, #tpu.memory_space<vmem_shared>>
      tpu.wait_dma2 semaphore(%arg26 : memref<!tpu.dma_semaphore, #tpu.memory_space<semaphore_mem>>) src(%arg8 : memref<128x32xf32, #tpu.memory_space<vmem>>) dst(%dma_wait3A_149 : memref<128x32xf32, #tpu.memory_space<vmem_shared>>)
      %add3A_150 = arith.constant 128 : i32
      %add3A_151 = arith.addi %mul3A_7, %add3A_150 : i32
      %dma_wait3A_152 = arith.constant 0 : i32
      %dma_wait3A_153 = tpu.memref_slice %arg16[%add3A_151, %dma_wait3A_152] : memref<10240x32xf32, #tpu.memory_space<vmem_shared>> -> memref<128x32xf32, #tpu.memory_space<vmem_shared>>
      %dma_wait3A_154 = arith.constant 0 : i32
      %dma_wait3A_155 = tpu.memref_slice %arg16[%add3A_151, %dma_wait3A_154] : memref<10240x32xf32, #tpu.memory_space<vmem_shared>> -> memref<128x32xf32, #tpu.memory_space<vmem_shared>>
      tpu.wait_dma2 semaphore(%arg27 : memref<!tpu.dma_semaphore, #tpu.memory_space<semaphore_mem>>) src(%arg8 : memref<128x32xf32, #tpu.memory_space<vmem>>) dst(%dma_wait3A_155 : memref<128x32xf32, #tpu.memory_space<vmem_shared>>)
      %add3A_156 = arith.constant 256 : i32
      %add3A_157 = arith.addi %mul3A_7, %add3A_156 : i32
      %dma_wait3A_158 = arith.constant 0 : i32
      %dma_wait3A_159 = tpu.memref_slice %arg16[%add3A_157, %dma_wait3A_158] : memref<10240x32xf32, #tpu.memory_space<vmem_shared>> -> memref<128x32xf32, #tpu.memory_space<vmem_shared>>
      %dma_wait3A_160 = arith.constant 0 : i32
      %dma_wait3A_161 = tpu.memref_slice %arg16[%add3A_157, %dma_wait3A_160] : memref<10240x32xf32, #tpu.memory_space<vmem_shared>> -> memref<128x32xf32, #tpu.memory_space<vmem_shared>>
      tpu.wait_dma2 semaphore(%arg28 : memref<!tpu.dma_semaphore, #tpu.memory_space<semaphore_mem>>) src(%arg8 : memref<128x32xf32, #tpu.memory_space<vmem>>) dst(%dma_wait3A_161 : memref<128x32xf32, #tpu.memory_space<vmem_shared>>)
      %add3A_162 = arith.constant 384 : i32
      %add3A_163 = arith.addi %mul3A_7, %add3A_162 : i32
      %dma_wait3A_164 = arith.constant 0 : i32
      %dma_wait3A_165 = tpu.memref_slice %arg16[%add3A_163, %dma_wait3A_164] : memref<10240x32xf32, #tpu.memory_space<vmem_shared>> -> memref<128x32xf32, #tpu.memory_space<vmem_shared>>
      %dma_wait3A_166 = arith.constant 0 : i32
      %dma_wait3A_167 = tpu.memref_slice %arg16[%add3A_163, %dma_wait3A_166] : memref<10240x32xf32, #tpu.memory_space<vmem_shared>> -> memref<128x32xf32, #tpu.memory_space<vmem_shared>>
      tpu.wait_dma2 semaphore(%arg29 : memref<!tpu.dma_semaphore, #tpu.memory_space<semaphore_mem>>) src(%arg8 : memref<128x32xf32, #tpu.memory_space<vmem>>) dst(%dma_wait3A_167 : memref<128x32xf32, #tpu.memory_space<vmem_shared>>)
      %add3A_168 = arith.constant 512 : i32
      %add3A_169 = arith.addi %mul3A_7, %add3A_168 : i32
      %dma_wait3A_170 = arith.constant 0 : i32
      %dma_wait3A_171 = tpu.memref_slice %arg16[%add3A_169, %dma_wait3A_170] : memref<10240x32xf32, #tpu.memory_space<vmem_shared>> -> memref<128x32xf32, #tpu.memory_space<vmem_shared>>
      %dma_wait3A_172 = arith.constant 0 : i32
      %dma_wait3A_173 = tpu.memref_slice %arg16[%add3A_169, %dma_wait3A_172] : memref<10240x32xf32, #tpu.memory_space<vmem_shared>> -> memref<128x32xf32, #tpu.memory_space<vmem_shared>>
      tpu.wait_dma2 semaphore(%arg30 : memref<!tpu.dma_semaphore, #tpu.memory_space<semaphore_mem>>) src(%arg8 : memref<128x32xf32, #tpu.memory_space<vmem>>) dst(%dma_wait3A_173 : memref<128x32xf32, #tpu.memory_space<vmem_shared>>)
    } else {
    }
    %mul3A_39 = arith.constant 40 : i32
    %mul3A_40 = arith.muli %add3A, %mul3A_39 : i32
    %dma_wait3A = arith.constant 0 : i32
    %dma_wait3A_41 = tpu.memref_slice %arg3[%mul3A_40, %dma_wait3A] : memref<1280x128xi32, #tpu.memory_space<hbm>> -> memref<40x128xi32, #tpu.memory_space<hbm>>
    %dma_wait3A_42 = arith.constant 0 : i32
    %dma_wait3A_43 = tpu.memref_slice %arg3[%mul3A_40, %dma_wait3A_42] : memref<1280x128xi32, #tpu.memory_space<hbm>> -> memref<40x128xi32, #tpu.memory_space<hbm>>
    tpu.wait_dma2 semaphore(%arg18 : memref<!tpu.dma_semaphore, #tpu.memory_space<semaphore_mem>>) src(%dma_wait3A_43 : memref<40x128xi32, #tpu.memory_space<hbm>>) dst(%arg6 : memref<40x128xi32, #tpu.memory_space<vmem>>)
    %mul3A_44 = arith.constant 40 : i32
    %mul3A_45 = arith.muli %add3A, %mul3A_44 : i32
    %dma_wait3A_46 = arith.constant 0 : i32
    %dma_wait3A_47 = tpu.memref_slice %arg4[%mul3A_45, %dma_wait3A_46] : memref<1280x128xi32, #tpu.memory_space<hbm>> -> memref<40x128xi32, #tpu.memory_space<hbm>>
    %dma_wait3A_48 = arith.constant 0 : i32
    %dma_wait3A_49 = tpu.memref_slice %arg4[%mul3A_45, %dma_wait3A_48] : memref<1280x128xi32, #tpu.memory_space<hbm>> -> memref<40x128xi32, #tpu.memory_space<hbm>>
    tpu.wait_dma2 semaphore(%arg19 : memref<!tpu.dma_semaphore, #tpu.memory_space<semaphore_mem>>) src(%dma_wait3A_49 : memref<40x128xi32, #tpu.memory_space<hbm>>) dst(%arg7 : memref<40x128xi32, #tpu.memory_space<vmem>>)
    %dma_wait3A_50 = arith.constant 0 : i32
    %dma_wait3A_51 = tpu.memref_slice %arg17[%mul3A_7, %dma_wait3A_50] : memref<10240x32xf32, #tpu.memory_space<vmem_shared>> -> memref<640x32xf32, #tpu.memory_space<vmem_shared>>
    %dma_wait3A_52 = arith.constant 0 : i32
    %dma_wait3A_53 = tpu.memref_slice %arg2[%mul3A_7, %dma_wait3A_52] : memref<10240x32xf32, #tpu.memory_space<hbm>> -> memref<640x32xf32, #tpu.memory_space<hbm>>
    tpu.wait_dma2 semaphore(%arg20 : memref<!tpu.dma_semaphore, #tpu.memory_space<semaphore_mem>>) src(%dma_wait3A_53 : memref<640x32xf32, #tpu.memory_space<hbm>>) dst(%dma_wait3A_51 : memref<640x32xf32, #tpu.memory_space<vmem_shared>>)
    %barrier3A = arith.constant 0 : index
    tpu.barrier barrier_id(%barrier3A)
    %dma_start3A_54 = arith.constant 0 : i32
    %dma_start3A_55 = arith.constant 0 : i32
    %dma_start3A_56 = tpu.memref_slice %arg6[%dma_start3A_54, %dma_start3A_55] : memref<40x128xi32, #tpu.memory_space<vmem>> -> memref<1x128xi32, #tpu.memory_space<vmem>>
    %dma_start3A_57 = tpu.memref_squeeze %dma_start3A_56 : memref<1x128xi32, #tpu.memory_space<vmem>> -> memref<128xi32, #tpu.memory_space<vmem>>
    %dma_start3A_58 = arith.constant 0 : i32
    %dma_start3A_59 = arith.constant 0 : i32
    %dma_start3A_60 = tpu.memref_slice %arg17[%dma_start3A_58, %dma_start3A_59] : memref<10240x32xf32, #tpu.memory_space<vmem_shared>> -> memref<10240x32xf32, #tpu.memory_space<vmem_shared>>
    tpu.enqueue_indirect_dma source(%dma_start3A_60 : memref<10240x32xf32, #tpu.memory_space<vmem_shared>>) target(%arg8 : memref<128x32xf32, #tpu.memory_space<vmem>>) offsets(%dma_start3A_57 : memref<128xi32, #tpu.memory_space<vmem>>) semaphore(%arg18 : memref<!tpu.dma_semaphore, #tpu.memory_space<semaphore_mem>>)
    %dma_start3A_61 = arith.constant 1 : i32
    %dma_start3A_62 = arith.constant 0 : i32
    %dma_start3A_63 = tpu.memref_slice %arg6[%dma_start3A_61, %dma_start3A_62] : memref<40x128xi32, #tpu.memory_space<vmem>> -> memref<1x128xi32, #tpu.memory_space<vmem>>
    %dma_start3A_64 = tpu.memref_squeeze %dma_start3A_63 : memref<1x128xi32, #tpu.memory_space<vmem>> -> memref<128xi32, #tpu.memory_space<vmem>>
    %dma_start3A_65 = arith.constant 0 : i32
    %dma_start3A_66 = arith.constant 0 : i32
    %dma_start3A_67 = tpu.memref_slice %arg17[%dma_start3A_65, %dma_start3A_66] : memref<10240x32xf32, #tpu.memory_space<vmem_shared>> -> memref<10240x32xf32, #tpu.memory_space<vmem_shared>>
    tpu.enqueue_indirect_dma source(%dma_start3A_67 : memref<10240x32xf32, #tpu.memory_space<vmem_shared>>) target(%arg9 : memref<128x32xf32, #tpu.memory_space<vmem>>) offsets(%dma_start3A_64 : memref<128xi32, #tpu.memory_space<vmem>>) semaphore(%arg19 : memref<!tpu.dma_semaphore, #tpu.memory_space<semaphore_mem>>)
    %dma_start3A_68 = arith.constant 2 : i32
    %dma_start3A_69 = arith.constant 0 : i32
    %dma_start3A_70 = tpu.memref_slice %arg6[%dma_start3A_68, %dma_start3A_69] : memref<40x128xi32, #tpu.memory_space<vmem>> -> memref<1x128xi32, #tpu.memory_space<vmem>>
    %dma_start3A_71 = tpu.memref_squeeze %dma_start3A_70 : memref<1x128xi32, #tpu.memory_space<vmem>> -> memref<128xi32, #tpu.memory_space<vmem>>
    %dma_start3A_72 = arith.constant 0 : i32
    %dma_start3A_73 = arith.constant 0 : i32
    %dma_start3A_74 = tpu.memref_slice %arg17[%dma_start3A_72, %dma_start3A_73] : memref<10240x32xf32, #tpu.memory_space<vmem_shared>> -> memref<10240x32xf32, #tpu.memory_space<vmem_shared>>
    tpu.enqueue_indirect_dma source(%dma_start3A_74 : memref<10240x32xf32, #tpu.memory_space<vmem_shared>>) target(%arg10 : memref<128x32xf32, #tpu.memory_space<vmem>>) offsets(%dma_start3A_71 : memref<128xi32, #tpu.memory_space<vmem>>) semaphore(%arg20 : memref<!tpu.dma_semaphore, #tpu.memory_space<semaphore_mem>>)
    %dma_start3A_75 = arith.constant 3 : i32
    %dma_start3A_76 = arith.constant 0 : i32
    %dma_start3A_77 = tpu.memref_slice %arg6[%dma_start3A_75, %dma_start3A_76] : memref<40x128xi32, #tpu.memory_space<vmem>> -> memref<1x128xi32, #tpu.memory_space<vmem>>
    %dma_start3A_78 = tpu.memref_squeeze %dma_start3A_77 : memref<1x128xi32, #tpu.memory_space<vmem>> -> memref<128xi32, #tpu.memory_space<vmem>>
    %dma_start3A_79 = arith.constant 0 : i32
    %dma_start3A_80 = arith.constant 0 : i32
    %dma_start3A_81 = tpu.memref_slice %arg17[%dma_start3A_79, %dma_start3A_80] : memref<10240x32xf32, #tpu.memory_space<vmem_shared>> -> memref<10240x32xf32, #tpu.memory_space<vmem_shared>>
    tpu.enqueue_indirect_dma source(%dma_start3A_81 : memref<10240x32xf32, #tpu.memory_space<vmem_shared>>) target(%arg11 : memref<128x32xf32, #tpu.memory_space<vmem>>) offsets(%dma_start3A_78 : memref<128xi32, #tpu.memory_space<vmem>>) semaphore(%arg21 : memref<!tpu.dma_semaphore, #tpu.memory_space<semaphore_mem>>)
    %scan3A_82 = arith.constant 0 : i32
    %scan3A_83 = arith.constant 5 : i32
    %scan3A_84 = arith.addi %scan3A_82, %scan3A_83 : i32
    %scan3A_85 = arith.constant 1 : i32
    scf.for %scan3A_144 = %scan3A_82 to %scan3A_84 step %scan3A_85  : i32 {
      %mul3A_145 = arith.constant 8 : i32
      %mul3A_146 = arith.muli %mul3A_145, %scan3A_144 : i32
      %add3A_147 = arith.constant 0 : i32
      %add3A_148 = arith.addi %mul3A_146, %add3A_147 : i32
      %dma_wait3A_149 = arith.constant 0 : i32
      %dma_wait3A_150 = tpu.memref_slice %arg6[%add3A_148, %dma_wait3A_149] : memref<40x128xi32, #tpu.memory_space<vmem>> -> memref<1x128xi32, #tpu.memory_space<vmem>>
      %dma_wait3A_151 = tpu.memref_squeeze %dma_wait3A_150 : memref<1x128xi32, #tpu.memory_space<vmem>> -> memref<128xi32, #tpu.memory_space<vmem>>
      %dma_wait3A_152 = arith.constant 0 : i32
      %dma_wait3A_153 = arith.constant 0 : i32
      %dma_wait3A_154 = tpu.memref_slice %arg17[%dma_wait3A_152, %dma_wait3A_153] : memref<10240x32xf32, #tpu.memory_space<vmem_shared>> -> memref<10240x32xf32, #tpu.memory_space<vmem_shared>>
      tpu.wait_indirect_dma semaphore(%arg18 : memref<!tpu.dma_semaphore, #tpu.memory_space<semaphore_mem>>) src(%dma_wait3A_154 : memref<10240x32xf32, #tpu.memory_space<vmem_shared>>) dst(%arg8 : memref<128x32xf32, #tpu.memory_space<vmem>>)
      %dma_start3A_155 = arith.constant 0 : i32
      %dma_start3A_156 = tpu.memref_slice %arg7[%add3A_148, %dma_start3A_155] : memref<40x128xi32, #tpu.memory_space<vmem>> -> memref<1x128xi32, #tpu.memory_space<vmem>>
      %dma_start3A_157 = tpu.memref_squeeze %dma_start3A_156 : memref<1x128xi32, #tpu.memory_space<vmem>> -> memref<128xi32, #tpu.memory_space<vmem>>
      %dma_start3A_158 = arith.constant 0 : i32
      %dma_start3A_159 = arith.constant 0 : i32
      %dma_start3A_160 = tpu.memref_slice %arg16[%dma_start3A_158, %dma_start3A_159] : memref<10240x32xf32, #tpu.memory_space<vmem_shared>> -> memref<10240x32xf32, #tpu.memory_space<vmem_shared>>
      tpu.enqueue_indirect_dma source(%arg8 : memref<128x32xf32, #tpu.memory_space<vmem>>) target(%dma_start3A_160 : memref<10240x32xf32, #tpu.memory_space<vmem_shared>>) offsets(%dma_start3A_157 : memref<128xi32, #tpu.memory_space<vmem>>) semaphore(%arg26 : memref<!tpu.dma_semaphore, #tpu.memory_space<semaphore_mem>>) {add = true}
      %add3A_161 = arith.constant 4 : i32
      %add3A_162 = arith.addi %add3A_148, %add3A_161 : i32
      %lt3A = arith.constant 40 : i32
      %lt3A_163 = arith.cmpi slt, %add3A_162, %lt3A : i32
      %convert_element_type3A_164 = arith.extui %lt3A_163 : i1 to i32
      %cond3A_165 = arith.constant 0 : i32
      %cond3A_166 = arith.cmpi ne, %convert_element_type3A_164, %cond3A_165 : i32
      scf.if %cond3A_166 {
        %add3A_328 = arith.constant 4 : i32
        %add3A_329 = arith.addi %add3A_148, %add3A_328 : i32
        %ge3A = arith.constant 8 : i32
        %ge3A_330 = arith.cmpi sge, %add3A_329, %ge3A : i32
        %convert_element_type3A_331 = arith.extui %ge3A_330 : i1 to i32
        %cond3A_332 = arith.constant 0 : i32
        %cond3A_333 = arith.cmpi ne, %convert_element_type3A_331, %cond3A_332 : i32
        scf.if %cond3A_333 {
          %dma_wait3A_342 = arith.constant 0 : i32
          %dma_wait3A_343 = tpu.memref_slice %arg7[%add3A_148, %dma_wait3A_342] : memref<40x128xi32, #tpu.memory_space<vmem>> -> memref<1x128xi32, #tpu.memory_space<vmem>>
          %dma_wait3A_344 = tpu.memref_squeeze %dma_wait3A_343 : memref<1x128xi32, #tpu.memory_space<vmem>> -> memref<128xi32, #tpu.memory_space<vmem>>
          %dma_wait3A_345 = arith.constant 0 : i32
          %dma_wait3A_346 = arith.constant 0 : i32
          %dma_wait3A_347 = tpu.memref_slice %arg16[%dma_wait3A_345, %dma_wait3A_346] : memref<10240x32xf32, #tpu.memory_space<vmem_shared>> -> memref<10240x32xf32, #tpu.memory_space<vmem_shared>>
          tpu.wait_indirect_dma semaphore(%arg30 : memref<!tpu.dma_semaphore, #tpu.memory_space<semaphore_mem>>) src(%arg12 : memref<128x32xf32, #tpu.memory_space<vmem>>) dst(%dma_wait3A_347 : memref<10240x32xf32, #tpu.memory_space<vmem_shared>>)
        } else {
        }
        %add3A_334 = arith.constant 4 : i32
        %add3A_335 = arith.addi %add3A_148, %add3A_334 : i32
        %dma_start3A_336 = arith.constant 0 : i32
        %dma_start3A_337 = tpu.memref_slice %arg6[%add3A_335, %dma_start3A_336] : memref<40x128xi32, #tpu.memory_space<vmem>> -> memref<1x128xi32, #tpu.memory_space<vmem>>
        %dma_start3A_338 = tpu.memref_squeeze %dma_start3A_337 : memref<1x128xi32, #tpu.memory_space<vmem>> -> memref<128xi32, #tpu.memory_space<vmem>>
        %dma_start3A_339 = arith.constant 0 : i32
        %dma_start3A_340 = arith.constant 0 : i32
        %dma_start3A_341 = tpu.memref_slice %arg17[%dma_start3A_339, %dma_start3A_340] : memref<10240x32xf32, #tpu.memory_space<vmem_shared>> -> memref<10240x32xf32, #tpu.memory_space<vmem_shared>>
        tpu.enqueue_indirect_dma source(%dma_start3A_341 : memref<10240x32xf32, #tpu.memory_space<vmem_shared>>) target(%arg12 : memref<128x32xf32, #tpu.memory_space<vmem>>) offsets(%dma_start3A_338 : memref<128xi32, #tpu.memory_space<vmem>>) semaphore(%arg22 : memref<!tpu.dma_semaphore, #tpu.memory_space<semaphore_mem>>)
      } else {
      }
      %mul3A_167 = arith.constant 8 : i32
      %mul3A_168 = arith.muli %mul3A_167, %scan3A_144 : i32
      %add3A_169 = arith.constant 1 : i32
      %add3A_170 = arith.addi %mul3A_168, %add3A_169 : i32
      %dma_wait3A_171 = arith.constant 0 : i32
      %dma_wait3A_172 = tpu.memref_slice %arg6[%add3A_170, %dma_wait3A_171] : memref<40x128xi32, #tpu.memory_space<vmem>> -> memref<1x128xi32, #tpu.memory_space<vmem>>
      %dma_wait3A_173 = tpu.memref_squeeze %dma_wait3A_172 : memref<1x128xi32, #tpu.memory_space<vmem>> -> memref<128xi32, #tpu.memory_space<vmem>>
      %dma_wait3A_174 = arith.constant 0 : i32
      %dma_wait3A_175 = arith.constant 0 : i32
      %dma_wait3A_176 = tpu.memref_slice %arg17[%dma_wait3A_174, %dma_wait3A_175] : memref<10240x32xf32, #tpu.memory_space<vmem_shared>> -> memref<10240x32xf32, #tpu.memory_space<vmem_shared>>
      tpu.wait_indirect_dma semaphore(%arg19 : memref<!tpu.dma_semaphore, #tpu.memory_space<semaphore_mem>>) src(%dma_wait3A_176 : memref<10240x32xf32, #tpu.memory_space<vmem_shared>>) dst(%arg9 : memref<128x32xf32, #tpu.memory_space<vmem>>)
      %dma_start3A_177 = arith.constant 0 : i32
      %dma_start3A_178 = tpu.memref_slice %arg7[%add3A_170, %dma_start3A_177] : memref<40x128xi32, #tpu.memory_space<vmem>> -> memref<1x128xi32, #tpu.memory_space<vmem>>
      %dma_start3A_179 = tpu.memref_squeeze %dma_start3A_178 : memref<1x128xi32, #tpu.memory_space<vmem>> -> memref<128xi32, #tpu.memory_space<vmem>>
      %dma_start3A_180 = arith.constant 0 : i32
      %dma_start3A_181 = arith.constant 0 : i32
      %dma_start3A_182 = tpu.memref_slice %arg16[%dma_start3A_180, %dma_start3A_181] : memref<10240x32xf32, #tpu.memory_space<vmem_shared>> -> memref<10240x32xf32, #tpu.memory_space<vmem_shared>>
      tpu.enqueue_indirect_dma source(%arg9 : memref<128x32xf32, #tpu.memory_space<vmem>>) target(%dma_start3A_182 : memref<10240x32xf32, #tpu.memory_space<vmem_shared>>) offsets(%dma_start3A_179 : memref<128xi32, #tpu.memory_space<vmem>>) semaphore(%arg27 : memref<!tpu.dma_semaphore, #tpu.memory_space<semaphore_mem>>) {add = true}
      %add3A_183 = arith.constant 4 : i32
      %add3A_184 = arith.addi %add3A_170, %add3A_183 : i32
      %lt3A_185 = arith.constant 40 : i32
      %lt3A_186 = arith.cmpi slt, %add3A_184, %lt3A_185 : i32
      %convert_element_type3A_187 = arith.extui %lt3A_186 : i1 to i32
      %cond3A_188 = arith.constant 0 : i32
      %cond3A_189 = arith.cmpi ne, %convert_element_type3A_187, %cond3A_188 : i32
      scf.if %cond3A_189 {
        %add3A_328 = arith.constant 4 : i32
        %add3A_329 = arith.addi %add3A_170, %add3A_328 : i32
        %ge3A = arith.constant 8 : i32
        %ge3A_330 = arith.cmpi sge, %add3A_329, %ge3A : i32
        %convert_element_type3A_331 = arith.extui %ge3A_330 : i1 to i32
        %cond3A_332 = arith.constant 0 : i32
        %cond3A_333 = arith.cmpi ne, %convert_element_type3A_331, %cond3A_332 : i32
        scf.if %cond3A_333 {
          %dma_wait3A_342 = arith.constant 0 : i32
          %dma_wait3A_343 = tpu.memref_slice %arg7[%add3A_170, %dma_wait3A_342] : memref<40x128xi32, #tpu.memory_space<vmem>> -> memref<1x128xi32, #tpu.memory_space<vmem>>
          %dma_wait3A_344 = tpu.memref_squeeze %dma_wait3A_343 : memref<1x128xi32, #tpu.memory_space<vmem>> -> memref<128xi32, #tpu.memory_space<vmem>>
          %dma_wait3A_345 = arith.constant 0 : i32
          %dma_wait3A_346 = arith.constant 0 : i32
          %dma_wait3A_347 = tpu.memref_slice %arg16[%dma_wait3A_345, %dma_wait3A_346] : memref<10240x32xf32, #tpu.memory_space<vmem_shared>> -> memref<10240x32xf32, #tpu.memory_space<vmem_shared>>
          tpu.wait_indirect_dma semaphore(%arg31 : memref<!tpu.dma_semaphore, #tpu.memory_space<semaphore_mem>>) src(%arg13 : memref<128x32xf32, #tpu.memory_space<vmem>>) dst(%dma_wait3A_347 : memref<10240x32xf32, #tpu.memory_space<vmem_shared>>)
        } else {
        }
        %add3A_334 = arith.constant 4 : i32
        %add3A_335 = arith.addi %add3A_170, %add3A_334 : i32
        %dma_start3A_336 = arith.constant 0 : i32
        %dma_start3A_337 = tpu.memref_slice %arg6[%add3A_335, %dma_start3A_336] : memref<40x128xi32, #tpu.memory_space<vmem>> -> memref<1x128xi32, #tpu.memory_space<vmem>>
        %dma_start3A_338 = tpu.memref_squeeze %dma_start3A_337 : memref<1x128xi32, #tpu.memory_space<vmem>> -> memref<128xi32, #tpu.memory_space<vmem>>
        %dma_start3A_339 = arith.constant 0 : i32
        %dma_start3A_340 = arith.constant 0 : i32
        %dma_start3A_341 = tpu.memref_slice %arg17[%dma_start3A_339, %dma_start3A_340] : memref<10240x32xf32, #tpu.memory_space<vmem_shared>> -> memref<10240x32xf32, #tpu.memory_space<vmem_shared>>
        tpu.enqueue_indirect_dma source(%dma_start3A_341 : memref<10240x32xf32, #tpu.memory_space<vmem_shared>>) target(%arg13 : memref<128x32xf32, #tpu.memory_space<vmem>>) offsets(%dma_start3A_338 : memref<128xi32, #tpu.memory_space<vmem>>) semaphore(%arg23 : memref<!tpu.dma_semaphore, #tpu.memory_space<semaphore_mem>>)
      } else {
      }
      %mul3A_190 = arith.constant 8 : i32
      %mul3A_191 = arith.muli %mul3A_190, %scan3A_144 : i32
      %add3A_192 = arith.constant 2 : i32
      %add3A_193 = arith.addi %mul3A_191, %add3A_192 : i32
      %dma_wait3A_194 = arith.constant 0 : i32
      %dma_wait3A_195 = tpu.memref_slice %arg6[%add3A_193, %dma_wait3A_194] : memref<40x128xi32, #tpu.memory_space<vmem>> -> memref<1x128xi32, #tpu.memory_space<vmem>>
      %dma_wait3A_196 = tpu.memref_squeeze %dma_wait3A_195 : memref<1x128xi32, #tpu.memory_space<vmem>> -> memref<128xi32, #tpu.memory_space<vmem>>
      %dma_wait3A_197 = arith.constant 0 : i32
      %dma_wait3A_198 = arith.constant 0 : i32
      %dma_wait3A_199 = tpu.memref_slice %arg17[%dma_wait3A_197, %dma_wait3A_198] : memref<10240x32xf32, #tpu.memory_space<vmem_shared>> -> memref<10240x32xf32, #tpu.memory_space<vmem_shared>>
      tpu.wait_indirect_dma semaphore(%arg20 : memref<!tpu.dma_semaphore, #tpu.memory_space<semaphore_mem>>) src(%dma_wait3A_199 : memref<10240x32xf32, #tpu.memory_space<vmem_shared>>) dst(%arg10 : memref<128x32xf32, #tpu.memory_space<vmem>>)
      %dma_start3A_200 = arith.constant 0 : i32
      %dma_start3A_201 = tpu.memref_slice %arg7[%add3A_193, %dma_start3A_200] : memref<40x128xi32, #tpu.memory_space<vmem>> -> memref<1x128xi32, #tpu.memory_space<vmem>>
      %dma_start3A_202 = tpu.memref_squeeze %dma_start3A_201 : memref<1x128xi32, #tpu.memory_space<vmem>> -> memref<128xi32, #tpu.memory_space<vmem>>
      %dma_start3A_203 = arith.constant 0 : i32
      %dma_start3A_204 = arith.constant 0 : i32
      %dma_start3A_205 = tpu.memref_slice %arg16[%dma_start3A_203, %dma_start3A_204] : memref<10240x32xf32, #tpu.memory_space<vmem_shared>> -> memref<10240x32xf32, #tpu.memory_space<vmem_shared>>
      tpu.enqueue_indirect_dma source(%arg10 : memref<128x32xf32, #tpu.memory_space<vmem>>) target(%dma_start3A_205 : memref<10240x32xf32, #tpu.memory_space<vmem_shared>>) offsets(%dma_start3A_202 : memref<128xi32, #tpu.memory_space<vmem>>) semaphore(%arg28 : memref<!tpu.dma_semaphore, #tpu.memory_space<semaphore_mem>>) {add = true}
      %add3A_206 = arith.constant 4 : i32
      %add3A_207 = arith.addi %add3A_193, %add3A_206 : i32
      %lt3A_208 = arith.constant 40 : i32
      %lt3A_209 = arith.cmpi slt, %add3A_207, %lt3A_208 : i32
      %convert_element_type3A_210 = arith.extui %lt3A_209 : i1 to i32
      %cond3A_211 = arith.constant 0 : i32
      %cond3A_212 = arith.cmpi ne, %convert_element_type3A_210, %cond3A_211 : i32
      scf.if %cond3A_212 {
        %add3A_328 = arith.constant 4 : i32
        %add3A_329 = arith.addi %add3A_193, %add3A_328 : i32
        %ge3A = arith.constant 8 : i32
        %ge3A_330 = arith.cmpi sge, %add3A_329, %ge3A : i32
        %convert_element_type3A_331 = arith.extui %ge3A_330 : i1 to i32
        %cond3A_332 = arith.constant 0 : i32
        %cond3A_333 = arith.cmpi ne, %convert_element_type3A_331, %cond3A_332 : i32
        scf.if %cond3A_333 {
          %dma_wait3A_342 = arith.constant 0 : i32
          %dma_wait3A_343 = tpu.memref_slice %arg7[%add3A_193, %dma_wait3A_342] : memref<40x128xi32, #tpu.memory_space<vmem>> -> memref<1x128xi32, #tpu.memory_space<vmem>>
          %dma_wait3A_344 = tpu.memref_squeeze %dma_wait3A_343 : memref<1x128xi32, #tpu.memory_space<vmem>> -> memref<128xi32, #tpu.memory_space<vmem>>
          %dma_wait3A_345 = arith.constant 0 : i32
          %dma_wait3A_346 = arith.constant 0 : i32
          %dma_wait3A_347 = tpu.memref_slice %arg16[%dma_wait3A_345, %dma_wait3A_346] : memref<10240x32xf32, #tpu.memory_space<vmem_shared>> -> memref<10240x32xf32, #tpu.memory_space<vmem_shared>>
          tpu.wait_indirect_dma semaphore(%arg32 : memref<!tpu.dma_semaphore, #tpu.memory_space<semaphore_mem>>) src(%arg14 : memref<128x32xf32, #tpu.memory_space<vmem>>) dst(%dma_wait3A_347 : memref<10240x32xf32, #tpu.memory_space<vmem_shared>>)
        } else {
        }
        %add3A_334 = arith.constant 4 : i32
        %add3A_335 = arith.addi %add3A_193, %add3A_334 : i32
        %dma_start3A_336 = arith.constant 0 : i32
        %dma_start3A_337 = tpu.memref_slice %arg6[%add3A_335, %dma_start3A_336] : memref<40x128xi32, #tpu.memory_space<vmem>> -> memref<1x128xi32, #tpu.memory_space<vmem>>
        %dma_start3A_338 = tpu.memref_squeeze %dma_start3A_337 : memref<1x128xi32, #tpu.memory_space<vmem>> -> memref<128xi32, #tpu.memory_space<vmem>>
        %dma_start3A_339 = arith.constant 0 : i32
        %dma_start3A_340 = arith.constant 0 : i32
        %dma_start3A_341 = tpu.memref_slice %arg17[%dma_start3A_339, %dma_start3A_340] : memref<10240x32xf32, #tpu.memory_space<vmem_shared>> -> memref<10240x32xf32, #tpu.memory_space<vmem_shared>>
        tpu.enqueue_indirect_dma source(%dma_start3A_341 : memref<10240x32xf32, #tpu.memory_space<vmem_shared>>) target(%arg14 : memref<128x32xf32, #tpu.memory_space<vmem>>) offsets(%dma_start3A_338 : memref<128xi32, #tpu.memory_space<vmem>>) semaphore(%arg24 : memref<!tpu.dma_semaphore, #tpu.memory_space<semaphore_mem>>)
      } else {
      }
      %mul3A_213 = arith.constant 8 : i32
      %mul3A_214 = arith.muli %mul3A_213, %scan3A_144 : i32
      %add3A_215 = arith.constant 3 : i32
      %add3A_216 = arith.addi %mul3A_214, %add3A_215 : i32
      %dma_wait3A_217 = arith.constant 0 : i32
      %dma_wait3A_218 = tpu.memref_slice %arg6[%add3A_216, %dma_wait3A_217] : memref<40x128xi32, #tpu.memory_space<vmem>> -> memref<1x128xi32, #tpu.memory_space<vmem>>
      %dma_wait3A_219 = tpu.memref_squeeze %dma_wait3A_218 : memref<1x128xi32, #tpu.memory_space<vmem>> -> memref<128xi32, #tpu.memory_space<vmem>>
      %dma_wait3A_220 = arith.constant 0 : i32
      %dma_wait3A_221 = arith.constant 0 : i32
      %dma_wait3A_222 = tpu.memref_slice %arg17[%dma_wait3A_220, %dma_wait3A_221] : memref<10240x32xf32, #tpu.memory_space<vmem_shared>> -> memref<10240x32xf32, #tpu.memory_space<vmem_shared>>
      tpu.wait_indirect_dma semaphore(%arg21 : memref<!tpu.dma_semaphore, #tpu.memory_space<semaphore_mem>>) src(%dma_wait3A_222 : memref<10240x32xf32, #tpu.memory_space<vmem_shared>>) dst(%arg11 : memref<128x32xf32, #tpu.memory_space<vmem>>)
      %dma_start3A_223 = arith.constant 0 : i32
      %dma_start3A_224 = tpu.memref_slice %arg7[%add3A_216, %dma_start3A_223] : memref<40x128xi32, #tpu.memory_space<vmem>> -> memref<1x128xi32, #tpu.memory_space<vmem>>
      %dma_start3A_225 = tpu.memref_squeeze %dma_start3A_224 : memref<1x128xi32, #tpu.memory_space<vmem>> -> memref<128xi32, #tpu.memory_space<vmem>>
      %dma_start3A_226 = arith.constant 0 : i32
      %dma_start3A_227 = arith.constant 0 : i32
      %dma_start3A_228 = tpu.memref_slice %arg16[%dma_start3A_226, %dma_start3A_227] : memref<10240x32xf32, #tpu.memory_space<vmem_shared>> -> memref<10240x32xf32, #tpu.memory_space<vmem_shared>>
      tpu.enqueue_indirect_dma source(%arg11 : memref<128x32xf32, #tpu.memory_space<vmem>>) target(%dma_start3A_228 : memref<10240x32xf32, #tpu.memory_space<vmem_shared>>) offsets(%dma_start3A_225 : memref<128xi32, #tpu.memory_space<vmem>>) semaphore(%arg29 : memref<!tpu.dma_semaphore, #tpu.memory_space<semaphore_mem>>) {add = true}
      %add3A_229 = arith.constant 4 : i32
      %add3A_230 = arith.addi %add3A_216, %add3A_229 : i32
      %lt3A_231 = arith.constant 40 : i32
      %lt3A_232 = arith.cmpi slt, %add3A_230, %lt3A_231 : i32
      %convert_element_type3A_233 = arith.extui %lt3A_232 : i1 to i32
      %cond3A_234 = arith.constant 0 : i32
      %cond3A_235 = arith.cmpi ne, %convert_element_type3A_233, %cond3A_234 : i32
      scf.if %cond3A_235 {
        %add3A_328 = arith.constant 4 : i32
        %add3A_329 = arith.addi %add3A_216, %add3A_328 : i32
        %ge3A = arith.constant 8 : i32
        %ge3A_330 = arith.cmpi sge, %add3A_329, %ge3A : i32
        %convert_element_type3A_331 = arith.extui %ge3A_330 : i1 to i32
        %cond3A_332 = arith.constant 0 : i32
        %cond3A_333 = arith.cmpi ne, %convert_element_type3A_331, %cond3A_332 : i32
        scf.if %cond3A_333 {
          %dma_wait3A_342 = arith.constant 0 : i32
          %dma_wait3A_343 = tpu.memref_slice %arg7[%add3A_216, %dma_wait3A_342] : memref<40x128xi32, #tpu.memory_space<vmem>> -> memref<1x128xi32, #tpu.memory_space<vmem>>
          %dma_wait3A_344 = tpu.memref_squeeze %dma_wait3A_343 : memref<1x128xi32, #tpu.memory_space<vmem>> -> memref<128xi32, #tpu.memory_space<vmem>>
          %dma_wait3A_345 = arith.constant 0 : i32
          %dma_wait3A_346 = arith.constant 0 : i32
          %dma_wait3A_347 = tpu.memref_slice %arg16[%dma_wait3A_345, %dma_wait3A_346] : memref<10240x32xf32, #tpu.memory_space<vmem_shared>> -> memref<10240x32xf32, #tpu.memory_space<vmem_shared>>
          tpu.wait_indirect_dma semaphore(%arg33 : memref<!tpu.dma_semaphore, #tpu.memory_space<semaphore_mem>>) src(%arg15 : memref<128x32xf32, #tpu.memory_space<vmem>>) dst(%dma_wait3A_347 : memref<10240x32xf32, #tpu.memory_space<vmem_shared>>)
        } else {
        }
        %add3A_334 = arith.constant 4 : i32
        %add3A_335 = arith.addi %add3A_216, %add3A_334 : i32
        %dma_start3A_336 = arith.constant 0 : i32
        %dma_start3A_337 = tpu.memref_slice %arg6[%add3A_335, %dma_start3A_336] : memref<40x128xi32, #tpu.memory_space<vmem>> -> memref<1x128xi32, #tpu.memory_space<vmem>>
        %dma_start3A_338 = tpu.memref_squeeze %dma_start3A_337 : memref<1x128xi32, #tpu.memory_space<vmem>> -> memref<128xi32, #tpu.memory_space<vmem>>
        %dma_start3A_339 = arith.constant 0 : i32
        %dma_start3A_340 = arith.constant 0 : i32
        %dma_start3A_341 = tpu.memref_slice %arg17[%dma_start3A_339, %dma_start3A_340] : memref<10240x32xf32, #tpu.memory_space<vmem_shared>> -> memref<10240x32xf32, #tpu.memory_space<vmem_shared>>
        tpu.enqueue_indirect_dma source(%dma_start3A_341 : memref<10240x32xf32, #tpu.memory_space<vmem_shared>>) target(%arg15 : memref<128x32xf32, #tpu.memory_space<vmem>>) offsets(%dma_start3A_338 : memref<128xi32, #tpu.memory_space<vmem>>) semaphore(%arg25 : memref<!tpu.dma_semaphore, #tpu.memory_space<semaphore_mem>>)
      } else {
      }
      %mul3A_236 = arith.constant 8 : i32
      %mul3A_237 = arith.muli %mul3A_236, %scan3A_144 : i32
      %add3A_238 = arith.constant 4 : i32
      %add3A_239 = arith.addi %mul3A_237, %add3A_238 : i32
      %dma_wait3A_240 = arith.constant 0 : i32
      %dma_wait3A_241 = tpu.memref_slice %arg6[%add3A_239, %dma_wait3A_240] : memref<40x128xi32, #tpu.memory_space<vmem>> -> memref<1x128xi32, #tpu.memory_space<vmem>>
      %dma_wait3A_242 = tpu.memref_squeeze %dma_wait3A_241 : memref<1x128xi32, #tpu.memory_space<vmem>> -> memref<128xi32, #tpu.memory_space<vmem>>
      %dma_wait3A_243 = arith.constant 0 : i32
      %dma_wait3A_244 = arith.constant 0 : i32
      %dma_wait3A_245 = tpu.memref_slice %arg17[%dma_wait3A_243, %dma_wait3A_244] : memref<10240x32xf32, #tpu.memory_space<vmem_shared>> -> memref<10240x32xf32, #tpu.memory_space<vmem_shared>>
      tpu.wait_indirect_dma semaphore(%arg22 : memref<!tpu.dma_semaphore, #tpu.memory_space<semaphore_mem>>) src(%dma_wait3A_245 : memref<10240x32xf32, #tpu.memory_space<vmem_shared>>) dst(%arg12 : memref<128x32xf32, #tpu.memory_space<vmem>>)
      %dma_start3A_246 = arith.constant 0 : i32
      %dma_start3A_247 = tpu.memref_slice %arg7[%add3A_239, %dma_start3A_246] : memref<40x128xi32, #tpu.memory_space<vmem>> -> memref<1x128xi32, #tpu.memory_space<vmem>>
      %dma_start3A_248 = tpu.memref_squeeze %dma_start3A_247 : memref<1x128xi32, #tpu.memory_space<vmem>> -> memref<128xi32, #tpu.memory_space<vmem>>
      %dma_start3A_249 = arith.constant 0 : i32
      %dma_start3A_250 = arith.constant 0 : i32
      %dma_start3A_251 = tpu.memref_slice %arg16[%dma_start3A_249, %dma_start3A_250] : memref<10240x32xf32, #tpu.memory_space<vmem_shared>> -> memref<10240x32xf32, #tpu.memory_space<vmem_shared>>
      tpu.enqueue_indirect_dma source(%arg12 : memref<128x32xf32, #tpu.memory_space<vmem>>) target(%dma_start3A_251 : memref<10240x32xf32, #tpu.memory_space<vmem_shared>>) offsets(%dma_start3A_248 : memref<128xi32, #tpu.memory_space<vmem>>) semaphore(%arg30 : memref<!tpu.dma_semaphore, #tpu.memory_space<semaphore_mem>>) {add = true}
      %add3A_252 = arith.constant 4 : i32
      %add3A_253 = arith.addi %add3A_239, %add3A_252 : i32
      %lt3A_254 = arith.constant 40 : i32
      %lt3A_255 = arith.cmpi slt, %add3A_253, %lt3A_254 : i32
      %convert_element_type3A_256 = arith.extui %lt3A_255 : i1 to i32
      %cond3A_257 = arith.constant 0 : i32
      %cond3A_258 = arith.cmpi ne, %convert_element_type3A_256, %cond3A_257 : i32
      scf.if %cond3A_258 {
        %add3A_328 = arith.constant 4 : i32
        %add3A_329 = arith.addi %add3A_239, %add3A_328 : i32
        %ge3A = arith.constant 8 : i32
        %ge3A_330 = arith.cmpi sge, %add3A_329, %ge3A : i32
        %convert_element_type3A_331 = arith.extui %ge3A_330 : i1 to i32
        %cond3A_332 = arith.constant 0 : i32
        %cond3A_333 = arith.cmpi ne, %convert_element_type3A_331, %cond3A_332 : i32
        scf.if %cond3A_333 {
          %dma_wait3A_342 = arith.constant 0 : i32
          %dma_wait3A_343 = tpu.memref_slice %arg7[%add3A_239, %dma_wait3A_342] : memref<40x128xi32, #tpu.memory_space<vmem>> -> memref<1x128xi32, #tpu.memory_space<vmem>>
          %dma_wait3A_344 = tpu.memref_squeeze %dma_wait3A_343 : memref<1x128xi32, #tpu.memory_space<vmem>> -> memref<128xi32, #tpu.memory_space<vmem>>
          %dma_wait3A_345 = arith.constant 0 : i32
          %dma_wait3A_346 = arith.constant 0 : i32
          %dma_wait3A_347 = tpu.memref_slice %arg16[%dma_wait3A_345, %dma_wait3A_346] : memref<10240x32xf32, #tpu.memory_space<vmem_shared>> -> memref<10240x32xf32, #tpu.memory_space<vmem_shared>>
          tpu.wait_indirect_dma semaphore(%arg26 : memref<!tpu.dma_semaphore, #tpu.memory_space<semaphore_mem>>) src(%arg8 : memref<128x32xf32, #tpu.memory_space<vmem>>) dst(%dma_wait3A_347 : memref<10240x32xf32, #tpu.memory_space<vmem_shared>>)
        } else {
        }
        %add3A_334 = arith.constant 4 : i32
        %add3A_335 = arith.addi %add3A_239, %add3A_334 : i32
        %dma_start3A_336 = arith.constant 0 : i32
        %dma_start3A_337 = tpu.memref_slice %arg6[%add3A_335, %dma_start3A_336] : memref<40x128xi32, #tpu.memory_space<vmem>> -> memref<1x128xi32, #tpu.memory_space<vmem>>
        %dma_start3A_338 = tpu.memref_squeeze %dma_start3A_337 : memref<1x128xi32, #tpu.memory_space<vmem>> -> memref<128xi32, #tpu.memory_space<vmem>>
        %dma_start3A_339 = arith.constant 0 : i32
        %dma_start3A_340 = arith.constant 0 : i32
        %dma_start3A_341 = tpu.memref_slice %arg17[%dma_start3A_339, %dma_start3A_340] : memref<10240x32xf32, #tpu.memory_space<vmem_shared>> -> memref<10240x32xf32, #tpu.memory_space<vmem_shared>>
        tpu.enqueue_indirect_dma source(%dma_start3A_341 : memref<10240x32xf32, #tpu.memory_space<vmem_shared>>) target(%arg8 : memref<128x32xf32, #tpu.memory_space<vmem>>) offsets(%dma_start3A_338 : memref<128xi32, #tpu.memory_space<vmem>>) semaphore(%arg18 : memref<!tpu.dma_semaphore, #tpu.memory_space<semaphore_mem>>)
      } else {
      }
      %mul3A_259 = arith.constant 8 : i32
      %mul3A_260 = arith.muli %mul3A_259, %scan3A_144 : i32
      %add3A_261 = arith.constant 5 : i32
      %add3A_262 = arith.addi %mul3A_260, %add3A_261 : i32
      %dma_wait3A_263 = arith.constant 0 : i32
      %dma_wait3A_264 = tpu.memref_slice %arg6[%add3A_262, %dma_wait3A_263] : memref<40x128xi32, #tpu.memory_space<vmem>> -> memref<1x128xi32, #tpu.memory_space<vmem>>
      %dma_wait3A_265 = tpu.memref_squeeze %dma_wait3A_264 : memref<1x128xi32, #tpu.memory_space<vmem>> -> memref<128xi32, #tpu.memory_space<vmem>>
      %dma_wait3A_266 = arith.constant 0 : i32
      %dma_wait3A_267 = arith.constant 0 : i32
      %dma_wait3A_268 = tpu.memref_slice %arg17[%dma_wait3A_266, %dma_wait3A_267] : memref<10240x32xf32, #tpu.memory_space<vmem_shared>> -> memref<10240x32xf32, #tpu.memory_space<vmem_shared>>
      tpu.wait_indirect_dma semaphore(%arg23 : memref<!tpu.dma_semaphore, #tpu.memory_space<semaphore_mem>>) src(%dma_wait3A_268 : memref<10240x32xf32, #tpu.memory_space<vmem_shared>>) dst(%arg13 : memref<128x32xf32, #tpu.memory_space<vmem>>)
      %dma_start3A_269 = arith.constant 0 : i32
      %dma_start3A_270 = tpu.memref_slice %arg7[%add3A_262, %dma_start3A_269] : memref<40x128xi32, #tpu.memory_space<vmem>> -> memref<1x128xi32, #tpu.memory_space<vmem>>
      %dma_start3A_271 = tpu.memref_squeeze %dma_start3A_270 : memref<1x128xi32, #tpu.memory_space<vmem>> -> memref<128xi32, #tpu.memory_space<vmem>>
      %dma_start3A_272 = arith.constant 0 : i32
      %dma_start3A_273 = arith.constant 0 : i32
      %dma_start3A_274 = tpu.memref_slice %arg16[%dma_start3A_272, %dma_start3A_273] : memref<10240x32xf32, #tpu.memory_space<vmem_shared>> -> memref<10240x32xf32, #tpu.memory_space<vmem_shared>>
      tpu.enqueue_indirect_dma source(%arg13 : memref<128x32xf32, #tpu.memory_space<vmem>>) target(%dma_start3A_274 : memref<10240x32xf32, #tpu.memory_space<vmem_shared>>) offsets(%dma_start3A_271 : memref<128xi32, #tpu.memory_space<vmem>>) semaphore(%arg31 : memref<!tpu.dma_semaphore, #tpu.memory_space<semaphore_mem>>) {add = true}
      %add3A_275 = arith.constant 4 : i32
      %add3A_276 = arith.addi %add3A_262, %add3A_275 : i32
      %lt3A_277 = arith.constant 40 : i32
      %lt3A_278 = arith.cmpi slt, %add3A_276, %lt3A_277 : i32
      %convert_element_type3A_279 = arith.extui %lt3A_278 : i1 to i32
      %cond3A_280 = arith.constant 0 : i32
      %cond3A_281 = arith.cmpi ne, %convert_element_type3A_279, %cond3A_280 : i32
      scf.if %cond3A_281 {
        %add3A_328 = arith.constant 4 : i32
        %add3A_329 = arith.addi %add3A_262, %add3A_328 : i32
        %ge3A = arith.constant 8 : i32
        %ge3A_330 = arith.cmpi sge, %add3A_329, %ge3A : i32
        %convert_element_type3A_331 = arith.extui %ge3A_330 : i1 to i32
        %cond3A_332 = arith.constant 0 : i32
        %cond3A_333 = arith.cmpi ne, %convert_element_type3A_331, %cond3A_332 : i32
        scf.if %cond3A_333 {
          %dma_wait3A_342 = arith.constant 0 : i32
          %dma_wait3A_343 = tpu.memref_slice %arg7[%add3A_262, %dma_wait3A_342] : memref<40x128xi32, #tpu.memory_space<vmem>> -> memref<1x128xi32, #tpu.memory_space<vmem>>
          %dma_wait3A_344 = tpu.memref_squeeze %dma_wait3A_343 : memref<1x128xi32, #tpu.memory_space<vmem>> -> memref<128xi32, #tpu.memory_space<vmem>>
          %dma_wait3A_345 = arith.constant 0 : i32
          %dma_wait3A_346 = arith.constant 0 : i32
          %dma_wait3A_347 = tpu.memref_slice %arg16[%dma_wait3A_345, %dma_wait3A_346] : memref<10240x32xf32, #tpu.memory_space<vmem_shared>> -> memref<10240x32xf32, #tpu.memory_space<vmem_shared>>
          tpu.wait_indirect_dma semaphore(%arg27 : memref<!tpu.dma_semaphore, #tpu.memory_space<semaphore_mem>>) src(%arg9 : memref<128x32xf32, #tpu.memory_space<vmem>>) dst(%dma_wait3A_347 : memref<10240x32xf32, #tpu.memory_space<vmem_shared>>)
        } else {
        }
        %add3A_334 = arith.constant 4 : i32
        %add3A_335 = arith.addi %add3A_262, %add3A_334 : i32
        %dma_start3A_336 = arith.constant 0 : i32
        %dma_start3A_337 = tpu.memref_slice %arg6[%add3A_335, %dma_start3A_336] : memref<40x128xi32, #tpu.memory_space<vmem>> -> memref<1x128xi32, #tpu.memory_space<vmem>>
        %dma_start3A_338 = tpu.memref_squeeze %dma_start3A_337 : memref<1x128xi32, #tpu.memory_space<vmem>> -> memref<128xi32, #tpu.memory_space<vmem>>
        %dma_start3A_339 = arith.constant 0 : i32
        %dma_start3A_340 = arith.constant 0 : i32
        %dma_start3A_341 = tpu.memref_slice %arg17[%dma_start3A_339, %dma_start3A_340] : memref<10240x32xf32, #tpu.memory_space<vmem_shared>> -> memref<10240x32xf32, #tpu.memory_space<vmem_shared>>
        tpu.enqueue_indirect_dma source(%dma_start3A_341 : memref<10240x32xf32, #tpu.memory_space<vmem_shared>>) target(%arg9 : memref<128x32xf32, #tpu.memory_space<vmem>>) offsets(%dma_start3A_338 : memref<128xi32, #tpu.memory_space<vmem>>) semaphore(%arg19 : memref<!tpu.dma_semaphore, #tpu.memory_space<semaphore_mem>>)
      } else {
      }
      %mul3A_282 = arith.constant 8 : i32
      %mul3A_283 = arith.muli %mul3A_282, %scan3A_144 : i32
      %add3A_284 = arith.constant 6 : i32
      %add3A_285 = arith.addi %mul3A_283, %add3A_284 : i32
      %dma_wait3A_286 = arith.constant 0 : i32
      %dma_wait3A_287 = tpu.memref_slice %arg6[%add3A_285, %dma_wait3A_286] : memref<40x128xi32, #tpu.memory_space<vmem>> -> memref<1x128xi32, #tpu.memory_space<vmem>>
      %dma_wait3A_288 = tpu.memref_squeeze %dma_wait3A_287 : memref<1x128xi32, #tpu.memory_space<vmem>> -> memref<128xi32, #tpu.memory_space<vmem>>
      %dma_wait3A_289 = arith.constant 0 : i32
      %dma_wait3A_290 = arith.constant 0 : i32
      %dma_wait3A_291 = tpu.memref_slice %arg17[%dma_wait3A_289, %dma_wait3A_290] : memref<10240x32xf32, #tpu.memory_space<vmem_shared>> -> memref<10240x32xf32, #tpu.memory_space<vmem_shared>>
      tpu.wait_indirect_dma semaphore(%arg24 : memref<!tpu.dma_semaphore, #tpu.memory_space<semaphore_mem>>) src(%dma_wait3A_291 : memref<10240x32xf32, #tpu.memory_space<vmem_shared>>) dst(%arg14 : memref<128x32xf32, #tpu.memory_space<vmem>>)
      %dma_start3A_292 = arith.constant 0 : i32
      %dma_start3A_293 = tpu.memref_slice %arg7[%add3A_285, %dma_start3A_292] : memref<40x128xi32, #tpu.memory_space<vmem>> -> memref<1x128xi32, #tpu.memory_space<vmem>>
      %dma_start3A_294 = tpu.memref_squeeze %dma_start3A_293 : memref<1x128xi32, #tpu.memory_space<vmem>> -> memref<128xi32, #tpu.memory_space<vmem>>
      %dma_start3A_295 = arith.constant 0 : i32
      %dma_start3A_296 = arith.constant 0 : i32
      %dma_start3A_297 = tpu.memref_slice %arg16[%dma_start3A_295, %dma_start3A_296] : memref<10240x32xf32, #tpu.memory_space<vmem_shared>> -> memref<10240x32xf32, #tpu.memory_space<vmem_shared>>
      tpu.enqueue_indirect_dma source(%arg14 : memref<128x32xf32, #tpu.memory_space<vmem>>) target(%dma_start3A_297 : memref<10240x32xf32, #tpu.memory_space<vmem_shared>>) offsets(%dma_start3A_294 : memref<128xi32, #tpu.memory_space<vmem>>) semaphore(%arg32 : memref<!tpu.dma_semaphore, #tpu.memory_space<semaphore_mem>>) {add = true}
      %add3A_298 = arith.constant 4 : i32
      %add3A_299 = arith.addi %add3A_285, %add3A_298 : i32
      %lt3A_300 = arith.constant 40 : i32
      %lt3A_301 = arith.cmpi slt, %add3A_299, %lt3A_300 : i32
      %convert_element_type3A_302 = arith.extui %lt3A_301 : i1 to i32
      %cond3A_303 = arith.constant 0 : i32
      %cond3A_304 = arith.cmpi ne, %convert_element_type3A_302, %cond3A_303 : i32
      scf.if %cond3A_304 {
        %add3A_328 = arith.constant 4 : i32
        %add3A_329 = arith.addi %add3A_285, %add3A_328 : i32
        %ge3A = arith.constant 8 : i32
        %ge3A_330 = arith.cmpi sge, %add3A_329, %ge3A : i32
        %convert_element_type3A_331 = arith.extui %ge3A_330 : i1 to i32
        %cond3A_332 = arith.constant 0 : i32
        %cond3A_333 = arith.cmpi ne, %convert_element_type3A_331, %cond3A_332 : i32
        scf.if %cond3A_333 {
          %dma_wait3A_342 = arith.constant 0 : i32
          %dma_wait3A_343 = tpu.memref_slice %arg7[%add3A_285, %dma_wait3A_342] : memref<40x128xi32, #tpu.memory_space<vmem>> -> memref<1x128xi32, #tpu.memory_space<vmem>>
          %dma_wait3A_344 = tpu.memref_squeeze %dma_wait3A_343 : memref<1x128xi32, #tpu.memory_space<vmem>> -> memref<128xi32, #tpu.memory_space<vmem>>
          %dma_wait3A_345 = arith.constant 0 : i32
          %dma_wait3A_346 = arith.constant 0 : i32
          %dma_wait3A_347 = tpu.memref_slice %arg16[%dma_wait3A_345, %dma_wait3A_346] : memref<10240x32xf32, #tpu.memory_space<vmem_shared>> -> memref<10240x32xf32, #tpu.memory_space<vmem_shared>>
          tpu.wait_indirect_dma semaphore(%arg28 : memref<!tpu.dma_semaphore, #tpu.memory_space<semaphore_mem>>) src(%arg10 : memref<128x32xf32, #tpu.memory_space<vmem>>) dst(%dma_wait3A_347 : memref<10240x32xf32, #tpu.memory_space<vmem_shared>>)
        } else {
        }
        %add3A_334 = arith.constant 4 : i32
        %add3A_335 = arith.addi %add3A_285, %add3A_334 : i32
        %dma_start3A_336 = arith.constant 0 : i32
        %dma_start3A_337 = tpu.memref_slice %arg6[%add3A_335, %dma_start3A_336] : memref<40x128xi32, #tpu.memory_space<vmem>> -> memref<1x128xi32, #tpu.memory_space<vmem>>
        %dma_start3A_338 = tpu.memref_squeeze %dma_start3A_337 : memref<1x128xi32, #tpu.memory_space<vmem>> -> memref<128xi32, #tpu.memory_space<vmem>>
        %dma_start3A_339 = arith.constant 0 : i32
        %dma_start3A_340 = arith.constant 0 : i32
        %dma_start3A_341 = tpu.memref_slice %arg17[%dma_start3A_339, %dma_start3A_340] : memref<10240x32xf32, #tpu.memory_space<vmem_shared>> -> memref<10240x32xf32, #tpu.memory_space<vmem_shared>>
        tpu.enqueue_indirect_dma source(%dma_start3A_341 : memref<10240x32xf32, #tpu.memory_space<vmem_shared>>) target(%arg10 : memref<128x32xf32, #tpu.memory_space<vmem>>) offsets(%dma_start3A_338 : memref<128xi32, #tpu.memory_space<vmem>>) semaphore(%arg20 : memref<!tpu.dma_semaphore, #tpu.memory_space<semaphore_mem>>)
      } else {
      }
      %mul3A_305 = arith.constant 8 : i32
      %mul3A_306 = arith.muli %mul3A_305, %scan3A_144 : i32
      %add3A_307 = arith.constant 7 : i32
      %add3A_308 = arith.addi %mul3A_306, %add3A_307 : i32
      %dma_wait3A_309 = arith.constant 0 : i32
      %dma_wait3A_310 = tpu.memref_slice %arg6[%add3A_308, %dma_wait3A_309] : memref<40x128xi32, #tpu.memory_space<vmem>> -> memref<1x128xi32, #tpu.memory_space<vmem>>
      %dma_wait3A_311 = tpu.memref_squeeze %dma_wait3A_310 : memref<1x128xi32, #tpu.memory_space<vmem>> -> memref<128xi32, #tpu.memory_space<vmem>>
      %dma_wait3A_312 = arith.constant 0 : i32
      %dma_wait3A_313 = arith.constant 0 : i32
      %dma_wait3A_314 = tpu.memref_slice %arg17[%dma_wait3A_312, %dma_wait3A_313] : memref<10240x32xf32, #tpu.memory_space<vmem_shared>> -> memref<10240x32xf32, #tpu.memory_space<vmem_shared>>
      tpu.wait_indirect_dma semaphore(%arg25 : memref<!tpu.dma_semaphore, #tpu.memory_space<semaphore_mem>>) src(%dma_wait3A_314 : memref<10240x32xf32, #tpu.memory_space<vmem_shared>>) dst(%arg15 : memref<128x32xf32, #tpu.memory_space<vmem>>)
      %dma_start3A_315 = arith.constant 0 : i32
      %dma_start3A_316 = tpu.memref_slice %arg7[%add3A_308, %dma_start3A_315] : memref<40x128xi32, #tpu.memory_space<vmem>> -> memref<1x128xi32, #tpu.memory_space<vmem>>
      %dma_start3A_317 = tpu.memref_squeeze %dma_start3A_316 : memref<1x128xi32, #tpu.memory_space<vmem>> -> memref<128xi32, #tpu.memory_space<vmem>>
      %dma_start3A_318 = arith.constant 0 : i32
      %dma_start3A_319 = arith.constant 0 : i32
      %dma_start3A_320 = tpu.memref_slice %arg16[%dma_start3A_318, %dma_start3A_319] : memref<10240x32xf32, #tpu.memory_space<vmem_shared>> -> memref<10240x32xf32, #tpu.memory_space<vmem_shared>>
      tpu.enqueue_indirect_dma source(%arg15 : memref<128x32xf32, #tpu.memory_space<vmem>>) target(%dma_start3A_320 : memref<10240x32xf32, #tpu.memory_space<vmem_shared>>) offsets(%dma_start3A_317 : memref<128xi32, #tpu.memory_space<vmem>>) semaphore(%arg33 : memref<!tpu.dma_semaphore, #tpu.memory_space<semaphore_mem>>) {add = true}
      %add3A_321 = arith.constant 4 : i32
      %add3A_322 = arith.addi %add3A_308, %add3A_321 : i32
      %lt3A_323 = arith.constant 40 : i32
      %lt3A_324 = arith.cmpi slt, %add3A_322, %lt3A_323 : i32
      %convert_element_type3A_325 = arith.extui %lt3A_324 : i1 to i32
      %cond3A_326 = arith.constant 0 : i32
      %cond3A_327 = arith.cmpi ne, %convert_element_type3A_325, %cond3A_326 : i32
      scf.if %cond3A_327 {
        %add3A_328 = arith.constant 4 : i32
        %add3A_329 = arith.addi %add3A_308, %add3A_328 : i32
        %ge3A = arith.constant 8 : i32
        %ge3A_330 = arith.cmpi sge, %add3A_329, %ge3A : i32
        %convert_element_type3A_331 = arith.extui %ge3A_330 : i1 to i32
        %cond3A_332 = arith.constant 0 : i32
        %cond3A_333 = arith.cmpi ne, %convert_element_type3A_331, %cond3A_332 : i32
        scf.if %cond3A_333 {
          %dma_wait3A_342 = arith.constant 0 : i32
          %dma_wait3A_343 = tpu.memref_slice %arg7[%add3A_308, %dma_wait3A_342] : memref<40x128xi32, #tpu.memory_space<vmem>> -> memref<1x128xi32, #tpu.memory_space<vmem>>
          %dma_wait3A_344 = tpu.memref_squeeze %dma_wait3A_343 : memref<1x128xi32, #tpu.memory_space<vmem>> -> memref<128xi32, #tpu.memory_space<vmem>>
          %dma_wait3A_345 = arith.constant 0 : i32
          %dma_wait3A_346 = arith.constant 0 : i32
          %dma_wait3A_347 = tpu.memref_slice %arg16[%dma_wait3A_345, %dma_wait3A_346] : memref<10240x32xf32, #tpu.memory_space<vmem_shared>> -> memref<10240x32xf32, #tpu.memory_space<vmem_shared>>
          tpu.wait_indirect_dma semaphore(%arg29 : memref<!tpu.dma_semaphore, #tpu.memory_space<semaphore_mem>>) src(%arg11 : memref<128x32xf32, #tpu.memory_space<vmem>>) dst(%dma_wait3A_347 : memref<10240x32xf32, #tpu.memory_space<vmem_shared>>)
        } else {
        }
        %add3A_334 = arith.constant 4 : i32
        %add3A_335 = arith.addi %add3A_308, %add3A_334 : i32
        %dma_start3A_336 = arith.constant 0 : i32
        %dma_start3A_337 = tpu.memref_slice %arg6[%add3A_335, %dma_start3A_336] : memref<40x128xi32, #tpu.memory_space<vmem>> -> memref<1x128xi32, #tpu.memory_space<vmem>>
        %dma_start3A_338 = tpu.memref_squeeze %dma_start3A_337 : memref<1x128xi32, #tpu.memory_space<vmem>> -> memref<128xi32, #tpu.memory_space<vmem>>
        %dma_start3A_339 = arith.constant 0 : i32
        %dma_start3A_340 = arith.constant 0 : i32
        %dma_start3A_341 = tpu.memref_slice %arg17[%dma_start3A_339, %dma_start3A_340] : memref<10240x32xf32, #tpu.memory_space<vmem_shared>> -> memref<10240x32xf32, #tpu.memory_space<vmem_shared>>
        tpu.enqueue_indirect_dma source(%dma_start3A_341 : memref<10240x32xf32, #tpu.memory_space<vmem_shared>>) target(%arg11 : memref<128x32xf32, #tpu.memory_space<vmem>>) offsets(%dma_start3A_338 : memref<128xi32, #tpu.memory_space<vmem>>) semaphore(%arg21 : memref<!tpu.dma_semaphore, #tpu.memory_space<semaphore_mem>>)
      } else {
      }
    }
    %scan3A_86 = arith.constant 5 : i32
    %dma_wait3A_87 = arith.constant 0 : i32
    %dma_wait3A_88 = arith.constant 0 : i32
    %dma_wait3A_89 = tpu.memref_slice %arg7[%dma_wait3A_87, %dma_wait3A_88] : memref<40x128xi32, #tpu.memory_space<vmem>> -> memref<1x128xi32, #tpu.memory_space<vmem>>
    %dma_wait3A_90 = tpu.memref_squeeze %dma_wait3A_89 : memref<1x128xi32, #tpu.memory_space<vmem>> -> memref<128xi32, #tpu.memory_space<vmem>>
    %dma_wait3A_91 = arith.constant 0 : i32
    %dma_wait3A_92 = arith.constant 0 : i32
    %dma_wait3A_93 = tpu.memref_slice %arg16[%dma_wait3A_91, %dma_wait3A_92] : memref<10240x32xf32, #tpu.memory_space<vmem_shared>> -> memref<10240x32xf32, #tpu.memory_space<vmem_shared>>
    tpu.wait_indirect_dma semaphore(%arg26 : memref<!tpu.dma_semaphore, #tpu.memory_space<semaphore_mem>>) src(%arg8 : memref<128x32xf32, #tpu.memory_space<vmem>>) dst(%dma_wait3A_93 : memref<10240x32xf32, #tpu.memory_space<vmem_shared>>)
    %dma_wait3A_94 = arith.constant 0 : i32
    %dma_wait3A_95 = arith.constant 0 : i32
    %dma_wait3A_96 = tpu.memref_slice %arg7[%dma_wait3A_94, %dma_wait3A_95] : memref<40x128xi32, #tpu.memory_space<vmem>> -> memref<1x128xi32, #tpu.memory_space<vmem>>
    %dma_wait3A_97 = tpu.memref_squeeze %dma_wait3A_96 : memref<1x128xi32, #tpu.memory_space<vmem>> -> memref<128xi32, #tpu.memory_space<vmem>>
    %dma_wait3A_98 = arith.constant 0 : i32
    %dma_wait3A_99 = arith.constant 0 : i32
    %dma_wait3A_100 = tpu.memref_slice %arg16[%dma_wait3A_98, %dma_wait3A_99] : memref<10240x32xf32, #tpu.memory_space<vmem_shared>> -> memref<10240x32xf32, #tpu.memory_space<vmem_shared>>
    tpu.wait_indirect_dma semaphore(%arg27 : memref<!tpu.dma_semaphore, #tpu.memory_space<semaphore_mem>>) src(%arg9 : memref<128x32xf32, #tpu.memory_space<vmem>>) dst(%dma_wait3A_100 : memref<10240x32xf32, #tpu.memory_space<vmem_shared>>)
    %dma_wait3A_101 = arith.constant 0 : i32
    %dma_wait3A_102 = arith.constant 0 : i32
    %dma_wait3A_103 = tpu.memref_slice %arg7[%dma_wait3A_101, %dma_wait3A_102] : memref<40x128xi32, #tpu.memory_space<vmem>> -> memref<1x128xi32, #tpu.memory_space<vmem>>
    %dma_wait3A_104 = tpu.memref_squeeze %dma_wait3A_103 : memref<1x128xi32, #tpu.memory_space<vmem>> -> memref<128xi32, #tpu.memory_space<vmem>>
    %dma_wait3A_105 = arith.constant 0 : i32
    %dma_wait3A_106 = arith.constant 0 : i32
    %dma_wait3A_107 = tpu.memref_slice %arg16[%dma_wait3A_105, %dma_wait3A_106] : memref<10240x32xf32, #tpu.memory_space<vmem_shared>> -> memref<10240x32xf32, #tpu.memory_space<vmem_shared>>
    tpu.wait_indirect_dma semaphore(%arg28 : memref<!tpu.dma_semaphore, #tpu.memory_space<semaphore_mem>>) src(%arg10 : memref<128x32xf32, #tpu.memory_space<vmem>>) dst(%dma_wait3A_107 : memref<10240x32xf32, #tpu.memory_space<vmem_shared>>)
    %dma_wait3A_108 = arith.constant 0 : i32
    %dma_wait3A_109 = arith.constant 0 : i32
    %dma_wait3A_110 = tpu.memref_slice %arg7[%dma_wait3A_108, %dma_wait3A_109] : memref<40x128xi32, #tpu.memory_space<vmem>> -> memref<1x128xi32, #tpu.memory_space<vmem>>
    %dma_wait3A_111 = tpu.memref_squeeze %dma_wait3A_110 : memref<1x128xi32, #tpu.memory_space<vmem>> -> memref<128xi32, #tpu.memory_space<vmem>>
    %dma_wait3A_112 = arith.constant 0 : i32
    %dma_wait3A_113 = arith.constant 0 : i32
    %dma_wait3A_114 = tpu.memref_slice %arg16[%dma_wait3A_112, %dma_wait3A_113] : memref<10240x32xf32, #tpu.memory_space<vmem_shared>> -> memref<10240x32xf32, #tpu.memory_space<vmem_shared>>
    tpu.wait_indirect_dma semaphore(%arg29 : memref<!tpu.dma_semaphore, #tpu.memory_space<semaphore_mem>>) src(%arg11 : memref<128x32xf32, #tpu.memory_space<vmem>>) dst(%dma_wait3A_114 : memref<10240x32xf32, #tpu.memory_space<vmem_shared>>)
    %dma_wait3A_115 = arith.constant 0 : i32
    %dma_wait3A_116 = arith.constant 0 : i32
    %dma_wait3A_117 = tpu.memref_slice %arg7[%dma_wait3A_115, %dma_wait3A_116] : memref<40x128xi32, #tpu.memory_space<vmem>> -> memref<1x128xi32, #tpu.memory_space<vmem>>
    %dma_wait3A_118 = tpu.memref_squeeze %dma_wait3A_117 : memref<1x128xi32, #tpu.memory_space<vmem>> -> memref<128xi32, #tpu.memory_space<vmem>>
    %dma_wait3A_119 = arith.constant 0 : i32
    %dma_wait3A_120 = arith.constant 0 : i32
    %dma_wait3A_121 = tpu.memref_slice %arg16[%dma_wait3A_119, %dma_wait3A_120] : memref<10240x32xf32, #tpu.memory_space<vmem_shared>> -> memref<10240x32xf32, #tpu.memory_space<vmem_shared>>
    tpu.wait_indirect_dma semaphore(%arg30 : memref<!tpu.dma_semaphore, #tpu.memory_space<semaphore_mem>>) src(%arg12 : memref<128x32xf32, #tpu.memory_space<vmem>>) dst(%dma_wait3A_121 : memref<10240x32xf32, #tpu.memory_space<vmem_shared>>)
    %dma_wait3A_122 = arith.constant 0 : i32
    %dma_wait3A_123 = arith.constant 0 : i32
    %dma_wait3A_124 = tpu.memref_slice %arg7[%dma_wait3A_122, %dma_wait3A_123] : memref<40x128xi32, #tpu.memory_space<vmem>> -> memref<1x128xi32, #tpu.memory_space<vmem>>
    %dma_wait3A_125 = tpu.memref_squeeze %dma_wait3A_124 : memref<1x128xi32, #tpu.memory_space<vmem>> -> memref<128xi32, #tpu.memory_space<vmem>>
    %dma_wait3A_126 = arith.constant 0 : i32
    %dma_wait3A_127 = arith.constant 0 : i32
    %dma_wait3A_128 = tpu.memref_slice %arg16[%dma_wait3A_126, %dma_wait3A_127] : memref<10240x32xf32, #tpu.memory_space<vmem_shared>> -> memref<10240x32xf32, #tpu.memory_space<vmem_shared>>
    tpu.wait_indirect_dma semaphore(%arg31 : memref<!tpu.dma_semaphore, #tpu.memory_space<semaphore_mem>>) src(%arg13 : memref<128x32xf32, #tpu.memory_space<vmem>>) dst(%dma_wait3A_128 : memref<10240x32xf32, #tpu.memory_space<vmem_shared>>)
    %dma_wait3A_129 = arith.constant 0 : i32
    %dma_wait3A_130 = arith.constant 0 : i32
    %dma_wait3A_131 = tpu.memref_slice %arg7[%dma_wait3A_129, %dma_wait3A_130] : memref<40x128xi32, #tpu.memory_space<vmem>> -> memref<1x128xi32, #tpu.memory_space<vmem>>
    %dma_wait3A_132 = tpu.memref_squeeze %dma_wait3A_131 : memref<1x128xi32, #tpu.memory_space<vmem>> -> memref<128xi32, #tpu.memory_space<vmem>>
    %dma_wait3A_133 = arith.constant 0 : i32
    %dma_wait3A_134 = arith.constant 0 : i32
    %dma_wait3A_135 = tpu.memref_slice %arg16[%dma_wait3A_133, %dma_wait3A_134] : memref<10240x32xf32, #tpu.memory_space<vmem_shared>> -> memref<10240x32xf32, #tpu.memory_space<vmem_shared>>
    tpu.wait_indirect_dma semaphore(%arg32 : memref<!tpu.dma_semaphore, #tpu.memory_space<semaphore_mem>>) src(%arg14 : memref<128x32xf32, #tpu.memory_space<vmem>>) dst(%dma_wait3A_135 : memref<10240x32xf32, #tpu.memory_space<vmem_shared>>)
    %dma_wait3A_136 = arith.constant 0 : i32
    %dma_wait3A_137 = arith.constant 0 : i32
    %dma_wait3A_138 = tpu.memref_slice %arg7[%dma_wait3A_136, %dma_wait3A_137] : memref<40x128xi32, #tpu.memory_space<vmem>> -> memref<1x128xi32, #tpu.memory_space<vmem>>
    %dma_wait3A_139 = tpu.memref_squeeze %dma_wait3A_138 : memref<1x128xi32, #tpu.memory_space<vmem>> -> memref<128xi32, #tpu.memory_space<vmem>>
    %dma_wait3A_140 = arith.constant 0 : i32
    %dma_wait3A_141 = arith.constant 0 : i32
    %dma_wait3A_142 = tpu.memref_slice %arg16[%dma_wait3A_140, %dma_wait3A_141] : memref<10240x32xf32, #tpu.memory_space<vmem_shared>> -> memref<10240x32xf32, #tpu.memory_space<vmem_shared>>
    tpu.wait_indirect_dma semaphore(%arg33 : memref<!tpu.dma_semaphore, #tpu.memory_space<semaphore_mem>>) src(%arg15 : memref<128x32xf32, #tpu.memory_space<vmem>>) dst(%dma_wait3A_142 : memref<10240x32xf32, #tpu.memory_space<vmem_shared>>)
    %barrier3A_143 = arith.constant 0 : index
    tpu.barrier barrier_id(%barrier3A_143)
    "tpu.region"() ({
      %run_scoped3A = tpu.sem_alloc : memref<!tpu.dma_semaphore, #tpu.memory_space<semaphore_mem>>
      %dma_start3A_144 = arith.constant 0 : i32
      %dma_start3A_145 = tpu.memref_slice %arg5[%arg0, %mul3A_7, %dma_start3A_144] : memref<2x10240x32xf32, #tpu.memory_space<hbm>> -> memref<1x640x32xf32, #tpu.memory_space<hbm>>
      %dma_start3A_146 = tpu.memref_squeeze %dma_start3A_145 : memref<1x640x32xf32, #tpu.memory_space<hbm>> -> memref<640x32xf32, #tpu.memory_space<hbm>>
      %dma_start3A_147 = arith.constant 0 : i32
      %dma_start3A_148 = tpu.memref_slice %arg16[%mul3A_7, %dma_start3A_147] : memref<10240x32xf32, #tpu.memory_space<vmem_shared>> -> memref<640x32xf32, #tpu.memory_space<vmem_shared>>
      tpu.enqueue_dma source(%dma_start3A_148 : memref<640x32xf32, #tpu.memory_space<vmem_shared>>) target(%dma_start3A_146 : memref<640x32xf32, #tpu.memory_space<hbm>>) target_semaphore(%run_scoped3A : memref<!tpu.dma_semaphore, #tpu.memory_space<semaphore_mem>>)
      %dma_wait3A_149 = arith.constant 0 : i32
      %dma_wait3A_150 = tpu.memref_slice %arg5[%arg0, %mul3A_7, %dma_wait3A_149] : memref<2x10240x32xf32, #tpu.memory_space<hbm>> -> memref<1x640x32xf32, #tpu.memory_space<hbm>>
      %dma_wait3A_151 = tpu.memref_squeeze %dma_wait3A_150 : memref<1x640x32xf32, #tpu.memory_space<hbm>> -> memref<640x32xf32, #tpu.memory_space<hbm>>
      %dma_wait3A_152 = arith.constant 0 : i32
      %dma_wait3A_153 = tpu.memref_slice %arg16[%mul3A_7, %dma_wait3A_152] : memref<10240x32xf32, #tpu.memory_space<vmem_shared>> -> memref<640x32xf32, #tpu.memory_space<vmem_shared>>
      tpu.wait_dma2 semaphore(%run_scoped3A : memref<!tpu.dma_semaphore, #tpu.memory_space<semaphore_mem>>) src(%dma_wait3A_153 : memref<640x32xf32, #tpu.memory_space<vmem_shared>>) dst(%dma_wait3A_151 : memref<640x32xf32, #tpu.memory_space<hbm>>)
      tpu.yield
    }) : () -> ()
    return
  }
}

#map = affine_map<(d0, d1) -> (0, 0)>
#map1 = affine_map<(d0, d1) -> (0, 0, 0)>
module attributes {stable_mosaic.version = 14 : i64} {
  func.func @_scatter_kernel(%arg0: i32, %arg1: i32, %arg2: memref<10240x32xf32, #tpu.memory_space<hbm>>, %arg3: memref<1280x128xi32, #tpu.memory_space<hbm>>, %arg4: memref<1280x128xi32, #tpu.memory_space<hbm>>, %arg5: memref<2x10240x32xf32, #tpu.memory_space<hbm>>, %arg6: memref<40x128xi32, #tpu.memory_space<vmem>>, %arg7: memref<40x128xi32, #tpu.memory_space<vmem>>, %arg8: memref<128x32xf32, #tpu.memory_space<vmem>>, %arg9: memref<128x32xf32, #tpu.memory_space<vmem>>, %arg10: memref<128x32xf32, #tpu.memory_space<vmem>>, %arg11: memref<128x32xf32, #tpu.memory_space<vmem>>, %arg12: memref<128x32xf32, #tpu.memory_space<vmem>>, %arg13: memref<128x32xf32, #tpu.memory_space<vmem>>, %arg14: memref<128x32xf32, #tpu.memory_space<vmem>>, %arg15: memref<128x32xf32, #tpu.memory_space<vmem>>, %arg16: memref<10240x32xf32, #tpu.memory_space<vmem_shared>>, %arg17: memref<10240x32xf32, #tpu.memory_space<vmem_shared>>, %arg18: memref<!tpu.dma_semaphore, #tpu.memory_space<semaphore_mem>>, %arg19: memref<!tpu.dma_semaphore, #tpu.memory_space<semaphore_mem>>, %arg20: memref<!tpu.dma_semaphore, #tpu.memory_space<semaphore_mem>>, %arg21: memref<!tpu.dma_semaphore, #tpu.memory_space<semaphore_mem>>, %arg22: memref<!tpu.dma_semaphore, #tpu.memory_space<semaphore_mem>>, %arg23: memref<!tpu.dma_semaphore, #tpu.memory_space<semaphore_mem>>, %arg24: memref<!tpu.dma_semaphore, #tpu.memory_space<semaphore_mem>>, %arg25: memref<!tpu.dma_semaphore, #tpu.memory_space<semaphore_mem>>, %arg26: memref<!tpu.dma_semaphore, #tpu.memory_space<semaphore_mem>>, %arg27: memref<!tpu.dma_semaphore, #tpu.memory_space<semaphore_mem>>, %arg28: memref<!tpu.dma_semaphore, #tpu.memory_space<semaphore_mem>>, %arg29: memref<!tpu.dma_semaphore, #tpu.memory_space<semaphore_mem>>, %arg30: memref<!tpu.dma_semaphore, #tpu.memory_space<semaphore_mem>>, %arg31: memref<!tpu.dma_semaphore, #tpu.memory_space<semaphore_mem>>, %arg32: memref<!tpu.dma_semaphore, #tpu.memory_space<semaphore_mem>>, %arg33: memref<!tpu.dma_semaphore, #tpu.memory_space<semaphore_mem>>) attributes {dimension_semantics = [#tpu.dimension_semantics<core_parallel>, #tpu.dimension_semantics<subcore_parallel>], iteration_bounds = array<i64: 2, 16>, scalar_prefetch = 0 : i64, scratch_operands = 28 : i64, tpu.core_type = #tpu.core_type<sc_vector_subcore>, window_params = [{transform_indices = #map}, {transform_indices = #map}, {transform_indices = #map}, {transform_indices = #map1}]} {
    %mul3A = arith.constant 16 : i32
    %mul3A_0 = arith.muli %arg0, %mul3A : i32
    %add3A = arith.addi %mul3A_0, %arg1 : i32
    %broadcast_in_dim3A = arith.constant 0.000000e+00 : f32
    %broadcast_in_dim3A_1 = vector.broadcast %broadcast_in_dim3A : f32 to vector<16xf32>
    %scan3A = arith.constant 0 : i32
    %scan3A_2 = arith.constant 128 : i32
    %scan3A_3 = arith.addi %scan3A, %scan3A_2 : i32
    %scan3A_4 = arith.constant 1 : i32
    scf.for %scan3A_144 = %scan3A to %scan3A_3 step %scan3A_4  : i32 {
      %swap3A = arith.index_cast %scan3A_144 : i32 to index
      %swap3A_145 = arith.constant 0 : index
      %swap3A_146 = tpu.vector_load %arg8[%swap3A, %swap3A_145] {strides = array<i32>} : memref<128x32xf32, #tpu.memory_space<vmem>>, vector<1x16xf32>,
      %swap3A_147 = vector.shape_cast %swap3A_146 : vector<1x16xf32> to vector<16xf32>
      %swap3A_148 = vector.shape_cast %broadcast_in_dim3A_1 : vector<16xf32> to vector<1x16xf32>
      tpu.vector_store %arg8[%swap3A, %swap3A_145], %swap3A_148 {strides = array<i32>} : memref<128x32xf32, #tpu.memory_space<vmem>>, vector<1x16xf32>,
      %swap3A_149 = arith.index_cast %scan3A_144 : i32 to index
      %swap3A_150 = arith.constant 16 : index
      %swap3A_151 = tpu.vector_load %arg8[%swap3A_149, %swap3A_150] {strides = array<i32>} : memref<128x32xf32, #tpu.memory_space<vmem>>, vector<1x16xf32>,
      %swap3A_152 = vector.shape_cast %swap3A_151 : vector<1x16xf32> to vector<16xf32>
      %swap3A_153 = vector.shape_cast %broadcast_in_dim3A_1 : vector<16xf32> to vector<1x16xf32>
      tpu.vector_store %arg8[%swap3A_149, %swap3A_150], %swap3A_153 {strides = array<i32>} : memref<128x32xf32, #tpu.memory_space<vmem>>, vector<1x16xf32>,
    }
    %scan3A_5 = arith.constant 128 : i32
    %mul3A_6 = arith.constant 640 : i32
    %mul3A_7 = arith.muli %arg1, %mul3A_6 : i32
    %eq3A = arith.constant 0 : i32
    %eq3A_8 = arith.cmpi eq, %arg0, %eq3A : i32
    %convert_element_type3A = arith.extui %eq3A_8 : i1 to i32
    %cond3A = arith.constant 0 : i32
    %cond3A_9 = arith.cmpi ne, %convert_element_type3A, %cond3A : i32
    scf.if %cond3A_9 {
      %dma_start3A_144 = arith.constant 0 : i32
      %dma_start3A_145 = tpu.memref_slice %arg16[%mul3A_7, %dma_start3A_144] : memref<10240x32xf32, #tpu.memory_space<vmem_shared>> -> memref<640x32xf32, #tpu.memory_space<vmem_shared>>
      %dma_start3A_146 = arith.constant 0 : i32
      %dma_start3A_147 = tpu.memref_slice %arg2[%mul3A_7, %dma_start3A_146] : memref<10240x32xf32, #tpu.memory_space<hbm>> -> memref<640x32xf32, #tpu.memory_space<hbm>>
      tpu.enqueue_dma source(%dma_start3A_147 : memref<640x32xf32, #tpu.memory_space<hbm>>) target(%dma_start3A_145 : memref<640x32xf32, #tpu.memory_space<vmem_shared>>) target_semaphore(%arg31 : memref<!tpu.dma_semaphore, #tpu.memory_space<semaphore_mem>>)
    } else {
    }
    %ne3A = arith.constant 0 : i32
    %ne3A_10 = arith.cmpi ne, %arg0, %ne3A : i32
    %convert_element_type3A_11 = arith.extui %ne3A_10 : i1 to i32
    %cond3A_12 = arith.constant 0 : i32
    %cond3A_13 = arith.cmpi ne, %convert_element_type3A_11, %cond3A_12 : i32
    scf.if %cond3A_13 {
      %add3A_144 = arith.constant 0 : i32
      %add3A_145 = arith.addi %mul3A_7, %add3A_144 : i32
      %dma_start3A_146 = arith.constant 0 : i32
      %dma_start3A_147 = tpu.memref_slice %arg16[%add3A_145, %dma_start3A_146] : memref<10240x32xf32, #tpu.memory_space<vmem_shared>> -> memref<128x32xf32, #tpu.memory_space<vmem_shared>>
      %dma_start3A_148 = arith.constant 0 : i32
      %dma_start3A_149 = tpu.memref_slice %arg16[%add3A_145, %dma_start3A_148] : memref<10240x32xf32, #tpu.memory_space<vmem_shared>> -> memref<128x32xf32, #tpu.memory_space<vmem_shared>>
      tpu.enqueue_dma source(%arg8 : memref<128x32xf32, #tpu.memory_space<vmem>>) target(%dma_start3A_149 : memref<128x32xf32, #tpu.memory_space<vmem_shared>>) target_semaphore(%arg26 : memref<!tpu.dma_semaphore, #tpu.memory_space<semaphore_mem>>)
      %add3A_150 = arith.constant 128 : i32
      %add3A_151 = arith.addi %mul3A_7, %add3A_150 : i32
      %dma_start3A_152 = arith.constant 0 : i32
      %dma_start3A_153 = tpu.memref_slice %arg16[%add3A_151, %dma_start3A_152] : memref<10240x32xf32, #tpu.memory_space<vmem_shared>> -> memref<128x32xf32, #tpu.memory_space<vmem_shared>>
      %dma_start3A_154 = arith.constant 0 : i32
      %dma_start3A_155 = tpu.memref_slice %arg16[%add3A_151, %dma_start3A_154] : memref<10240x32xf32, #tpu.memory_space<vmem_shared>> -> memref<128x32xf32, #tpu.memory_space<vmem_shared>>
      tpu.enqueue_dma source(%arg8 : memref<128x32xf32, #tpu.memory_space<vmem>>) target(%dma_start3A_155 : memref<128x32xf32, #tpu.memory_space<vmem_shared>>) target_semaphore(%arg27 : memref<!tpu.dma_semaphore, #tpu.memory_space<semaphore_mem>>)
      %add3A_156 = arith.constant 256 : i32
      %add3A_157 = arith.addi %mul3A_7, %add3A_156 : i32
      %dma_start3A_158 = arith.constant 0 : i32
      %dma_start3A_159 = tpu.memref_slice %arg16[%add3A_157, %dma_start3A_158] : memref<10240x32xf32, #tpu.memory_space<vmem_shared>> -> memref<128x32xf32, #tpu.memory_space<vmem_shared>>
      %dma_start3A_160 = arith.constant 0 : i32
      %dma_start3A_161 = tpu.memref_slice %arg16[%add3A_157, %dma_start3A_160] : memref<10240x32xf32, #tpu.memory_space<vmem_shared>> -> memref<128x32xf32, #tpu.memory_space<vmem_shared>>
      tpu.enqueue_dma source(%arg8 : memref<128x32xf32, #tpu.memory_space<vmem>>) target(%dma_start3A_161 : memref<128x32xf32, #tpu.memory_space<vmem_shared>>) target_semaphore(%arg28 : memref<!tpu.dma_semaphore, #tpu.memory_space<semaphore_mem>>)
      %add3A_162 = arith.constant 384 : i32
      %add3A_163 = arith.addi %mul3A_7, %add3A_162 : i32
      %dma_start3A_164 = arith.constant 0 : i32
      %dma_start3A_165 = tpu.memref_slice %arg16[%add3A_163, %dma_start3A_164] : memref<10240x32xf32, #tpu.memory_space<vmem_shared>> -> memref<128x32xf32, #tpu.memory_space<vmem_shared>>
      %dma_start3A_166 = arith.constant 0 : i32
      %dma_start3A_167 = tpu.memref_slice %arg16[%add3A_163, %dma_start3A_166] : memref<10240x32xf32, #tpu.memory_space<vmem_shared>> -> memref<128x32xf32, #tpu.memory_space<vmem_shared>>
      tpu.enqueue_dma source(%arg8 : memref<128x32xf32, #tpu.memory_space<vmem>>) target(%dma_start3A_167 : memref<128x32xf32, #tpu.memory_space<vmem_shared>>) target_semaphore(%arg29 : memref<!tpu.dma_semaphore, #tpu.memory_space<semaphore_mem>>)
      %add3A_168 = arith.constant 512 : i32
      %add3A_169 = arith.addi %mul3A_7, %add3A_168 : i32
      %dma_start3A_170 = arith.constant 0 : i32
      %dma_start3A_171 = tpu.memref_slice %arg16[%add3A_169, %dma_start3A_170] : memref<10240x32xf32, #tpu.memory_space<vmem_shared>> -> memref<128x32xf32, #tpu.memory_space<vmem_shared>>
      %dma_start3A_172 = arith.constant 0 : i32
      %dma_start3A_173 = tpu.memref_slice %arg16[%add3A_169, %dma_start3A_172] : memref<10240x32xf32, #tpu.memory_space<vmem_shared>> -> memref<128x32xf32, #tpu.memory_space<vmem_shared>>
      tpu.enqueue_dma source(%arg8 : memref<128x32xf32, #tpu.memory_space<vmem>>) target(%dma_start3A_173 : memref<128x32xf32, #tpu.memory_space<vmem_shared>>) target_semaphore(%arg30 : memref<!tpu.dma_semaphore, #tpu.memory_space<semaphore_mem>>)
    } else {
    }
    %mul3A_14 = arith.constant 40 : i32
    %mul3A_15 = arith.muli %add3A, %mul3A_14 : i32
    %dma_start3A = arith.constant 0 : i32
    %dma_start3A_16 = tpu.memref_slice %arg3[%mul3A_15, %dma_start3A] : memref<1280x128xi32, #tpu.memory_space<hbm>> -> memref<40x128xi32, #tpu.memory_space<hbm>>
    %dma_start3A_17 = arith.constant 0 : i32
    %dma_start3A_18 = tpu.memref_slice %arg3[%mul3A_15, %dma_start3A_17] : memref<1280x128xi32, #tpu.memory_space<hbm>> -> memref<40x128xi32, #tpu.memory_space<hbm>>
    tpu.enqueue_dma source(%dma_start3A_18 : memref<40x128xi32, #tpu.memory_space<hbm>>) target(%arg6 : memref<40x128xi32, #tpu.memory_space<vmem>>) target_semaphore(%arg18 : memref<!tpu.dma_semaphore, #tpu.memory_space<semaphore_mem>>)
    %mul3A_19 = arith.constant 40 : i32
    %mul3A_20 = arith.muli %add3A, %mul3A_19 : i32
    %dma_start3A_21 = arith.constant 0 : i32
    %dma_start3A_22 = tpu.memref_slice %arg4[%mul3A_20, %dma_start3A_21] : memref<1280x128xi32, #tpu.memory_space<hbm>> -> memref<40x128xi32, #tpu.memory_space<hbm>>
    %dma_start3A_23 = arith.constant 0 : i32
    %dma_start3A_24 = tpu.memref_slice %arg4[%mul3A_20, %dma_start3A_23] : memref<1280x128xi32, #tpu.memory_space<hbm>> -> memref<40x128xi32, #tpu.memory_space<hbm>>
    tpu.enqueue_dma source(%dma_start3A_24 : memref<40x128xi32, #tpu.memory_space<hbm>>) target(%arg7 : memref<40x128xi32, #tpu.memory_space<vmem>>) target_semaphore(%arg19 : memref<!tpu.dma_semaphore, #tpu.memory_space<semaphore_mem>>)
    %dma_start3A_25 = arith.constant 0 : i32
    %dma_start3A_26 = tpu.memref_slice %arg17[%mul3A_7, %dma_start3A_25] : memref<10240x32xf32, #tpu.memory_space<vmem_shared>> -> memref<640x32xf32, #tpu.memory_space<vmem_shared>>
    %dma_start3A_27 = arith.constant 0 : i32
    %dma_start3A_28 = tpu.memref_slice %arg2[%mul3A_7, %dma_start3A_27] : memref<10240x32xf32, #tpu.memory_space<hbm>> -> memref<640x32xf32, #tpu.memory_space<hbm>>
    tpu.enqueue_dma source(%dma_start3A_28 : memref<640x32xf32, #tpu.memory_space<hbm>>) target(%dma_start3A_26 : memref<640x32xf32, #tpu.memory_space<vmem_shared>>) target_semaphore(%arg20 : memref<!tpu.dma_semaphore, #tpu.memory_space<semaphore_mem>>)
    %eq3A_29 = arith.constant 0 : i32
    %eq3A_30 = arith.cmpi eq, %arg0, %eq3A_29 : i32
    %convert_element_type3A_31 = arith.extui %eq3A_30 : i1 to i32
    %cond3A_32 = arith.constant 0 : i32
    %cond3A_33 = arith.cmpi ne, %convert_element_type3A_31, %cond3A_32 : i32
    scf.if %cond3A_33 {
      %dma_wait3A_144 = arith.constant 0 : i32
      %dma_wait3A_145 = tpu.memref_slice %arg16[%mul3A_7, %dma_wait3A_144] : memref<10240x32xf32, #tpu.memory_space<vmem_shared>> -> memref<640x32xf32, #tpu.memory_space<vmem_shared>>
      %dma_wait3A_146 = arith.constant 0 : i32
      %dma_wait3A_147 = tpu.memref_slice %arg2[%mul3A_7, %dma_wait3A_146] : memref<10240x32xf32, #tpu.memory_space<hbm>> -> memref<640x32xf32, #tpu.memory_space<hbm>>
      tpu.wait_dma2 semaphore(%arg31 : memref<!tpu.dma_semaphore, #tpu.memory_space<semaphore_mem>>) src(%dma_wait3A_147 : memref<640x32xf32, #tpu.memory_space<hbm>>) dst(%dma_wait3A_145 : memref<640x32xf32, #tpu.memory_space<vmem_shared>>)
    } else {
    }
    %ne3A_34 = arith.constant 0 : i32
    %ne3A_35 = arith.cmpi ne, %arg0, %ne3A_34 : i32
    %convert_element_type3A_36 = arith.extui %ne3A_35 : i1 to i32
    %cond3A_37 = arith.constant 0 : i32
    %cond3A_38 = arith.cmpi ne, %convert_element_type3A_36, %cond3A_37 : i32
    scf.if %cond3A_38 {
      %add3A_144 = arith.constant 0 : i32
      %add3A_145 = arith.addi %mul3A_7, %add3A_144 : i32
      %dma_wait3A_146 = arith.constant 0 : i32
      %dma_wait3A_147 = tpu.memref_slice %arg16[%add3A_145, %dma_wait3A_146] : memref<10240x32xf32, #tpu.memory_space<vmem_shared>> -> memref<128x32xf32, #tpu.memory_space<vmem_shared>>
      %dma_wait3A_148 = arith.constant 0 : i32
      %dma_wait3A_149 = tpu.memref_slice %arg16[%add3A_145, %dma_wait3A_148] : memref<10240x32xf32, #tpu.memory_space<vmem_shared>> -> memref<128x32xf32, #tpu.memory_space<vmem_shared>>
      tpu.wait_dma2 semaphore(%arg26 : memref<!tpu.dma_semaphore, #tpu.memory_space<semaphore_mem>>) src(%arg8 : memref<128x32xf32, #tpu.memory_space<vmem>>) dst(%dma_wait3A_149 : memref<128x32xf32, #tpu.memory_space<vmem_shared>>)
      %add3A_150 = arith.constant 128 : i32
      %add3A_151 = arith.addi %mul3A_7, %add3A_150 : i32
      %dma_wait3A_152 = arith.constant 0 : i32
      %dma_wait3A_153 = tpu.memref_slice %arg16[%add3A_151, %dma_wait3A_152] : memref<10240x32xf32, #tpu.memory_space<vmem_shared>> -> memref<128x32xf32, #tpu.memory_space<vmem_shared>>
      %dma_wait3A_154 = arith.constant 0 : i32
      %dma_wait3A_155 = tpu.memref_slice %arg16[%add3A_151, %dma_wait3A_154] : memref<10240x32xf32, #tpu.memory_space<vmem_shared>> -> memref<128x32xf32, #tpu.memory_space<vmem_shared>>
      tpu.wait_dma2 semaphore(%arg27 : memref<!tpu.dma_semaphore, #tpu.memory_space<semaphore_mem>>) src(%arg8 : memref<128x32xf32, #tpu.memory_space<vmem>>) dst(%dma_wait3A_155 : memref<128x32xf32, #tpu.memory_space<vmem_shared>>)
      %add3A_156 = arith.constant 256 : i32
      %add3A_157 = arith.addi %mul3A_7, %add3A_156 : i32
      %dma_wait3A_158 = arith.constant 0 : i32
      %dma_wait3A_159 = tpu.memref_slice %arg16[%add3A_157, %dma_wait3A_158] : memref<10240x32xf32, #tpu.memory_space<vmem_shared>> -> memref<128x32xf32, #tpu.memory_space<vmem_shared>>
      %dma_wait3A_160 = arith.constant 0 : i32
      %dma_wait3A_161 = tpu.memref_slice %arg16[%add3A_157, %dma_wait3A_160] : memref<10240x32xf32, #tpu.memory_space<vmem_shared>> -> memref<128x32xf32, #tpu.memory_space<vmem_shared>>
      tpu.wait_dma2 semaphore(%arg28 : memref<!tpu.dma_semaphore, #tpu.memory_space<semaphore_mem>>) src(%arg8 : memref<128x32xf32, #tpu.memory_space<vmem>>) dst(%dma_wait3A_161 : memref<128x32xf32, #tpu.memory_space<vmem_shared>>)
      %add3A_162 = arith.constant 384 : i32
      %add3A_163 = arith.addi %mul3A_7, %add3A_162 : i32
      %dma_wait3A_164 = arith.constant 0 : i32
      %dma_wait3A_165 = tpu.memref_slice %arg16[%add3A_163, %dma_wait3A_164] : memref<10240x32xf32, #tpu.memory_space<vmem_shared>> -> memref<128x32xf32, #tpu.memory_space<vmem_shared>>
      %dma_wait3A_166 = arith.constant 0 : i32
      %dma_wait3A_167 = tpu.memref_slice %arg16[%add3A_163, %dma_wait3A_166] : memref<10240x32xf32, #tpu.memory_space<vmem_shared>> -> memref<128x32xf32, #tpu.memory_space<vmem_shared>>
      tpu.wait_dma2 semaphore(%arg29 : memref<!tpu.dma_semaphore, #tpu.memory_space<semaphore_mem>>) src(%arg8 : memref<128x32xf32, #tpu.memory_space<vmem>>) dst(%dma_wait3A_167 : memref<128x32xf32, #tpu.memory_space<vmem_shared>>)
      %add3A_168 = arith.constant 512 : i32
      %add3A_169 = arith.addi %mul3A_7, %add3A_168 : i32
      %dma_wait3A_170 = arith.constant 0 : i32
      %dma_wait3A_171 = tpu.memref_slice %arg16[%add3A_169, %dma_wait3A_170] : memref<10240x32xf32, #tpu.memory_space<vmem_shared>> -> memref<128x32xf32, #tpu.memory_space<vmem_shared>>
      %dma_wait3A_172 = arith.constant 0 : i32
      %dma_wait3A_173 = tpu.memref_slice %arg16[%add3A_169, %dma_wait3A_172] : memref<10240x32xf32, #tpu.memory_space<vmem_shared>> -> memref<128x32xf32, #tpu.memory_space<vmem_shared>>
      tpu.wait_dma2 semaphore(%arg30 : memref<!tpu.dma_semaphore, #tpu.memory_space<semaphore_mem>>) src(%arg8 : memref<128x32xf32, #tpu.memory_space<vmem>>) dst(%dma_wait3A_173 : memref<128x32xf32, #tpu.memory_space<vmem_shared>>)
    } else {
    }
    %mul3A_39 = arith.constant 40 : i32
    %mul3A_40 = arith.muli %add3A, %mul3A_39 : i32
    %dma_wait3A = arith.constant 0 : i32
    %dma_wait3A_41 = tpu.memref_slice %arg3[%mul3A_40, %dma_wait3A] : memref<1280x128xi32, #tpu.memory_space<hbm>> -> memref<40x128xi32, #tpu.memory_space<hbm>>
    %dma_wait3A_42 = arith.constant 0 : i32
    %dma_wait3A_43 = tpu.memref_slice %arg3[%mul3A_40, %dma_wait3A_42] : memref<1280x128xi32, #tpu.memory_space<hbm>> -> memref<40x128xi32, #tpu.memory_space<hbm>>
    tpu.wait_dma2 semaphore(%arg18 : memref<!tpu.dma_semaphore, #tpu.memory_space<semaphore_mem>>) src(%dma_wait3A_43 : memref<40x128xi32, #tpu.memory_space<hbm>>) dst(%arg6 : memref<40x128xi32, #tpu.memory_space<vmem>>)
    %mul3A_44 = arith.constant 40 : i32
    %mul3A_45 = arith.muli %add3A, %mul3A_44 : i32
    %dma_wait3A_46 = arith.constant 0 : i32
    %dma_wait3A_47 = tpu.memref_slice %arg4[%mul3A_45, %dma_wait3A_46] : memref<1280x128xi32, #tpu.memory_space<hbm>> -> memref<40x128xi32, #tpu.memory_space<hbm>>
    %dma_wait3A_48 = arith.constant 0 : i32
    %dma_wait3A_49 = tpu.memref_slice %arg4[%mul3A_45, %dma_wait3A_48] : memref<1280x128xi32, #tpu.memory_space<hbm>> -> memref<40x128xi32, #tpu.memory_space<hbm>>
    tpu.wait_dma2 semaphore(%arg19 : memref<!tpu.dma_semaphore, #tpu.memory_space<semaphore_mem>>) src(%dma_wait3A_49 : memref<40x128xi32, #tpu.memory_space<hbm>>) dst(%arg7 : memref<40x128xi32, #tpu.memory_space<vmem>>)
    %dma_wait3A_50 = arith.constant 0 : i32
    %dma_wait3A_51 = tpu.memref_slice %arg17[%mul3A_7, %dma_wait3A_50] : memref<10240x32xf32, #tpu.memory_space<vmem_shared>> -> memref<640x32xf32, #tpu.memory_space<vmem_shared>>
    %dma_wait3A_52 = arith.constant 0 : i32
    %dma_wait3A_53 = tpu.memref_slice %arg2[%mul3A_7, %dma_wait3A_52] : memref<10240x32xf32, #tpu.memory_space<hbm>> -> memref<640x32xf32, #tpu.memory_space<hbm>>
    tpu.wait_dma2 semaphore(%arg20 : memref<!tpu.dma_semaphore, #tpu.memory_space<semaphore_mem>>) src(%dma_wait3A_53 : memref<640x32xf32, #tpu.memory_space<hbm>>) dst(%dma_wait3A_51 : memref<640x32xf32, #tpu.memory_space<vmem_shared>>)
    %barrier3A = arith.constant 0 : index
    tpu.barrier barrier_id(%barrier3A)
    %dma_start3A_54 = arith.constant 0 : i32
    %dma_start3A_55 = arith.constant 0 : i32
    %dma_start3A_56 = tpu.memref_slice %arg6[%dma_start3A_54, %dma_start3A_55] : memref<40x128xi32, #tpu.memory_space<vmem>> -> memref<1x128xi32, #tpu.memory_space<vmem>>
    %dma_start3A_57 = tpu.memref_squeeze %dma_start3A_56 : memref<1x128xi32, #tpu.memory_space<vmem>> -> memref<128xi32, #tpu.memory_space<vmem>>
    %dma_start3A_58 = arith.constant 0 : i32
    %dma_start3A_59 = arith.constant 0 : i32
    %dma_start3A_60 = tpu.memref_slice %arg17[%dma_start3A_58, %dma_start3A_59] : memref<10240x32xf32, #tpu.memory_space<vmem_shared>> -> memref<10240x32xf32, #tpu.memory_space<vmem_shared>>
    tpu.enqueue_indirect_dma source(%dma_start3A_60 : memref<10240x32xf32, #tpu.memory_space<vmem_shared>>) target(%arg8 : memref<128x32xf32, #tpu.memory_space<vmem>>) offsets(%dma_start3A_57 : memref<128xi32, #tpu.memory_space<vmem>>) semaphore(%arg18 : memref<!tpu.dma_semaphore, #tpu.memory_space<semaphore_mem>>)
    %dma_start3A_61 = arith.constant 1 : i32
    %dma_start3A_62 = arith.constant 0 : i32
    %dma_start3A_63 = tpu.memref_slice %arg6[%dma_start3A_61, %dma_start3A_62] : memref<40x128xi32, #tpu.memory_space<vmem>> -> memref<1x128xi32, #tpu.memory_space<vmem>>
    %dma_start3A_64 = tpu.memref_squeeze %dma_start3A_63 : memref<1x128xi32, #tpu.memory_space<vmem>> -> memref<128xi32, #tpu.memory_space<vmem>>
    %dma_start3A_65 = arith.constant 0 : i32
    %dma_start3A_66 = arith.constant 0 : i32
    %dma_start3A_67 = tpu.memref_slice %arg17[%dma_start3A_65, %dma_start3A_66] : memref<10240x32xf32, #tpu.memory_space<vmem_shared>> -> memref<10240x32xf32, #tpu.memory_space<vmem_shared>>
    tpu.enqueue_indirect_dma source(%dma_start3A_67 : memref<10240x32xf32, #tpu.memory_space<vmem_shared>>) target(%arg9 : memref<128x32xf32, #tpu.memory_space<vmem>>) offsets(%dma_start3A_64 : memref<128xi32, #tpu.memory_space<vmem>>) semaphore(%arg19 : memref<!tpu.dma_semaphore, #tpu.memory_space<semaphore_mem>>)
    %dma_start3A_68 = arith.constant 2 : i32
    %dma_start3A_69 = arith.constant 0 : i32
    %dma_start3A_70 = tpu.memref_slice %arg6[%dma_start3A_68, %dma_start3A_69] : memref<40x128xi32, #tpu.memory_space<vmem>> -> memref<1x128xi32, #tpu.memory_space<vmem>>
    %dma_start3A_71 = tpu.memref_squeeze %dma_start3A_70 : memref<1x128xi32, #tpu.memory_space<vmem>> -> memref<128xi32, #tpu.memory_space<vmem>>
    %dma_start3A_72 = arith.constant 0 : i32
    %dma_start3A_73 = arith.constant 0 : i32
    %dma_start3A_74 = tpu.memref_slice %arg17[%dma_start3A_72, %dma_start3A_73] : memref<10240x32xf32, #tpu.memory_space<vmem_shared>> -> memref<10240x32xf32, #tpu.memory_space<vmem_shared>>
    tpu.enqueue_indirect_dma source(%dma_start3A_74 : memref<10240x32xf32, #tpu.memory_space<vmem_shared>>) target(%arg10 : memref<128x32xf32, #tpu.memory_space<vmem>>) offsets(%dma_start3A_71 : memref<128xi32, #tpu.memory_space<vmem>>) semaphore(%arg20 : memref<!tpu.dma_semaphore, #tpu.memory_space<semaphore_mem>>)
    %dma_start3A_75 = arith.constant 3 : i32
    %dma_start3A_76 = arith.constant 0 : i32
    %dma_start3A_77 = tpu.memref_slice %arg6[%dma_start3A_75, %dma_start3A_76] : memref<40x128xi32, #tpu.memory_space<vmem>> -> memref<1x128xi32, #tpu.memory_space<vmem>>
    %dma_start3A_78 = tpu.memref_squeeze %dma_start3A_77 : memref<1x128xi32, #tpu.memory_space<vmem>> -> memref<128xi32, #tpu.memory_space<vmem>>
    %dma_start3A_79 = arith.constant 0 : i32
    %dma_start3A_80 = arith.constant 0 : i32
    %dma_start3A_81 = tpu.memref_slice %arg17[%dma_start3A_79, %dma_start3A_80] : memref<10240x32xf32, #tpu.memory_space<vmem_shared>> -> memref<10240x32xf32, #tpu.memory_space<vmem_shared>>
    tpu.enqueue_indirect_dma source(%dma_start3A_81 : memref<10240x32xf32, #tpu.memory_space<vmem_shared>>) target(%arg11 : memref<128x32xf32, #tpu.memory_space<vmem>>) offsets(%dma_start3A_78 : memref<128xi32, #tpu.memory_space<vmem>>) semaphore(%arg21 : memref<!tpu.dma_semaphore, #tpu.memory_space<semaphore_mem>>)
    %scan3A_82 = arith.constant 0 : i32
    %scan3A_83 = arith.constant 5 : i32
    %scan3A_84 = arith.addi %scan3A_82, %scan3A_83 : i32
    %scan3A_85 = arith.constant 1 : i32
    scf.for %scan3A_144 = %scan3A_82 to %scan3A_84 step %scan3A_85  : i32 {
      %mul3A_145 = arith.constant 8 : i32
      %mul3A_146 = arith.muli %mul3A_145, %scan3A_144 : i32
      %add3A_147 = arith.constant 0 : i32
      %add3A_148 = arith.addi %mul3A_146, %add3A_147 : i32
      %dma_wait3A_149 = arith.constant 0 : i32
      %dma_wait3A_150 = tpu.memref_slice %arg6[%add3A_148, %dma_wait3A_149] : memref<40x128xi32, #tpu.memory_space<vmem>> -> memref<1x128xi32, #tpu.memory_space<vmem>>
      %dma_wait3A_151 = tpu.memref_squeeze %dma_wait3A_150 : memref<1x128xi32, #tpu.memory_space<vmem>> -> memref<128xi32, #tpu.memory_space<vmem>>
      %dma_wait3A_152 = arith.constant 0 : i32
      %dma_wait3A_153 = arith.constant 0 : i32
      %dma_wait3A_154 = tpu.memref_slice %arg17[%dma_wait3A_152, %dma_wait3A_153] : memref<10240x32xf32, #tpu.memory_space<vmem_shared>> -> memref<10240x32xf32, #tpu.memory_space<vmem_shared>>
      tpu.wait_indirect_dma semaphore(%arg18 : memref<!tpu.dma_semaphore, #tpu.memory_space<semaphore_mem>>) src(%dma_wait3A_154 : memref<10240x32xf32, #tpu.memory_space<vmem_shared>>) dst(%arg8 : memref<128x32xf32, #tpu.memory_space<vmem>>)
      %dma_start3A_155 = arith.constant 0 : i32
      %dma_start3A_156 = tpu.memref_slice %arg7[%add3A_148, %dma_start3A_155] : memref<40x128xi32, #tpu.memory_space<vmem>> -> memref<1x128xi32, #tpu.memory_space<vmem>>
      %dma_start3A_157 = tpu.memref_squeeze %dma_start3A_156 : memref<1x128xi32, #tpu.memory_space<vmem>> -> memref<128xi32, #tpu.memory_space<vmem>>
      %dma_start3A_158 = arith.constant 0 : i32
      %dma_start3A_159 = arith.constant 0 : i32
      %dma_start3A_160 = tpu.memref_slice %arg16[%dma_start3A_158, %dma_start3A_159] : memref<10240x32xf32, #tpu.memory_space<vmem_shared>> -> memref<10240x32xf32, #tpu.memory_space<vmem_shared>>
      tpu.enqueue_indirect_dma source(%arg8 : memref<128x32xf32, #tpu.memory_space<vmem>>) target(%dma_start3A_160 : memref<10240x32xf32, #tpu.memory_space<vmem_shared>>) offsets(%dma_start3A_157 : memref<128xi32, #tpu.memory_space<vmem>>) semaphore(%arg26 : memref<!tpu.dma_semaphore, #tpu.memory_space<semaphore_mem>>) {add = true}
      %add3A_161 = arith.constant 4 : i32
      %add3A_162 = arith.addi %add3A_148, %add3A_161 : i32
      %lt3A = arith.constant 40 : i32
      %lt3A_163 = arith.cmpi slt, %add3A_162, %lt3A : i32
      %convert_element_type3A_164 = arith.extui %lt3A_163 : i1 to i32
      %cond3A_165 = arith.constant 0 : i32
      %cond3A_166 = arith.cmpi ne, %convert_element_type3A_164, %cond3A_165 : i32
      scf.if %cond3A_166 {
        %add3A_328 = arith.constant 4 : i32
        %add3A_329 = arith.addi %add3A_148, %add3A_328 : i32
        %ge3A = arith.constant 8 : i32
        %ge3A_330 = arith.cmpi sge, %add3A_329, %ge3A : i32
        %convert_element_type3A_331 = arith.extui %ge3A_330 : i1 to i32
        %cond3A_332 = arith.constant 0 : i32
        %cond3A_333 = arith.cmpi ne, %convert_element_type3A_331, %cond3A_332 : i32
        scf.if %cond3A_333 {
          %dma_wait3A_342 = arith.constant 0 : i32
          %dma_wait3A_343 = tpu.memref_slice %arg7[%add3A_148, %dma_wait3A_342] : memref<40x128xi32, #tpu.memory_space<vmem>> -> memref<1x128xi32, #tpu.memory_space<vmem>>
          %dma_wait3A_344 = tpu.memref_squeeze %dma_wait3A_343 : memref<1x128xi32, #tpu.memory_space<vmem>> -> memref<128xi32, #tpu.memory_space<vmem>>
          %dma_wait3A_345 = arith.constant 0 : i32
          %dma_wait3A_346 = arith.constant 0 : i32
          %dma_wait3A_347 = tpu.memref_slice %arg16[%dma_wait3A_345, %dma_wait3A_346] : memref<10240x32xf32, #tpu.memory_space<vmem_shared>> -> memref<10240x32xf32, #tpu.memory_space<vmem_shared>>
          tpu.wait_indirect_dma semaphore(%arg30 : memref<!tpu.dma_semaphore, #tpu.memory_space<semaphore_mem>>) src(%arg12 : memref<128x32xf32, #tpu.memory_space<vmem>>) dst(%dma_wait3A_347 : memref<10240x32xf32, #tpu.memory_space<vmem_shared>>)
        } else {
        }
        %add3A_334 = arith.constant 4 : i32
        %add3A_335 = arith.addi %add3A_148, %add3A_334 : i32
        %dma_start3A_336 = arith.constant 0 : i32
        %dma_start3A_337 = tpu.memref_slice %arg6[%add3A_335, %dma_start3A_336] : memref<40x128xi32, #tpu.memory_space<vmem>> -> memref<1x128xi32, #tpu.memory_space<vmem>>
        %dma_start3A_338 = tpu.memref_squeeze %dma_start3A_337 : memref<1x128xi32, #tpu.memory_space<vmem>> -> memref<128xi32, #tpu.memory_space<vmem>>
        %dma_start3A_339 = arith.constant 0 : i32
        %dma_start3A_340 = arith.constant 0 : i32
        %dma_start3A_341 = tpu.memref_slice %arg17[%dma_start3A_339, %dma_start3A_340] : memref<10240x32xf32, #tpu.memory_space<vmem_shared>> -> memref<10240x32xf32, #tpu.memory_space<vmem_shared>>
        tpu.enqueue_indirect_dma source(%dma_start3A_341 : memref<10240x32xf32, #tpu.memory_space<vmem_shared>>) target(%arg12 : memref<128x32xf32, #tpu.memory_space<vmem>>) offsets(%dma_start3A_338 : memref<128xi32, #tpu.memory_space<vmem>>) semaphore(%arg22 : memref<!tpu.dma_semaphore, #tpu.memory_space<semaphore_mem>>)
      } else {
      }
      %mul3A_167 = arith.constant 8 : i32
      %mul3A_168 = arith.muli %mul3A_167, %scan3A_144 : i32
      %add3A_169 = arith.constant 1 : i32
      %add3A_170 = arith.addi %mul3A_168, %add3A_169 : i32
      %dma_wait3A_171 = arith.constant 0 : i32
      %dma_wait3A_172 = tpu.memref_slice %arg6[%add3A_170, %dma_wait3A_171] : memref<40x128xi32, #tpu.memory_space<vmem>> -> memref<1x128xi32, #tpu.memory_space<vmem>>
      %dma_wait3A_173 = tpu.memref_squeeze %dma_wait3A_172 : memref<1x128xi32, #tpu.memory_space<vmem>> -> memref<128xi32, #tpu.memory_space<vmem>>
      %dma_wait3A_174 = arith.constant 0 : i32
      %dma_wait3A_175 = arith.constant 0 : i32
      %dma_wait3A_176 = tpu.memref_slice %arg17[%dma_wait3A_174, %dma_wait3A_175] : memref<10240x32xf32, #tpu.memory_space<vmem_shared>> -> memref<10240x32xf32, #tpu.memory_space<vmem_shared>>
      tpu.wait_indirect_dma semaphore(%arg19 : memref<!tpu.dma_semaphore, #tpu.memory_space<semaphore_mem>>) src(%dma_wait3A_176 : memref<10240x32xf32, #tpu.memory_space<vmem_shared>>) dst(%arg9 : memref<128x32xf32, #tpu.memory_space<vmem>>)
      %dma_start3A_177 = arith.constant 0 : i32
      %dma_start3A_178 = tpu.memref_slice %arg7[%add3A_170, %dma_start3A_177] : memref<40x128xi32, #tpu.memory_space<vmem>> -> memref<1x128xi32, #tpu.memory_space<vmem>>
      %dma_start3A_179 = tpu.memref_squeeze %dma_start3A_178 : memref<1x128xi32, #tpu.memory_space<vmem>> -> memref<128xi32, #tpu.memory_space<vmem>>
      %dma_start3A_180 = arith.constant 0 : i32
      %dma_start3A_181 = arith.constant 0 : i32
      %dma_start3A_182 = tpu.memref_slice %arg16[%dma_start3A_180, %dma_start3A_181] : memref<10240x32xf32, #tpu.memory_space<vmem_shared>> -> memref<10240x32xf32, #tpu.memory_space<vmem_shared>>
      tpu.enqueue_indirect_dma source(%arg9 : memref<128x32xf32, #tpu.memory_space<vmem>>) target(%dma_start3A_182 : memref<10240x32xf32, #tpu.memory_space<vmem_shared>>) offsets(%dma_start3A_179 : memref<128xi32, #tpu.memory_space<vmem>>) semaphore(%arg27 : memref<!tpu.dma_semaphore, #tpu.memory_space<semaphore_mem>>) {add = true}
      %add3A_183 = arith.constant 4 : i32
      %add3A_184 = arith.addi %add3A_170, %add3A_183 : i32
      %lt3A_185 = arith.constant 40 : i32
      %lt3A_186 = arith.cmpi slt, %add3A_184, %lt3A_185 : i32
      %convert_element_type3A_187 = arith.extui %lt3A_186 : i1 to i32
      %cond3A_188 = arith.constant 0 : i32
      %cond3A_189 = arith.cmpi ne, %convert_element_type3A_187, %cond3A_188 : i32
      scf.if %cond3A_189 {
        %add3A_328 = arith.constant 4 : i32
        %add3A_329 = arith.addi %add3A_170, %add3A_328 : i32
        %ge3A = arith.constant 8 : i32
        %ge3A_330 = arith.cmpi sge, %add3A_329, %ge3A : i32
        %convert_element_type3A_331 = arith.extui %ge3A_330 : i1 to i32
        %cond3A_332 = arith.constant 0 : i32
        %cond3A_333 = arith.cmpi ne, %convert_element_type3A_331, %cond3A_332 : i32
        scf.if %cond3A_333 {
          %dma_wait3A_342 = arith.constant 0 : i32
          %dma_wait3A_343 = tpu.memref_slice %arg7[%add3A_170, %dma_wait3A_342] : memref<40x128xi32, #tpu.memory_space<vmem>> -> memref<1x128xi32, #tpu.memory_space<vmem>>
          %dma_wait3A_344 = tpu.memref_squeeze %dma_wait3A_343 : memref<1x128xi32, #tpu.memory_space<vmem>> -> memref<128xi32, #tpu.memory_space<vmem>>
          %dma_wait3A_345 = arith.constant 0 : i32
          %dma_wait3A_346 = arith.constant 0 : i32
          %dma_wait3A_347 = tpu.memref_slice %arg16[%dma_wait3A_345, %dma_wait3A_346] : memref<10240x32xf32, #tpu.memory_space<vmem_shared>> -> memref<10240x32xf32, #tpu.memory_space<vmem_shared>>
          tpu.wait_indirect_dma semaphore(%arg31 : memref<!tpu.dma_semaphore, #tpu.memory_space<semaphore_mem>>) src(%arg13 : memref<128x32xf32, #tpu.memory_space<vmem>>) dst(%dma_wait3A_347 : memref<10240x32xf32, #tpu.memory_space<vmem_shared>>)
        } else {
        }
        %add3A_334 = arith.constant 4 : i32
        %add3A_335 = arith.addi %add3A_170, %add3A_334 : i32
        %dma_start3A_336 = arith.constant 0 : i32
        %dma_start3A_337 = tpu.memref_slice %arg6[%add3A_335, %dma_start3A_336] : memref<40x128xi32, #tpu.memory_space<vmem>> -> memref<1x128xi32, #tpu.memory_space<vmem>>
        %dma_start3A_338 = tpu.memref_squeeze %dma_start3A_337 : memref<1x128xi32, #tpu.memory_space<vmem>> -> memref<128xi32, #tpu.memory_space<vmem>>
        %dma_start3A_339 = arith.constant 0 : i32
        %dma_start3A_340 = arith.constant 0 : i32
        %dma_start3A_341 = tpu.memref_slice %arg17[%dma_start3A_339, %dma_start3A_340] : memref<10240x32xf32, #tpu.memory_space<vmem_shared>> -> memref<10240x32xf32, #tpu.memory_space<vmem_shared>>
        tpu.enqueue_indirect_dma source(%dma_start3A_341 : memref<10240x32xf32, #tpu.memory_space<vmem_shared>>) target(%arg13 : memref<128x32xf32, #tpu.memory_space<vmem>>) offsets(%dma_start3A_338 : memref<128xi32, #tpu.memory_space<vmem>>) semaphore(%arg23 : memref<!tpu.dma_semaphore, #tpu.memory_space<semaphore_mem>>)
      } else {
      }
      %mul3A_190 = arith.constant 8 : i32
      %mul3A_191 = arith.muli %mul3A_190, %scan3A_144 : i32
      %add3A_192 = arith.constant 2 : i32
      %add3A_193 = arith.addi %mul3A_191, %add3A_192 : i32
      %dma_wait3A_194 = arith.constant 0 : i32
      %dma_wait3A_195 = tpu.memref_slice %arg6[%add3A_193, %dma_wait3A_194] : memref<40x128xi32, #tpu.memory_space<vmem>> -> memref<1x128xi32, #tpu.memory_space<vmem>>
      %dma_wait3A_196 = tpu.memref_squeeze %dma_wait3A_195 : memref<1x128xi32, #tpu.memory_space<vmem>> -> memref<128xi32, #tpu.memory_space<vmem>>
      %dma_wait3A_197 = arith.constant 0 : i32
      %dma_wait3A_198 = arith.constant 0 : i32
      %dma_wait3A_199 = tpu.memref_slice %arg17[%dma_wait3A_197, %dma_wait3A_198] : memref<10240x32xf32, #tpu.memory_space<vmem_shared>> -> memref<10240x32xf32, #tpu.memory_space<vmem_shared>>
      tpu.wait_indirect_dma semaphore(%arg20 : memref<!tpu.dma_semaphore, #tpu.memory_space<semaphore_mem>>) src(%dma_wait3A_199 : memref<10240x32xf32, #tpu.memory_space<vmem_shared>>) dst(%arg10 : memref<128x32xf32, #tpu.memory_space<vmem>>)
      %dma_start3A_200 = arith.constant 0 : i32
      %dma_start3A_201 = tpu.memref_slice %arg7[%add3A_193, %dma_start3A_200] : memref<40x128xi32, #tpu.memory_space<vmem>> -> memref<1x128xi32, #tpu.memory_space<vmem>>
      %dma_start3A_202 = tpu.memref_squeeze %dma_start3A_201 : memref<1x128xi32, #tpu.memory_space<vmem>> -> memref<128xi32, #tpu.memory_space<vmem>>
      %dma_start3A_203 = arith.constant 0 : i32
      %dma_start3A_204 = arith.constant 0 : i32
      %dma_start3A_205 = tpu.memref_slice %arg16[%dma_start3A_203, %dma_start3A_204] : memref<10240x32xf32, #tpu.memory_space<vmem_shared>> -> memref<10240x32xf32, #tpu.memory_space<vmem_shared>>
      tpu.enqueue_indirect_dma source(%arg10 : memref<128x32xf32, #tpu.memory_space<vmem>>) target(%dma_start3A_205 : memref<10240x32xf32, #tpu.memory_space<vmem_shared>>) offsets(%dma_start3A_202 : memref<128xi32, #tpu.memory_space<vmem>>) semaphore(%arg28 : memref<!tpu.dma_semaphore, #tpu.memory_space<semaphore_mem>>) {add = true}
      %add3A_206 = arith.constant 4 : i32
      %add3A_207 = arith.addi %add3A_193, %add3A_206 : i32
      %lt3A_208 = arith.constant 40 : i32
      %lt3A_209 = arith.cmpi slt, %add3A_207, %lt3A_208 : i32
      %convert_element_type3A_210 = arith.extui %lt3A_209 : i1 to i32
      %cond3A_211 = arith.constant 0 : i32
      %cond3A_212 = arith.cmpi ne, %convert_element_type3A_210, %cond3A_211 : i32
      scf.if %cond3A_212 {
        %add3A_328 = arith.constant 4 : i32
        %add3A_329 = arith.addi %add3A_193, %add3A_328 : i32
        %ge3A = arith.constant 8 : i32
        %ge3A_330 = arith.cmpi sge, %add3A_329, %ge3A : i32
        %convert_element_type3A_331 = arith.extui %ge3A_330 : i1 to i32
        %cond3A_332 = arith.constant 0 : i32
        %cond3A_333 = arith.cmpi ne, %convert_element_type3A_331, %cond3A_332 : i32
        scf.if %cond3A_333 {
          %dma_wait3A_342 = arith.constant 0 : i32
          %dma_wait3A_343 = tpu.memref_slice %arg7[%add3A_193, %dma_wait3A_342] : memref<40x128xi32, #tpu.memory_space<vmem>> -> memref<1x128xi32, #tpu.memory_space<vmem>>
          %dma_wait3A_344 = tpu.memref_squeeze %dma_wait3A_343 : memref<1x128xi32, #tpu.memory_space<vmem>> -> memref<128xi32, #tpu.memory_space<vmem>>
          %dma_wait3A_345 = arith.constant 0 : i32
          %dma_wait3A_346 = arith.constant 0 : i32
          %dma_wait3A_347 = tpu.memref_slice %arg16[%dma_wait3A_345, %dma_wait3A_346] : memref<10240x32xf32, #tpu.memory_space<vmem_shared>> -> memref<10240x32xf32, #tpu.memory_space<vmem_shared>>
          tpu.wait_indirect_dma semaphore(%arg32 : memref<!tpu.dma_semaphore, #tpu.memory_space<semaphore_mem>>) src(%arg14 : memref<128x32xf32, #tpu.memory_space<vmem>>) dst(%dma_wait3A_347 : memref<10240x32xf32, #tpu.memory_space<vmem_shared>>)
        } else {
        }
        %add3A_334 = arith.constant 4 : i32
        %add3A_335 = arith.addi %add3A_193, %add3A_334 : i32
        %dma_start3A_336 = arith.constant 0 : i32
        %dma_start3A_337 = tpu.memref_slice %arg6[%add3A_335, %dma_start3A_336] : memref<40x128xi32, #tpu.memory_space<vmem>> -> memref<1x128xi32, #tpu.memory_space<vmem>>
        %dma_start3A_338 = tpu.memref_squeeze %dma_start3A_337 : memref<1x128xi32, #tpu.memory_space<vmem>> -> memref<128xi32, #tpu.memory_space<vmem>>
        %dma_start3A_339 = arith.constant 0 : i32
        %dma_start3A_340 = arith.constant 0 : i32
        %dma_start3A_341 = tpu.memref_slice %arg17[%dma_start3A_339, %dma_start3A_340] : memref<10240x32xf32, #tpu.memory_space<vmem_shared>> -> memref<10240x32xf32, #tpu.memory_space<vmem_shared>>
        tpu.enqueue_indirect_dma source(%dma_start3A_341 : memref<10240x32xf32, #tpu.memory_space<vmem_shared>>) target(%arg14 : memref<128x32xf32, #tpu.memory_space<vmem>>) offsets(%dma_start3A_338 : memref<128xi32, #tpu.memory_space<vmem>>) semaphore(%arg24 : memref<!tpu.dma_semaphore, #tpu.memory_space<semaphore_mem>>)
      } else {
      }
      %mul3A_213 = arith.constant 8 : i32
      %mul3A_214 = arith.muli %mul3A_213, %scan3A_144 : i32
      %add3A_215 = arith.constant 3 : i32
      %add3A_216 = arith.addi %mul3A_214, %add3A_215 : i32
      %dma_wait3A_217 = arith.constant 0 : i32
      %dma_wait3A_218 = tpu.memref_slice %arg6[%add3A_216, %dma_wait3A_217] : memref<40x128xi32, #tpu.memory_space<vmem>> -> memref<1x128xi32, #tpu.memory_space<vmem>>
      %dma_wait3A_219 = tpu.memref_squeeze %dma_wait3A_218 : memref<1x128xi32, #tpu.memory_space<vmem>> -> memref<128xi32, #tpu.memory_space<vmem>>
      %dma_wait3A_220 = arith.constant 0 : i32
      %dma_wait3A_221 = arith.constant 0 : i32
      %dma_wait3A_222 = tpu.memref_slice %arg17[%dma_wait3A_220, %dma_wait3A_221] : memref<10240x32xf32, #tpu.memory_space<vmem_shared>> -> memref<10240x32xf32, #tpu.memory_space<vmem_shared>>
      tpu.wait_indirect_dma semaphore(%arg21 : memref<!tpu.dma_semaphore, #tpu.memory_space<semaphore_mem>>) src(%dma_wait3A_222 : memref<10240x32xf32, #tpu.memory_space<vmem_shared>>) dst(%arg11 : memref<128x32xf32, #tpu.memory_space<vmem>>)
      %dma_start3A_223 = arith.constant 0 : i32
      %dma_start3A_224 = tpu.memref_slice %arg7[%add3A_216, %dma_start3A_223] : memref<40x128xi32, #tpu.memory_space<vmem>> -> memref<1x128xi32, #tpu.memory_space<vmem>>
      %dma_start3A_225 = tpu.memref_squeeze %dma_start3A_224 : memref<1x128xi32, #tpu.memory_space<vmem>> -> memref<128xi32, #tpu.memory_space<vmem>>
      %dma_start3A_226 = arith.constant 0 : i32
      %dma_start3A_227 = arith.constant 0 : i32
      %dma_start3A_228 = tpu.memref_slice %arg16[%dma_start3A_226, %dma_start3A_227] : memref<10240x32xf32, #tpu.memory_space<vmem_shared>> -> memref<10240x32xf32, #tpu.memory_space<vmem_shared>>
      tpu.enqueue_indirect_dma source(%arg11 : memref<128x32xf32, #tpu.memory_space<vmem>>) target(%dma_start3A_228 : memref<10240x32xf32, #tpu.memory_space<vmem_shared>>) offsets(%dma_start3A_225 : memref<128xi32, #tpu.memory_space<vmem>>) semaphore(%arg29 : memref<!tpu.dma_semaphore, #tpu.memory_space<semaphore_mem>>) {add = true}
      %add3A_229 = arith.constant 4 : i32
      %add3A_230 = arith.addi %add3A_216, %add3A_229 : i32
      %lt3A_231 = arith.constant 40 : i32
      %lt3A_232 = arith.cmpi slt, %add3A_230, %lt3A_231 : i32
      %convert_element_type3A_233 = arith.extui %lt3A_232 : i1 to i32
      %cond3A_234 = arith.constant 0 : i32
      %cond3A_235 = arith.cmpi ne, %convert_element_type3A_233, %cond3A_234 : i32
      scf.if %cond3A_235 {
        %add3A_328 = arith.constant 4 : i32
        %add3A_329 = arith.addi %add3A_216, %add3A_328 : i32
        %ge3A = arith.constant 8 : i32
        %ge3A_330 = arith.cmpi sge, %add3A_329, %ge3A : i32
        %convert_element_type3A_331 = arith.extui %ge3A_330 : i1 to i32
        %cond3A_332 = arith.constant 0 : i32
        %cond3A_333 = arith.cmpi ne, %convert_element_type3A_331, %cond3A_332 : i32
        scf.if %cond3A_333 {
          %dma_wait3A_342 = arith.constant 0 : i32
          %dma_wait3A_343 = tpu.memref_slice %arg7[%add3A_216, %dma_wait3A_342] : memref<40x128xi32, #tpu.memory_space<vmem>> -> memref<1x128xi32, #tpu.memory_space<vmem>>
          %dma_wait3A_344 = tpu.memref_squeeze %dma_wait3A_343 : memref<1x128xi32, #tpu.memory_space<vmem>> -> memref<128xi32, #tpu.memory_space<vmem>>
          %dma_wait3A_345 = arith.constant 0 : i32
          %dma_wait3A_346 = arith.constant 0 : i32
          %dma_wait3A_347 = tpu.memref_slice %arg16[%dma_wait3A_345, %dma_wait3A_346] : memref<10240x32xf32, #tpu.memory_space<vmem_shared>> -> memref<10240x32xf32, #tpu.memory_space<vmem_shared>>
          tpu.wait_indirect_dma semaphore(%arg33 : memref<!tpu.dma_semaphore, #tpu.memory_space<semaphore_mem>>) src(%arg15 : memref<128x32xf32, #tpu.memory_space<vmem>>) dst(%dma_wait3A_347 : memref<10240x32xf32, #tpu.memory_space<vmem_shared>>)
        } else {
        }
        %add3A_334 = arith.constant 4 : i32
        %add3A_335 = arith.addi %add3A_216, %add3A_334 : i32
        %dma_start3A_336 = arith.constant 0 : i32
        %dma_start3A_337 = tpu.memref_slice %arg6[%add3A_335, %dma_start3A_336] : memref<40x128xi32, #tpu.memory_space<vmem>> -> memref<1x128xi32, #tpu.memory_space<vmem>>
        %dma_start3A_338 = tpu.memref_squeeze %dma_start3A_337 : memref<1x128xi32, #tpu.memory_space<vmem>> -> memref<128xi32, #tpu.memory_space<vmem>>
        %dma_start3A_339 = arith.constant 0 : i32
        %dma_start3A_340 = arith.constant 0 : i32
        %dma_start3A_341 = tpu.memref_slice %arg17[%dma_start3A_339, %dma_start3A_340] : memref<10240x32xf32, #tpu.memory_space<vmem_shared>> -> memref<10240x32xf32, #tpu.memory_space<vmem_shared>>
        tpu.enqueue_indirect_dma source(%dma_start3A_341 : memref<10240x32xf32, #tpu.memory_space<vmem_shared>>) target(%arg15 : memref<128x32xf32, #tpu.memory_space<vmem>>) offsets(%dma_start3A_338 : memref<128xi32, #tpu.memory_space<vmem>>) semaphore(%arg25 : memref<!tpu.dma_semaphore, #tpu.memory_space<semaphore_mem>>)
      } else {
      }
      %mul3A_236 = arith.constant 8 : i32
      %mul3A_237 = arith.muli %mul3A_236, %scan3A_144 : i32
      %add3A_238 = arith.constant 4 : i32
      %add3A_239 = arith.addi %mul3A_237, %add3A_238 : i32
      %dma_wait3A_240 = arith.constant 0 : i32
      %dma_wait3A_241 = tpu.memref_slice %arg6[%add3A_239, %dma_wait3A_240] : memref<40x128xi32, #tpu.memory_space<vmem>> -> memref<1x128xi32, #tpu.memory_space<vmem>>
      %dma_wait3A_242 = tpu.memref_squeeze %dma_wait3A_241 : memref<1x128xi32, #tpu.memory_space<vmem>> -> memref<128xi32, #tpu.memory_space<vmem>>
      %dma_wait3A_243 = arith.constant 0 : i32
      %dma_wait3A_244 = arith.constant 0 : i32
      %dma_wait3A_245 = tpu.memref_slice %arg17[%dma_wait3A_243, %dma_wait3A_244] : memref<10240x32xf32, #tpu.memory_space<vmem_shared>> -> memref<10240x32xf32, #tpu.memory_space<vmem_shared>>
      tpu.wait_indirect_dma semaphore(%arg22 : memref<!tpu.dma_semaphore, #tpu.memory_space<semaphore_mem>>) src(%dma_wait3A_245 : memref<10240x32xf32, #tpu.memory_space<vmem_shared>>) dst(%arg12 : memref<128x32xf32, #tpu.memory_space<vmem>>)
      %dma_start3A_246 = arith.constant 0 : i32
      %dma_start3A_247 = tpu.memref_slice %arg7[%add3A_239, %dma_start3A_246] : memref<40x128xi32, #tpu.memory_space<vmem>> -> memref<1x128xi32, #tpu.memory_space<vmem>>
      %dma_start3A_248 = tpu.memref_squeeze %dma_start3A_247 : memref<1x128xi32, #tpu.memory_space<vmem>> -> memref<128xi32, #tpu.memory_space<vmem>>
      %dma_start3A_249 = arith.constant 0 : i32
      %dma_start3A_250 = arith.constant 0 : i32
      %dma_start3A_251 = tpu.memref_slice %arg16[%dma_start3A_249, %dma_start3A_250] : memref<10240x32xf32, #tpu.memory_space<vmem_shared>> -> memref<10240x32xf32, #tpu.memory_space<vmem_shared>>
      tpu.enqueue_indirect_dma source(%arg12 : memref<128x32xf32, #tpu.memory_space<vmem>>) target(%dma_start3A_251 : memref<10240x32xf32, #tpu.memory_space<vmem_shared>>) offsets(%dma_start3A_248 : memref<128xi32, #tpu.memory_space<vmem>>) semaphore(%arg30 : memref<!tpu.dma_semaphore, #tpu.memory_space<semaphore_mem>>) {add = true}
      %add3A_252 = arith.constant 4 : i32
      %add3A_253 = arith.addi %add3A_239, %add3A_252 : i32
      %lt3A_254 = arith.constant 40 : i32
      %lt3A_255 = arith.cmpi slt, %add3A_253, %lt3A_254 : i32
      %convert_element_type3A_256 = arith.extui %lt3A_255 : i1 to i32
      %cond3A_257 = arith.constant 0 : i32
      %cond3A_258 = arith.cmpi ne, %convert_element_type3A_256, %cond3A_257 : i32
      scf.if %cond3A_258 {
        %add3A_328 = arith.constant 4 : i32
        %add3A_329 = arith.addi %add3A_239, %add3A_328 : i32
        %ge3A = arith.constant 8 : i32
        %ge3A_330 = arith.cmpi sge, %add3A_329, %ge3A : i32
        %convert_element_type3A_331 = arith.extui %ge3A_330 : i1 to i32
        %cond3A_332 = arith.constant 0 : i32
        %cond3A_333 = arith.cmpi ne, %convert_element_type3A_331, %cond3A_332 : i32
        scf.if %cond3A_333 {
          %dma_wait3A_342 = arith.constant 0 : i32
          %dma_wait3A_343 = tpu.memref_slice %arg7[%add3A_239, %dma_wait3A_342] : memref<40x128xi32, #tpu.memory_space<vmem>> -> memref<1x128xi32, #tpu.memory_space<vmem>>
          %dma_wait3A_344 = tpu.memref_squeeze %dma_wait3A_343 : memref<1x128xi32, #tpu.memory_space<vmem>> -> memref<128xi32, #tpu.memory_space<vmem>>
          %dma_wait3A_345 = arith.constant 0 : i32
          %dma_wait3A_346 = arith.constant 0 : i32
          %dma_wait3A_347 = tpu.memref_slice %arg16[%dma_wait3A_345, %dma_wait3A_346] : memref<10240x32xf32, #tpu.memory_space<vmem_shared>> -> memref<10240x32xf32, #tpu.memory_space<vmem_shared>>
          tpu.wait_indirect_dma semaphore(%arg26 : memref<!tpu.dma_semaphore, #tpu.memory_space<semaphore_mem>>) src(%arg8 : memref<128x32xf32, #tpu.memory_space<vmem>>) dst(%dma_wait3A_347 : memref<10240x32xf32, #tpu.memory_space<vmem_shared>>)
        } else {
        }
        %add3A_334 = arith.constant 4 : i32
        %add3A_335 = arith.addi %add3A_239, %add3A_334 : i32
        %dma_start3A_336 = arith.constant 0 : i32
        %dma_start3A_337 = tpu.memref_slice %arg6[%add3A_335, %dma_start3A_336] : memref<40x128xi32, #tpu.memory_space<vmem>> -> memref<1x128xi32, #tpu.memory_space<vmem>>
        %dma_start3A_338 = tpu.memref_squeeze %dma_start3A_337 : memref<1x128xi32, #tpu.memory_space<vmem>> -> memref<128xi32, #tpu.memory_space<vmem>>
        %dma_start3A_339 = arith.constant 0 : i32
        %dma_start3A_340 = arith.constant 0 : i32
        %dma_start3A_341 = tpu.memref_slice %arg17[%dma_start3A_339, %dma_start3A_340] : memref<10240x32xf32, #tpu.memory_space<vmem_shared>> -> memref<10240x32xf32, #tpu.memory_space<vmem_shared>>
        tpu.enqueue_indirect_dma source(%dma_start3A_341 : memref<10240x32xf32, #tpu.memory_space<vmem_shared>>) target(%arg8 : memref<128x32xf32, #tpu.memory_space<vmem>>) offsets(%dma_start3A_338 : memref<128xi32, #tpu.memory_space<vmem>>) semaphore(%arg18 : memref<!tpu.dma_semaphore, #tpu.memory_space<semaphore_mem>>)
      } else {
      }
      %mul3A_259 = arith.constant 8 : i32
      %mul3A_260 = arith.muli %mul3A_259, %scan3A_144 : i32
      %add3A_261 = arith.constant 5 : i32
      %add3A_262 = arith.addi %mul3A_260, %add3A_261 : i32
      %dma_wait3A_263 = arith.constant 0 : i32
      %dma_wait3A_264 = tpu.memref_slice %arg6[%add3A_262, %dma_wait3A_263] : memref<40x128xi32, #tpu.memory_space<vmem>> -> memref<1x128xi32, #tpu.memory_space<vmem>>
      %dma_wait3A_265 = tpu.memref_squeeze %dma_wait3A_264 : memref<1x128xi32, #tpu.memory_space<vmem>> -> memref<128xi32, #tpu.memory_space<vmem>>
      %dma_wait3A_266 = arith.constant 0 : i32
      %dma_wait3A_267 = arith.constant 0 : i32
      %dma_wait3A_268 = tpu.memref_slice %arg17[%dma_wait3A_266, %dma_wait3A_267] : memref<10240x32xf32, #tpu.memory_space<vmem_shared>> -> memref<10240x32xf32, #tpu.memory_space<vmem_shared>>
      tpu.wait_indirect_dma semaphore(%arg23 : memref<!tpu.dma_semaphore, #tpu.memory_space<semaphore_mem>>) src(%dma_wait3A_268 : memref<10240x32xf32, #tpu.memory_space<vmem_shared>>) dst(%arg13 : memref<128x32xf32, #tpu.memory_space<vmem>>)
      %dma_start3A_269 = arith.constant 0 : i32
      %dma_start3A_270 = tpu.memref_slice %arg7[%add3A_262, %dma_start3A_269] : memref<40x128xi32, #tpu.memory_space<vmem>> -> memref<1x128xi32, #tpu.memory_space<vmem>>
      %dma_start3A_271 = tpu.memref_squeeze %dma_start3A_270 : memref<1x128xi32, #tpu.memory_space<vmem>> -> memref<128xi32, #tpu.memory_space<vmem>>
      %dma_start3A_272 = arith.constant 0 : i32
      %dma_start3A_273 = arith.constant 0 : i32
      %dma_start3A_274 = tpu.memref_slice %arg16[%dma_start3A_272, %dma_start3A_273] : memref<10240x32xf32, #tpu.memory_space<vmem_shared>> -> memref<10240x32xf32, #tpu.memory_space<vmem_shared>>
      tpu.enqueue_indirect_dma source(%arg13 : memref<128x32xf32, #tpu.memory_space<vmem>>) target(%dma_start3A_274 : memref<10240x32xf32, #tpu.memory_space<vmem_shared>>) offsets(%dma_start3A_271 : memref<128xi32, #tpu.memory_space<vmem>>) semaphore(%arg31 : memref<!tpu.dma_semaphore, #tpu.memory_space<semaphore_mem>>) {add = true}
      %add3A_275 = arith.constant 4 : i32
      %add3A_276 = arith.addi %add3A_262, %add3A_275 : i32
      %lt3A_277 = arith.constant 40 : i32
      %lt3A_278 = arith.cmpi slt, %add3A_276, %lt3A_277 : i32
      %convert_element_type3A_279 = arith.extui %lt3A_278 : i1 to i32
      %cond3A_280 = arith.constant 0 : i32
      %cond3A_281 = arith.cmpi ne, %convert_element_type3A_279, %cond3A_280 : i32
      scf.if %cond3A_281 {
        %add3A_328 = arith.constant 4 : i32
        %add3A_329 = arith.addi %add3A_262, %add3A_328 : i32
        %ge3A = arith.constant 8 : i32
        %ge3A_330 = arith.cmpi sge, %add3A_329, %ge3A : i32
        %convert_element_type3A_331 = arith.extui %ge3A_330 : i1 to i32
        %cond3A_332 = arith.constant 0 : i32
        %cond3A_333 = arith.cmpi ne, %convert_element_type3A_331, %cond3A_332 : i32
        scf.if %cond3A_333 {
          %dma_wait3A_342 = arith.constant 0 : i32
          %dma_wait3A_343 = tpu.memref_slice %arg7[%add3A_262, %dma_wait3A_342] : memref<40x128xi32, #tpu.memory_space<vmem>> -> memref<1x128xi32, #tpu.memory_space<vmem>>
          %dma_wait3A_344 = tpu.memref_squeeze %dma_wait3A_343 : memref<1x128xi32, #tpu.memory_space<vmem>> -> memref<128xi32, #tpu.memory_space<vmem>>
          %dma_wait3A_345 = arith.constant 0 : i32
          %dma_wait3A_346 = arith.constant 0 : i32
          %dma_wait3A_347 = tpu.memref_slice %arg16[%dma_wait3A_345, %dma_wait3A_346] : memref<10240x32xf32, #tpu.memory_space<vmem_shared>> -> memref<10240x32xf32, #tpu.memory_space<vmem_shared>>
          tpu.wait_indirect_dma semaphore(%arg27 : memref<!tpu.dma_semaphore, #tpu.memory_space<semaphore_mem>>) src(%arg9 : memref<128x32xf32, #tpu.memory_space<vmem>>) dst(%dma_wait3A_347 : memref<10240x32xf32, #tpu.memory_space<vmem_shared>>)
        } else {
        }
        %add3A_334 = arith.constant 4 : i32
        %add3A_335 = arith.addi %add3A_262, %add3A_334 : i32
        %dma_start3A_336 = arith.constant 0 : i32
        %dma_start3A_337 = tpu.memref_slice %arg6[%add3A_335, %dma_start3A_336] : memref<40x128xi32, #tpu.memory_space<vmem>> -> memref<1x128xi32, #tpu.memory_space<vmem>>
        %dma_start3A_338 = tpu.memref_squeeze %dma_start3A_337 : memref<1x128xi32, #tpu.memory_space<vmem>> -> memref<128xi32, #tpu.memory_space<vmem>>
        %dma_start3A_339 = arith.constant 0 : i32
        %dma_start3A_340 = arith.constant 0 : i32
        %dma_start3A_341 = tpu.memref_slice %arg17[%dma_start3A_339, %dma_start3A_340] : memref<10240x32xf32, #tpu.memory_space<vmem_shared>> -> memref<10240x32xf32, #tpu.memory_space<vmem_shared>>
        tpu.enqueue_indirect_dma source(%dma_start3A_341 : memref<10240x32xf32, #tpu.memory_space<vmem_shared>>) target(%arg9 : memref<128x32xf32, #tpu.memory_space<vmem>>) offsets(%dma_start3A_338 : memref<128xi32, #tpu.memory_space<vmem>>) semaphore(%arg19 : memref<!tpu.dma_semaphore, #tpu.memory_space<semaphore_mem>>)
      } else {
      }
      %mul3A_282 = arith.constant 8 : i32
      %mul3A_283 = arith.muli %mul3A_282, %scan3A_144 : i32
      %add3A_284 = arith.constant 6 : i32
      %add3A_285 = arith.addi %mul3A_283, %add3A_284 : i32
      %dma_wait3A_286 = arith.constant 0 : i32
      %dma_wait3A_287 = tpu.memref_slice %arg6[%add3A_285, %dma_wait3A_286] : memref<40x128xi32, #tpu.memory_space<vmem>> -> memref<1x128xi32, #tpu.memory_space<vmem>>
      %dma_wait3A_288 = tpu.memref_squeeze %dma_wait3A_287 : memref<1x128xi32, #tpu.memory_space<vmem>> -> memref<128xi32, #tpu.memory_space<vmem>>
      %dma_wait3A_289 = arith.constant 0 : i32
      %dma_wait3A_290 = arith.constant 0 : i32
      %dma_wait3A_291 = tpu.memref_slice %arg17[%dma_wait3A_289, %dma_wait3A_290] : memref<10240x32xf32, #tpu.memory_space<vmem_shared>> -> memref<10240x32xf32, #tpu.memory_space<vmem_shared>>
      tpu.wait_indirect_dma semaphore(%arg24 : memref<!tpu.dma_semaphore, #tpu.memory_space<semaphore_mem>>) src(%dma_wait3A_291 : memref<10240x32xf32, #tpu.memory_space<vmem_shared>>) dst(%arg14 : memref<128x32xf32, #tpu.memory_space<vmem>>)
      %dma_start3A_292 = arith.constant 0 : i32
      %dma_start3A_293 = tpu.memref_slice %arg7[%add3A_285, %dma_start3A_292] : memref<40x128xi32, #tpu.memory_space<vmem>> -> memref<1x128xi32, #tpu.memory_space<vmem>>
      %dma_start3A_294 = tpu.memref_squeeze %dma_start3A_293 : memref<1x128xi32, #tpu.memory_space<vmem>> -> memref<128xi32, #tpu.memory_space<vmem>>
      %dma_start3A_295 = arith.constant 0 : i32
      %dma_start3A_296 = arith.constant 0 : i32
      %dma_start3A_297 = tpu.memref_slice %arg16[%dma_start3A_295, %dma_start3A_296] : memref<10240x32xf32, #tpu.memory_space<vmem_shared>> -> memref<10240x32xf32, #tpu.memory_space<vmem_shared>>
      tpu.enqueue_indirect_dma source(%arg14 : memref<128x32xf32, #tpu.memory_space<vmem>>) target(%dma_start3A_297 : memref<10240x32xf32, #tpu.memory_space<vmem_shared>>) offsets(%dma_start3A_294 : memref<128xi32, #tpu.memory_space<vmem>>) semaphore(%arg32 : memref<!tpu.dma_semaphore, #tpu.memory_space<semaphore_mem>>) {add = true}
      %add3A_298 = arith.constant 4 : i32
      %add3A_299 = arith.addi %add3A_285, %add3A_298 : i32
      %lt3A_300 = arith.constant 40 : i32
      %lt3A_301 = arith.cmpi slt, %add3A_299, %lt3A_300 : i32
      %convert_element_type3A_302 = arith.extui %lt3A_301 : i1 to i32
      %cond3A_303 = arith.constant 0 : i32
      %cond3A_304 = arith.cmpi ne, %convert_element_type3A_302, %cond3A_303 : i32
      scf.if %cond3A_304 {
        %add3A_328 = arith.constant 4 : i32
        %add3A_329 = arith.addi %add3A_285, %add3A_328 : i32
        %ge3A = arith.constant 8 : i32
        %ge3A_330 = arith.cmpi sge, %add3A_329, %ge3A : i32
        %convert_element_type3A_331 = arith.extui %ge3A_330 : i1 to i32
        %cond3A_332 = arith.constant 0 : i32
        %cond3A_333 = arith.cmpi ne, %convert_element_type3A_331, %cond3A_332 : i32
        scf.if %cond3A_333 {
          %dma_wait3A_342 = arith.constant 0 : i32
          %dma_wait3A_343 = tpu.memref_slice %arg7[%add3A_285, %dma_wait3A_342] : memref<40x128xi32, #tpu.memory_space<vmem>> -> memref<1x128xi32, #tpu.memory_space<vmem>>
          %dma_wait3A_344 = tpu.memref_squeeze %dma_wait3A_343 : memref<1x128xi32, #tpu.memory_space<vmem>> -> memref<128xi32, #tpu.memory_space<vmem>>
          %dma_wait3A_345 = arith.constant 0 : i32
          %dma_wait3A_346 = arith.constant 0 : i32
          %dma_wait3A_347 = tpu.memref_slice %arg16[%dma_wait3A_345, %dma_wait3A_346] : memref<10240x32xf32, #tpu.memory_space<vmem_shared>> -> memref<10240x32xf32, #tpu.memory_space<vmem_shared>>
          tpu.wait_indirect_dma semaphore(%arg28 : memref<!tpu.dma_semaphore, #tpu.memory_space<semaphore_mem>>) src(%arg10 : memref<128x32xf32, #tpu.memory_space<vmem>>) dst(%dma_wait3A_347 : memref<10240x32xf32, #tpu.memory_space<vmem_shared>>)
        } else {
        }
        %add3A_334 = arith.constant 4 : i32
        %add3A_335 = arith.addi %add3A_285, %add3A_334 : i32
        %dma_start3A_336 = arith.constant 0 : i32
        %dma_start3A_337 = tpu.memref_slice %arg6[%add3A_335, %dma_start3A_336] : memref<40x128xi32, #tpu.memory_space<vmem>> -> memref<1x128xi32, #tpu.memory_space<vmem>>
        %dma_start3A_338 = tpu.memref_squeeze %dma_start3A_337 : memref<1x128xi32, #tpu.memory_space<vmem>> -> memref<128xi32, #tpu.memory_space<vmem>>
        %dma_start3A_339 = arith.constant 0 : i32
        %dma_start3A_340 = arith.constant 0 : i32
        %dma_start3A_341 = tpu.memref_slice %arg17[%dma_start3A_339, %dma_start3A_340] : memref<10240x32xf32, #tpu.memory_space<vmem_shared>> -> memref<10240x32xf32, #tpu.memory_space<vmem_shared>>
        tpu.enqueue_indirect_dma source(%dma_start3A_341 : memref<10240x32xf32, #tpu.memory_space<vmem_shared>>) target(%arg10 : memref<128x32xf32, #tpu.memory_space<vmem>>) offsets(%dma_start3A_338 : memref<128xi32, #tpu.memory_space<vmem>>) semaphore(%arg20 : memref<!tpu.dma_semaphore, #tpu.memory_space<semaphore_mem>>)
      } else {
      }
      %mul3A_305 = arith.constant 8 : i32
      %mul3A_306 = arith.muli %mul3A_305, %scan3A_144 : i32
      %add3A_307 = arith.constant 7 : i32
      %add3A_308 = arith.addi %mul3A_306, %add3A_307 : i32
      %dma_wait3A_309 = arith.constant 0 : i32
      %dma_wait3A_310 = tpu.memref_slice %arg6[%add3A_308, %dma_wait3A_309] : memref<40x128xi32, #tpu.memory_space<vmem>> -> memref<1x128xi32, #tpu.memory_space<vmem>>
      %dma_wait3A_311 = tpu.memref_squeeze %dma_wait3A_310 : memref<1x128xi32, #tpu.memory_space<vmem>> -> memref<128xi32, #tpu.memory_space<vmem>>
      %dma_wait3A_312 = arith.constant 0 : i32
      %dma_wait3A_313 = arith.constant 0 : i32
      %dma_wait3A_314 = tpu.memref_slice %arg17[%dma_wait3A_312, %dma_wait3A_313] : memref<10240x32xf32, #tpu.memory_space<vmem_shared>> -> memref<10240x32xf32, #tpu.memory_space<vmem_shared>>
      tpu.wait_indirect_dma semaphore(%arg25 : memref<!tpu.dma_semaphore, #tpu.memory_space<semaphore_mem>>) src(%dma_wait3A_314 : memref<10240x32xf32, #tpu.memory_space<vmem_shared>>) dst(%arg15 : memref<128x32xf32, #tpu.memory_space<vmem>>)
      %dma_start3A_315 = arith.constant 0 : i32
      %dma_start3A_316 = tpu.memref_slice %arg7[%add3A_308, %dma_start3A_315] : memref<40x128xi32, #tpu.memory_space<vmem>> -> memref<1x128xi32, #tpu.memory_space<vmem>>
      %dma_start3A_317 = tpu.memref_squeeze %dma_start3A_316 : memref<1x128xi32, #tpu.memory_space<vmem>> -> memref<128xi32, #tpu.memory_space<vmem>>
      %dma_start3A_318 = arith.constant 0 : i32
      %dma_start3A_319 = arith.constant 0 : i32
      %dma_start3A_320 = tpu.memref_slice %arg16[%dma_start3A_318, %dma_start3A_319] : memref<10240x32xf32, #tpu.memory_space<vmem_shared>> -> memref<10240x32xf32, #tpu.memory_space<vmem_shared>>
      tpu.enqueue_indirect_dma source(%arg15 : memref<128x32xf32, #tpu.memory_space<vmem>>) target(%dma_start3A_320 : memref<10240x32xf32, #tpu.memory_space<vmem_shared>>) offsets(%dma_start3A_317 : memref<128xi32, #tpu.memory_space<vmem>>) semaphore(%arg33 : memref<!tpu.dma_semaphore, #tpu.memory_space<semaphore_mem>>) {add = true}
      %add3A_321 = arith.constant 4 : i32
      %add3A_322 = arith.addi %add3A_308, %add3A_321 : i32
      %lt3A_323 = arith.constant 40 : i32
      %lt3A_324 = arith.cmpi slt, %add3A_322, %lt3A_323 : i32
      %convert_element_type3A_325 = arith.extui %lt3A_324 : i1 to i32
      %cond3A_326 = arith.constant 0 : i32
      %cond3A_327 = arith.cmpi ne, %convert_element_type3A_325, %cond3A_326 : i32
      scf.if %cond3A_327 {
        %add3A_328 = arith.constant 4 : i32
        %add3A_329 = arith.addi %add3A_308, %add3A_328 : i32
        %ge3A = arith.constant 8 : i32
        %ge3A_330 = arith.cmpi sge, %add3A_329, %ge3A : i32
        %convert_element_type3A_331 = arith.extui %ge3A_330 : i1 to i32
        %cond3A_332 = arith.constant 0 : i32
        %cond3A_333 = arith.cmpi ne, %convert_element_type3A_331, %cond3A_332 : i32
        scf.if %cond3A_333 {
          %dma_wait3A_342 = arith.constant 0 : i32
          %dma_wait3A_343 = tpu.memref_slice %arg7[%add3A_308, %dma_wait3A_342] : memref<40x128xi32, #tpu.memory_space<vmem>> -> memref<1x128xi32, #tpu.memory_space<vmem>>
          %dma_wait3A_344 = tpu.memref_squeeze %dma_wait3A_343 : memref<1x128xi32, #tpu.memory_space<vmem>> -> memref<128xi32, #tpu.memory_space<vmem>>
          %dma_wait3A_345 = arith.constant 0 : i32
          %dma_wait3A_346 = arith.constant 0 : i32
          %dma_wait3A_347 = tpu.memref_slice %arg16[%dma_wait3A_345, %dma_wait3A_346] : memref<10240x32xf32, #tpu.memory_space<vmem_shared>> -> memref<10240x32xf32, #tpu.memory_space<vmem_shared>>
          tpu.wait_indirect_dma semaphore(%arg29 : memref<!tpu.dma_semaphore, #tpu.memory_space<semaphore_mem>>) src(%arg11 : memref<128x32xf32, #tpu.memory_space<vmem>>) dst(%dma_wait3A_347 : memref<10240x32xf32, #tpu.memory_space<vmem_shared>>)
        } else {
        }
        %add3A_334 = arith.constant 4 : i32
        %add3A_335 = arith.addi %add3A_308, %add3A_334 : i32
        %dma_start3A_336 = arith.constant 0 : i32
        %dma_start3A_337 = tpu.memref_slice %arg6[%add3A_335, %dma_start3A_336] : memref<40x128xi32, #tpu.memory_space<vmem>> -> memref<1x128xi32, #tpu.memory_space<vmem>>
        %dma_start3A_338 = tpu.memref_squeeze %dma_start3A_337 : memref<1x128xi32, #tpu.memory_space<vmem>> -> memref<128xi32, #tpu.memory_space<vmem>>
        %dma_start3A_339 = arith.constant 0 : i32
        %dma_start3A_340 = arith.constant 0 : i32
        %dma_start3A_341 = tpu.memref_slice %arg17[%dma_start3A_339, %dma_start3A_340] : memref<10240x32xf32, #tpu.memory_space<vmem_shared>> -> memref<10240x32xf32, #tpu.memory_space<vmem_shared>>
        tpu.enqueue_indirect_dma source(%dma_start3A_341 : memref<10240x32xf32, #tpu.memory_space<vmem_shared>>) target(%arg11 : memref<128x32xf32, #tpu.memory_space<vmem>>) offsets(%dma_start3A_338 : memref<128xi32, #tpu.memory_space<vmem>>) semaphore(%arg21 : memref<!tpu.dma_semaphore, #tpu.memory_space<semaphore_mem>>)
      } else {
      }
    }
    %scan3A_86 = arith.constant 5 : i32
    %dma_wait3A_87 = arith.constant 0 : i32
    %dma_wait3A_88 = arith.constant 0 : i32
    %dma_wait3A_89 = tpu.memref_slice %arg7[%dma_wait3A_87, %dma_wait3A_88] : memref<40x128xi32, #tpu.memory_space<vmem>> -> memref<1x128xi32, #tpu.memory_space<vmem>>
    %dma_wait3A_90 = tpu.memref_squeeze %dma_wait3A_89 : memref<1x128xi32, #tpu.memory_space<vmem>> -> memref<128xi32, #tpu.memory_space<vmem>>
    %dma_wait3A_91 = arith.constant 0 : i32
    %dma_wait3A_92 = arith.constant 0 : i32
    %dma_wait3A_93 = tpu.memref_slice %arg16[%dma_wait3A_91, %dma_wait3A_92] : memref<10240x32xf32, #tpu.memory_space<vmem_shared>> -> memref<10240x32xf32, #tpu.memory_space<vmem_shared>>
    tpu.wait_indirect_dma semaphore(%arg26 : memref<!tpu.dma_semaphore, #tpu.memory_space<semaphore_mem>>) src(%arg8 : memref<128x32xf32, #tpu.memory_space<vmem>>) dst(%dma_wait3A_93 : memref<10240x32xf32, #tpu.memory_space<vmem_shared>>)
    %dma_wait3A_94 = arith.constant 0 : i32
    %dma_wait3A_95 = arith.constant 0 : i32
    %dma_wait3A_96 = tpu.memref_slice %arg7[%dma_wait3A_94, %dma_wait3A_95] : memref<40x128xi32, #tpu.memory_space<vmem>> -> memref<1x128xi32, #tpu.memory_space<vmem>>
    %dma_wait3A_97 = tpu.memref_squeeze %dma_wait3A_96 : memref<1x128xi32, #tpu.memory_space<vmem>> -> memref<128xi32, #tpu.memory_space<vmem>>
    %dma_wait3A_98 = arith.constant 0 : i32
    %dma_wait3A_99 = arith.constant 0 : i32
    %dma_wait3A_100 = tpu.memref_slice %arg16[%dma_wait3A_98, %dma_wait3A_99] : memref<10240x32xf32, #tpu.memory_space<vmem_shared>> -> memref<10240x32xf32, #tpu.memory_space<vmem_shared>>
    tpu.wait_indirect_dma semaphore(%arg27 : memref<!tpu.dma_semaphore, #tpu.memory_space<semaphore_mem>>) src(%arg9 : memref<128x32xf32, #tpu.memory_space<vmem>>) dst(%dma_wait3A_100 : memref<10240x32xf32, #tpu.memory_space<vmem_shared>>)
    %dma_wait3A_101 = arith.constant 0 : i32
    %dma_wait3A_102 = arith.constant 0 : i32
    %dma_wait3A_103 = tpu.memref_slice %arg7[%dma_wait3A_101, %dma_wait3A_102] : memref<40x128xi32, #tpu.memory_space<vmem>> -> memref<1x128xi32, #tpu.memory_space<vmem>>
    %dma_wait3A_104 = tpu.memref_squeeze %dma_wait3A_103 : memref<1x128xi32, #tpu.memory_space<vmem>> -> memref<128xi32, #tpu.memory_space<vmem>>
    %dma_wait3A_105 = arith.constant 0 : i32
    %dma_wait3A_106 = arith.constant 0 : i32
    %dma_wait3A_107 = tpu.memref_slice %arg16[%dma_wait3A_105, %dma_wait3A_106] : memref<10240x32xf32, #tpu.memory_space<vmem_shared>> -> memref<10240x32xf32, #tpu.memory_space<vmem_shared>>
    tpu.wait_indirect_dma semaphore(%arg28 : memref<!tpu.dma_semaphore, #tpu.memory_space<semaphore_mem>>) src(%arg10 : memref<128x32xf32, #tpu.memory_space<vmem>>) dst(%dma_wait3A_107 : memref<10240x32xf32, #tpu.memory_space<vmem_shared>>)
    %dma_wait3A_108 = arith.constant 0 : i32
    %dma_wait3A_109 = arith.constant 0 : i32
    %dma_wait3A_110 = tpu.memref_slice %arg7[%dma_wait3A_108, %dma_wait3A_109] : memref<40x128xi32, #tpu.memory_space<vmem>> -> memref<1x128xi32, #tpu.memory_space<vmem>>
    %dma_wait3A_111 = tpu.memref_squeeze %dma_wait3A_110 : memref<1x128xi32, #tpu.memory_space<vmem>> -> memref<128xi32, #tpu.memory_space<vmem>>
    %dma_wait3A_112 = arith.constant 0 : i32
    %dma_wait3A_113 = arith.constant 0 : i32
    %dma_wait3A_114 = tpu.memref_slice %arg16[%dma_wait3A_112, %dma_wait3A_113] : memref<10240x32xf32, #tpu.memory_space<vmem_shared>> -> memref<10240x32xf32, #tpu.memory_space<vmem_shared>>
    tpu.wait_indirect_dma semaphore(%arg29 : memref<!tpu.dma_semaphore, #tpu.memory_space<semaphore_mem>>) src(%arg11 : memref<128x32xf32, #tpu.memory_space<vmem>>) dst(%dma_wait3A_114 : memref<10240x32xf32, #tpu.memory_space<vmem_shared>>)
    %dma_wait3A_115 = arith.constant 0 : i32
    %dma_wait3A_116 = arith.constant 0 : i32
    %dma_wait3A_117 = tpu.memref_slice %arg7[%dma_wait3A_115, %dma_wait3A_116] : memref<40x128xi32, #tpu.memory_space<vmem>> -> memref<1x128xi32, #tpu.memory_space<vmem>>
    %dma_wait3A_118 = tpu.memref_squeeze %dma_wait3A_117 : memref<1x128xi32, #tpu.memory_space<vmem>> -> memref<128xi32, #tpu.memory_space<vmem>>
    %dma_wait3A_119 = arith.constant 0 : i32
    %dma_wait3A_120 = arith.constant 0 : i32
    %dma_wait3A_121 = tpu.memref_slice %arg16[%dma_wait3A_119, %dma_wait3A_120] : memref<10240x32xf32, #tpu.memory_space<vmem_shared>> -> memref<10240x32xf32, #tpu.memory_space<vmem_shared>>
    tpu.wait_indirect_dma semaphore(%arg30 : memref<!tpu.dma_semaphore, #tpu.memory_space<semaphore_mem>>) src(%arg12 : memref<128x32xf32, #tpu.memory_space<vmem>>) dst(%dma_wait3A_121 : memref<10240x32xf32, #tpu.memory_space<vmem_shared>>)
    %dma_wait3A_122 = arith.constant 0 : i32
    %dma_wait3A_123 = arith.constant 0 : i32
    %dma_wait3A_124 = tpu.memref_slice %arg7[%dma_wait3A_122, %dma_wait3A_123] : memref<40x128xi32, #tpu.memory_space<vmem>> -> memref<1x128xi32, #tpu.memory_space<vmem>>
    %dma_wait3A_125 = tpu.memref_squeeze %dma_wait3A_124 : memref<1x128xi32, #tpu.memory_space<vmem>> -> memref<128xi32, #tpu.memory_space<vmem>>
    %dma_wait3A_126 = arith.constant 0 : i32
    %dma_wait3A_127 = arith.constant 0 : i32
    %dma_wait3A_128 = tpu.memref_slice %arg16[%dma_wait3A_126, %dma_wait3A_127] : memref<10240x32xf32, #tpu.memory_space<vmem_shared>> -> memref<10240x32xf32, #tpu.memory_space<vmem_shared>>
    tpu.wait_indirect_dma semaphore(%arg31 : memref<!tpu.dma_semaphore, #tpu.memory_space<semaphore_mem>>) src(%arg13 : memref<128x32xf32, #tpu.memory_space<vmem>>) dst(%dma_wait3A_128 : memref<10240x32xf32, #tpu.memory_space<vmem_shared>>)
    %dma_wait3A_129 = arith.constant 0 : i32
    %dma_wait3A_130 = arith.constant 0 : i32
    %dma_wait3A_131 = tpu.memref_slice %arg7[%dma_wait3A_129, %dma_wait3A_130] : memref<40x128xi32, #tpu.memory_space<vmem>> -> memref<1x128xi32, #tpu.memory_space<vmem>>
    %dma_wait3A_132 = tpu.memref_squeeze %dma_wait3A_131 : memref<1x128xi32, #tpu.memory_space<vmem>> -> memref<128xi32, #tpu.memory_space<vmem>>
    %dma_wait3A_133 = arith.constant 0 : i32
    %dma_wait3A_134 = arith.constant 0 : i32
    %dma_wait3A_135 = tpu.memref_slice %arg16[%dma_wait3A_133, %dma_wait3A_134] : memref<10240x32xf32, #tpu.memory_space<vmem_shared>> -> memref<10240x32xf32, #tpu.memory_space<vmem_shared>>
    tpu.wait_indirect_dma semaphore(%arg32 : memref<!tpu.dma_semaphore, #tpu.memory_space<semaphore_mem>>) src(%arg14 : memref<128x32xf32, #tpu.memory_space<vmem>>) dst(%dma_wait3A_135 : memref<10240x32xf32, #tpu.memory_space<vmem_shared>>)
    %dma_wait3A_136 = arith.constant 0 : i32
    %dma_wait3A_137 = arith.constant 0 : i32
    %dma_wait3A_138 = tpu.memref_slice %arg7[%dma_wait3A_136, %dma_wait3A_137] : memref<40x128xi32, #tpu.memory_space<vmem>> -> memref<1x128xi32, #tpu.memory_space<vmem>>
    %dma_wait3A_139 = tpu.memref_squeeze %dma_wait3A_138 : memref<1x128xi32, #tpu.memory_space<vmem>> -> memref<128xi32, #tpu.memory_space<vmem>>
    %dma_wait3A_140 = arith.constant 0 : i32
    %dma_wait3A_141 = arith.constant 0 : i32
    %dma_wait3A_142 = tpu.memref_slice %arg16[%dma_wait3A_140, %dma_wait3A_141] : memref<10240x32xf32, #tpu.memory_space<vmem_shared>> -> memref<10240x32xf32, #tpu.memory_space<vmem_shared>>
    tpu.wait_indirect_dma semaphore(%arg33 : memref<!tpu.dma_semaphore, #tpu.memory_space<semaphore_mem>>) src(%arg15 : memref<128x32xf32, #tpu.memory_space<vmem>>) dst(%dma_wait3A_142 : memref<10240x32xf32, #tpu.memory_space<vmem_shared>>)
    %barrier3A_143 = arith.constant 0 : index
    tpu.barrier barrier_id(%barrier3A_143)
    "tpu.region"() ({
      %run_scoped3A = tpu.sem_alloc : memref<!tpu.dma_semaphore, #tpu.memory_space<semaphore_mem>>
      %dma_start3A_144 = arith.constant 0 : i32
      %dma_start3A_145 = tpu.memref_slice %arg5[%arg0, %mul3A_7, %dma_start3A_144] : memref<2x10240x32xf32, #tpu.memory_space<hbm>> -> memref<1x640x32xf32, #tpu.memory_space<hbm>>
      %dma_start3A_146 = tpu.memref_squeeze %dma_start3A_145 : memref<1x640x32xf32, #tpu.memory_space<hbm>> -> memref<640x32xf32, #tpu.memory_space<hbm>>
      %dma_start3A_147 = arith.constant 0 : i32
      %dma_start3A_148 = tpu.memref_slice %arg16[%mul3A_7, %dma_start3A_147] : memref<10240x32xf32, #tpu.memory_space<vmem_shared>> -> memref<640x32xf32, #tpu.memory_space<vmem_shared>>
      tpu.enqueue_dma source(%dma_start3A_148 : memref<640x32xf32, #tpu.memory_space<vmem_shared>>) target(%dma_start3A_146 : memref<640x32xf32, #tpu.memory_space<hbm>>) target_semaphore(%run_scoped3A : memref<!tpu.dma_semaphore, #tpu.memory_space<semaphore_mem>>)
      %dma_wait3A_149 = arith.constant 0 : i32
      %dma_wait3A_150 = tpu.memref_slice %arg5[%arg0, %mul3A_7, %dma_wait3A_149] : memref<2x10240x32xf32, #tpu.memory_space<hbm>> -> memref<1x640x32xf32, #tpu.memory_space<hbm>>
      %dma_wait3A_151 = tpu.memref_squeeze %dma_wait3A_150 : memref<1x640x32xf32, #tpu.memory_space<hbm>> -> memref<640x32xf32, #tpu.memory_space<hbm>>
      %dma_wait3A_152 = arith.constant 0 : i32
      %dma_wait3A_153 = tpu.memref_slice %arg16[%mul3A_7, %dma_wait3A_152] : memref<10240x32xf32, #tpu.memory_space<vmem_shared>> -> memref<640x32xf32, #tpu.memory_space<vmem_shared>>
      tpu.wait_dma2 semaphore(%run_scoped3A : memref<!tpu.dma_semaphore, #tpu.memory_space<semaphore_mem>>) src(%dma_wait3A_153 : memref<640x32xf32, #tpu.memory_space<vmem_shared>>) dst(%dma_wait3A_151 : memref<640x32xf32, #tpu.memory_space<hbm>>)
      tpu.yield
    }) : () -> ()
    return
  }
}

module attributes {stable_mosaic.version = 14 : i64} {
  func.func @_tc1_body(%arg0: i32, %arg1: memref<2048x256xf32, #tpu.memory_space<vmem>>, %arg2: memref<256x32xf32, #tpu.memory_space<vmem>>, %arg3: memref<2x16x128xf32, #tpu.memory_space<vmem>>, %arg4: memref<2048x32xf32, #tpu.memory_space<vmem>>, %arg5: memref<512x128xf32, #tpu.memory_space<vmem>>) attributes {dimension_semantics = [#tpu.dimension_semantics<arbitrary>], iteration_bounds = array<i64: 5>, scalar_prefetch = 0 : i64, scratch_operands = 0 : i64, tpu.core_type = #tpu.core_type<tc>, window_params = [{transform_indices = @transform_0, window_bounds = array<i64: 2048, 256>}, {pipeline_mode = #tpu.pipeline_mode<synchronous>, transform_indices = @transform_1, window_bounds = array<i64: 256, 32>}, {transform_indices = @transform_2, window_bounds = array<i64: 2, 16, 128>}, {transform_indices = @transform_3, window_bounds = array<i64: 2048, 32>}, {transform_indices = @transform_4, window_bounds = array<i64: 512, 128>}]} {
    %get3A = arith.constant 0 : index
    %get3A_0 = arith.constant 0 : index
    %get3A_1 = arith.constant 0 : index
    %get3A_2 = vector.load %arg3[%get3A, %get3A_0, %get3A_1] : memref<2x16x128xf32, #tpu.memory_space<vmem>>, vector<1x16x128xf32>
    %get3A_3 = vector.shape_cast %get3A_2 : vector<1x16x128xf32> to vector<16x128xf32>
    %get3A_4 = arith.constant 1 : index
    %get3A_5 = arith.constant 0 : index
    %get3A_6 = arith.constant 0 : index
    %get3A_7 = vector.load %arg3[%get3A_4, %get3A_5, %get3A_6] : memref<2x16x128xf32, #tpu.memory_space<vmem>>, vector<1x16x128xf32>
    %get3A_8 = vector.shape_cast %get3A_7 : vector<1x16x128xf32> to vector<16x128xf32>
    %add3A = arith.addf %get3A_3, %get3A_8 : vector<16x128xf32>
    %add3A_9 = arith.constant 1.000000e+00 : f32
    %add3A_10 = vector.broadcast %add3A_9 : f32 to vector<16x128xf32>
    %add3A_11 = arith.addf %add3A, %add3A_10 : vector<16x128xf32>
    %rsqrt3A = math.rsqrt %add3A_11 : vector<16x128xf32>
    %iota3A = tpu.iota {dimensions = array<i32: 0>} : vector<2048x16xi32>
    %jit3A = arith.constant 128 : i32
    %div3A = vector.broadcast %jit3A : i32 to vector<2048x16xi32>
    %div3A_12 = arith.divsi %iota3A, %div3A : vector<2048x16xi32>
    %sign3A = arith.constant 0 : i32
    %sign3A_13 = vector.broadcast %sign3A : i32 to vector<2048x16xi32>
    %sign3A_14 = arith.cmpi sgt, %iota3A, %sign3A_13 : vector<2048x16xi32>
    %sign3A_15 = arith.extui %sign3A_14 : vector<2048x16xi1> to vector<2048x16xi32>
    %sign3A_16 = arith.constant 0 : i32
    %sign3A_17 = vector.broadcast %sign3A_16 : i32 to vector<2048x16xi32>
    %sign3A_18 = arith.cmpi slt, %iota3A, %sign3A_17 : vector<2048x16xi32>
    %sign3A_19 = arith.extui %sign3A_18 : vector<2048x16xi1> to vector<2048x16xi32>
    %sign3A_20 = arith.subi %sign3A_15, %sign3A_19 : vector<2048x16xi32>
    %sign3A_21 = arith.constant 0 : i32
    %sign3A_22 = arith.cmpi sgt, %jit3A, %sign3A_21 : i32
    %sign3A_23 = arith.extui %sign3A_22 : i1 to i32
    %sign3A_24 = arith.constant 0 : i32
    %sign3A_25 = arith.cmpi slt, %jit3A, %sign3A_24 : i32
    %sign3A_26 = arith.extui %sign3A_25 : i1 to i32
    %sign3A_27 = arith.subi %sign3A_23, %sign3A_26 : i32
    %ne3A = vector.broadcast %sign3A_27 : i32 to vector<2048x16xi32>
    %ne3A_28 = arith.cmpi ne, %sign3A_20, %ne3A : vector<2048x16xi32>
    %rem3A = vector.broadcast %jit3A : i32 to vector<2048x16xi32>
    %rem3A_29 = arith.remsi %iota3A, %rem3A : vector<2048x16xi32>
    %ne3A_30 = arith.constant 0 : i32
    %ne3A_31 = vector.broadcast %ne3A_30 : i32 to vector<2048x16xi32>
    %ne3A_32 = arith.cmpi ne, %rem3A_29, %ne3A_31 : vector<2048x16xi32>
    %and3A = arith.andi %ne3A_28, %ne3A_32 : vector<2048x16xi1>
    %sub3A = arith.constant 1 : i32
    %sub3A_33 = vector.broadcast %sub3A : i32 to vector<2048x16xi32>
    %sub3A_34 = arith.subi %div3A_12, %sub3A_33 : vector<2048x16xi32>
    %select_n3A = arith.select %and3A, %sub3A_34, %div3A_12 : vector<2048x16xi1>, vector<2048x16xi32>
    %iota3A_35 = tpu.iota {dimensions = array<i32: 1>} : vector<2048x16xi32>
    %eq3A = arith.cmpi eq, %select_n3A, %iota3A_35 : vector<2048x16xi32>
    %convert_element_type3A = arith.extui %eq3A : vector<2048x16xi1> to vector<2048x16xi32>
    %convert_element_type3A_36 = arith.sitofp %convert_element_type3A : vector<2048x16xi32> to vector<2048x16xf32>
    %dot_general3A = arith.constant dense<0.000000e+00> : vector<2048x128xf32>
    %dot_general3A_37 = tpu.matmul %convert_element_type3A_36, %rsqrt3A, %dot_general3A {dimension_numbers = #tpu.dot_dimension_numbers<[1], [0], [0], [1], [0, 0, 1, 1], [], []>, precision = #tpu.contract_precision<fp32>, transpose_lhs_hint = false} : vector<2048x16xf32>, vector<16x128xf32>, vector<2048x128xf32> -> vector<2048x128xf32>
    %iota3A_38 = tpu.iota {dimensions = array<i32: 0>} : vector<2048x128xi32>
    %jit3A_39 = arith.constant 128 : i32
    %eq3A_40 = arith.constant 0 : i32
    %eq3A_41 = arith.cmpi eq, %jit3A_39, %eq3A_40 : i32
    %jit3A_42 = arith.constant 1 : i32
    %select_n3A_43 = arith.select %eq3A_41, %jit3A_42, %jit3A_39 : i32
    %rem3A_44 = vector.broadcast %select_n3A_43 : i32 to vector<2048x128xi32>
    %rem3A_45 = arith.remsi %iota3A_38, %rem3A_44 : vector<2048x128xi32>
    %ne3A_46 = arith.constant 0 : i32
    %ne3A_47 = vector.broadcast %ne3A_46 : i32 to vector<2048x128xi32>
    %ne3A_48 = arith.cmpi ne, %rem3A_45, %ne3A_47 : vector<2048x128xi32>
    %lt3A = arith.constant 0 : i32
    %lt3A_49 = vector.broadcast %lt3A : i32 to vector<2048x128xi32>
    %lt3A_50 = arith.cmpi slt, %rem3A_45, %lt3A_49 : vector<2048x128xi32>
    %lt3A_51 = arith.constant 0 : i32
    %lt3A_52 = arith.cmpi slt, %select_n3A_43, %lt3A_51 : i32
    %ne3A_53 = vector.broadcast %lt3A_52 : i1 to vector<2048x128xi1>
    %ne3A_54 = vector.broadcast %ne3A_53 : vector<2048x128xi1> to vector<2048x128xi1>
    %ne3A_55 = arith.xori %lt3A_50, %ne3A_54 : vector<2048x128xi1>
    %and3A_56 = arith.andi %ne3A_55, %ne3A_48 : vector<2048x128xi1>
    %add3A_57 = vector.broadcast %select_n3A_43 : i32 to vector<2048x128xi32>
    %add3A_58 = arith.addi %rem3A_45, %add3A_57 : vector<2048x128xi32>
    %select_n3A_59 = arith.select %and3A_56, %add3A_58, %rem3A_45 : vector<2048x128xi1>, vector<2048x128xi32>
    %iota3A_60 = tpu.iota {dimensions = array<i32: 1>} : vector<2048x128xi32>
    %eq3A_61 = arith.cmpi eq, %select_n3A_59, %iota3A_60 : vector<2048x128xi32>
    %convert_element_type3A_62 = arith.extui %eq3A_61 : vector<2048x128xi1> to vector<2048x128xi32>
    %convert_element_type3A_63 = arith.sitofp %convert_element_type3A_62 : vector<2048x128xi32> to vector<2048x128xf32>
    %mul3A = arith.mulf %dot_general3A_37, %convert_element_type3A_63 : vector<2048x128xf32>
    %reduce_sum3A = arith.constant dense<0.000000e+00> : vector<2048xf32>
    %reduce_sum3A_64 = vector.multi_reduction <add>, %mul3A, %reduce_sum3A [1] : vector<2048x128xf32> to vector<2048xf32>
    %broadcast_in_dim3A = vector.shape_cast %reduce_sum3A_64 : vector<2048xf32> to vector<2048x1xf32>
    %mul3A_65 = arith.constant 2048 : i32
    %mul3A_66 = arith.muli %arg0, %mul3A_65 : i32
    %iota3A_67 = tpu.iota {dimensions = array<i32: 0>} : vector<2048x1xi32>
    %add3A_68 = vector.broadcast %mul3A_66 : i32 to vector<2048x1xi32>
    %add3A_69 = arith.addi %add3A_68, %iota3A_67 : vector<2048x1xi32>
    %get3A_70 = arith.constant 0 : index
    %get3A_71 = arith.constant 0 : index
    %get3A_72 = vector.load %arg1[%get3A_70, %get3A_71] : memref<2048x256xf32, #tpu.memory_space<vmem>>, vector<2048x256xf32>
    %get3A_73 = arith.constant 0 : index
    %get3A_74 = arith.constant 0 : index
    %get3A_75 = vector.load %arg2[%get3A_73, %get3A_74] : memref<256x32xf32, #tpu.memory_space<vmem>>, vector<256x32xf32>
    %dot_general3A_76 = arith.constant dense<0.000000e+00> : vector<2048x32xf32>
    %dot_general3A_77 = tpu.matmul %get3A_72, %get3A_75, %dot_general3A_76 {dimension_numbers = #tpu.dot_dimension_numbers<[1], [0], [0], [1], [0, 0, 1, 1], [], []>, transpose_lhs_hint = false} : vector<2048x256xf32>, vector<256x32xf32>, vector<2048x32xf32> -> vector<2048x32xf32>
    %lt3A_78 = arith.constant 10000 : i32
    %lt3A_79 = vector.broadcast %lt3A_78 : i32 to vector<2048x1xi32>
    %lt3A_80 = arith.cmpi slt, %add3A_69, %lt3A_79 : vector<2048x1xi32>
    %mul3A_81 = vector.broadcast %broadcast_in_dim3A : vector<2048x1xf32> to vector<2048x32xf32>
    %mul3A_82 = arith.mulf %dot_general3A_77, %mul3A_81 : vector<2048x32xf32>
    %jit3A_83 = arith.constant 0.000000e+00 : f32
    %broadcast_in_dim3A_84 = vector.shape_cast %lt3A_80 : vector<2048x1xi1> to vector<2048x1xi1>
    %broadcast_in_dim3A_85 = vector.broadcast %broadcast_in_dim3A_84 : vector<2048x1xi1> to vector<2048x32xi1>
    %broadcast_in_dim3A_86 = vector.broadcast %jit3A_83 : f32 to vector<2048x32xf32>
    %select_n3A_87 = arith.select %broadcast_in_dim3A_85, %mul3A_82, %broadcast_in_dim3A_86 : vector<2048x32xi1>, vector<2048x32xf32>
    %swap3A = arith.constant 0 : index
    %swap3A_88 = arith.constant 0 : index
    %swap3A_89 = vector.load %arg4[%swap3A, %swap3A_88] : memref<2048x32xf32, #tpu.memory_space<vmem>>, vector<2048x32xf32>
    tpu.vector_store %arg4[%swap3A, %swap3A_88], %select_n3A_87 {strides = array<i32>} : memref<2048x32xf32, #tpu.memory_space<vmem>>, vector<2048x32xf32>,
    %iota3A_90 = tpu.iota {dimensions = array<i32: 0>} : vector<512x16xi32>
    %jit3A_91 = arith.constant 32 : i32
    %div3A_92 = vector.broadcast %jit3A_91 : i32 to vector<512x16xi32>
    %div3A_93 = arith.divsi %iota3A_90, %div3A_92 : vector<512x16xi32>
    %sign3A_94 = arith.constant 0 : i32
    %sign3A_95 = vector.broadcast %sign3A_94 : i32 to vector<512x16xi32>
    %sign3A_96 = arith.cmpi sgt, %iota3A_90, %sign3A_95 : vector<512x16xi32>
    %sign3A_97 = arith.extui %sign3A_96 : vector<512x16xi1> to vector<512x16xi32>
    %sign3A_98 = arith.constant 0 : i32
    %sign3A_99 = vector.broadcast %sign3A_98 : i32 to vector<512x16xi32>
    %sign3A_100 = arith.cmpi slt, %iota3A_90, %sign3A_99 : vector<512x16xi32>
    %sign3A_101 = arith.extui %sign3A_100 : vector<512x16xi1> to vector<512x16xi32>
    %sign3A_102 = arith.subi %sign3A_97, %sign3A_101 : vector<512x16xi32>
    %sign3A_103 = arith.constant 0 : i32
    %sign3A_104 = arith.cmpi sgt, %jit3A_91, %sign3A_103 : i32
    %sign3A_105 = arith.extui %sign3A_104 : i1 to i32
    %sign3A_106 = arith.constant 0 : i32
    %sign3A_107 = arith.cmpi slt, %jit3A_91, %sign3A_106 : i32
    %sign3A_108 = arith.extui %sign3A_107 : i1 to i32
    %sign3A_109 = arith.subi %sign3A_105, %sign3A_108 : i32
    %ne3A_110 = vector.broadcast %sign3A_109 : i32 to vector<512x16xi32>
    %ne3A_111 = arith.cmpi ne, %sign3A_102, %ne3A_110 : vector<512x16xi32>
    %rem3A_112 = vector.broadcast %jit3A_91 : i32 to vector<512x16xi32>
    %rem3A_113 = arith.remsi %iota3A_90, %rem3A_112 : vector<512x16xi32>
    %ne3A_114 = arith.constant 0 : i32
    %ne3A_115 = vector.broadcast %ne3A_114 : i32 to vector<512x16xi32>
    %ne3A_116 = arith.cmpi ne, %rem3A_113, %ne3A_115 : vector<512x16xi32>
    %and3A_117 = arith.andi %ne3A_111, %ne3A_116 : vector<512x16xi1>
    %sub3A_118 = arith.constant 1 : i32
    %sub3A_119 = vector.broadcast %sub3A_118 : i32 to vector<512x16xi32>
    %sub3A_120 = arith.subi %div3A_93, %sub3A_119 : vector<512x16xi32>
    %select_n3A_121 = arith.select %and3A_117, %sub3A_120, %div3A_93 : vector<512x16xi1>, vector<512x16xi32>
    %iota3A_122 = tpu.iota {dimensions = array<i32: 1>} : vector<512x16xi32>
    %eq3A_123 = arith.cmpi eq, %select_n3A_121, %iota3A_122 : vector<512x16xi32>
    %convert_element_type3A_124 = arith.extui %eq3A_123 : vector<512x16xi1> to vector<512x16xi32>
    %convert_element_type3A_125 = arith.sitofp %convert_element_type3A_124 : vector<512x16xi32> to vector<512x16xf32>
    %dot_general3A_126 = arith.constant dense<0.000000e+00> : vector<512x128xf32>
    %dot_general3A_127 = tpu.matmul %convert_element_type3A_125, %rsqrt3A, %dot_general3A_126 {dimension_numbers = #tpu.dot_dimension_numbers<[1], [0], [0], [1], [0, 0, 1, 1], [], []>, precision = #tpu.contract_precision<fp32>, transpose_lhs_hint = false} : vector<512x16xf32>, vector<16x128xf32>, vector<512x128xf32> -> vector<512x128xf32>
    %iota3A_128 = tpu.iota {dimensions = array<i32: 0>} : vector<512x128xi32>
    %jit3A_129 = arith.constant 32 : i32
    %eq3A_130 = arith.constant 0 : i32
    %eq3A_131 = arith.cmpi eq, %jit3A_129, %eq3A_130 : i32
    %jit3A_132 = arith.constant 1 : i32
    %select_n3A_133 = arith.select %eq3A_131, %jit3A_132, %jit3A_129 : i32
    %rem3A_134 = vector.broadcast %select_n3A_133 : i32 to vector<512x128xi32>
    %rem3A_135 = arith.remsi %iota3A_128, %rem3A_134 : vector<512x128xi32>
    %ne3A_136 = arith.constant 0 : i32
    %ne3A_137 = vector.broadcast %ne3A_136 : i32 to vector<512x128xi32>
    %ne3A_138 = arith.cmpi ne, %rem3A_135, %ne3A_137 : vector<512x128xi32>
    %lt3A_139 = arith.constant 0 : i32
    %lt3A_140 = vector.broadcast %lt3A_139 : i32 to vector<512x128xi32>
    %lt3A_141 = arith.cmpi slt, %rem3A_135, %lt3A_140 : vector<512x128xi32>
    %lt3A_142 = arith.constant 0 : i32
    %lt3A_143 = arith.cmpi slt, %select_n3A_133, %lt3A_142 : i32
    %ne3A_144 = vector.broadcast %lt3A_143 : i1 to vector<512x128xi1>
    %ne3A_145 = vector.broadcast %ne3A_144 : vector<512x128xi1> to vector<512x128xi1>
    %ne3A_146 = arith.xori %lt3A_141, %ne3A_145 : vector<512x128xi1>
    %and3A_147 = arith.andi %ne3A_146, %ne3A_138 : vector<512x128xi1>
    %add3A_148 = vector.broadcast %select_n3A_133 : i32 to vector<512x128xi32>
    %add3A_149 = arith.addi %rem3A_135, %add3A_148 : vector<512x128xi32>
    %select_n3A_150 = arith.select %and3A_147, %add3A_149, %rem3A_135 : vector<512x128xi1>, vector<512x128xi32>
    %iota3A_151 = tpu.iota {dimensions = array<i32: 1>} : vector<512x128xi32>
    %mul3A_152 = arith.constant 4 : i32
    %mul3A_153 = vector.broadcast %mul3A_152 : i32 to vector<512x128xi32>
    %mul3A_154 = arith.muli %mul3A_153, %select_n3A_150 : vector<512x128xi32>
    %add3A_155 = arith.constant 0 : i32
    %add3A_156 = vector.broadcast %add3A_155 : i32 to vector<512x128xi32>
    %add3A_157 = arith.addi %mul3A_154, %add3A_156 : vector<512x128xi32>
    %eq3A_158 = arith.cmpi eq, %iota3A_151, %add3A_157 : vector<512x128xi32>
    %convert_element_type3A_159 = arith.extui %eq3A_158 : vector<512x128xi1> to vector<512x128xi32>
    %convert_element_type3A_160 = arith.sitofp %convert_element_type3A_159 : vector<512x128xi32> to vector<512x128xf32>
    %mul3A_161 = arith.mulf %dot_general3A_127, %convert_element_type3A_160 : vector<512x128xf32>
    %reduce_sum3A_162 = arith.constant dense<0.000000e+00> : vector<512xf32>
    %reduce_sum3A_163 = vector.multi_reduction <add>, %mul3A_161, %reduce_sum3A_162 [1] : vector<512x128xf32> to vector<512xf32>
    %broadcast_in_dim3A_164 = vector.shape_cast %reduce_sum3A_163 : vector<512xf32> to vector<512x1xf32>
    %broadcast_in_dim3A_165 = vector.shape_cast %broadcast_in_dim3A_164 : vector<512x1xf32> to vector<512x1xf32>
    %broadcast_in_dim3A_166 = vector.broadcast %broadcast_in_dim3A_165 : vector<512x1xf32> to vector<512x32xf32>
    %mul3A_167 = arith.constant 4 : i32
    %mul3A_168 = vector.broadcast %mul3A_167 : i32 to vector<512x128xi32>
    %mul3A_169 = arith.muli %mul3A_168, %select_n3A_150 : vector<512x128xi32>
    %add3A_170 = arith.constant 1 : i32
    %add3A_171 = vector.broadcast %add3A_170 : i32 to vector<512x128xi32>
    %add3A_172 = arith.addi %mul3A_169, %add3A_171 : vector<512x128xi32>
    %eq3A_173 = arith.cmpi eq, %iota3A_151, %add3A_172 : vector<512x128xi32>
    %convert_element_type3A_174 = arith.extui %eq3A_173 : vector<512x128xi1> to vector<512x128xi32>
    %convert_element_type3A_175 = arith.sitofp %convert_element_type3A_174 : vector<512x128xi32> to vector<512x128xf32>
    %mul3A_176 = arith.mulf %dot_general3A_127, %convert_element_type3A_175 : vector<512x128xf32>
    %reduce_sum3A_177 = arith.constant dense<0.000000e+00> : vector<512xf32>
    %reduce_sum3A_178 = vector.multi_reduction <add>, %mul3A_176, %reduce_sum3A_177 [1] : vector<512x128xf32> to vector<512xf32>
    %broadcast_in_dim3A_179 = vector.shape_cast %reduce_sum3A_178 : vector<512xf32> to vector<512x1xf32>
    %broadcast_in_dim3A_180 = vector.shape_cast %broadcast_in_dim3A_179 : vector<512x1xf32> to vector<512x1xf32>
    %broadcast_in_dim3A_181 = vector.broadcast %broadcast_in_dim3A_180 : vector<512x1xf32> to vector<512x32xf32>
    %mul3A_182 = arith.constant 4 : i32
    %mul3A_183 = vector.broadcast %mul3A_182 : i32 to vector<512x128xi32>
    %mul3A_184 = arith.muli %mul3A_183, %select_n3A_150 : vector<512x128xi32>
    %add3A_185 = arith.constant 2 : i32
    %add3A_186 = vector.broadcast %add3A_185 : i32 to vector<512x128xi32>
    %add3A_187 = arith.addi %mul3A_184, %add3A_186 : vector<512x128xi32>
    %eq3A_188 = arith.cmpi eq, %iota3A_151, %add3A_187 : vector<512x128xi32>
    %convert_element_type3A_189 = arith.extui %eq3A_188 : vector<512x128xi1> to vector<512x128xi32>
    %convert_element_type3A_190 = arith.sitofp %convert_element_type3A_189 : vector<512x128xi32> to vector<512x128xf32>
    %mul3A_191 = arith.mulf %dot_general3A_127, %convert_element_type3A_190 : vector<512x128xf32>
    %reduce_sum3A_192 = arith.constant dense<0.000000e+00> : vector<512xf32>
    %reduce_sum3A_193 = vector.multi_reduction <add>, %mul3A_191, %reduce_sum3A_192 [1] : vector<512x128xf32> to vector<512xf32>
    %broadcast_in_dim3A_194 = vector.shape_cast %reduce_sum3A_193 : vector<512xf32> to vector<512x1xf32>
    %broadcast_in_dim3A_195 = vector.shape_cast %broadcast_in_dim3A_194 : vector<512x1xf32> to vector<512x1xf32>
    %broadcast_in_dim3A_196 = vector.broadcast %broadcast_in_dim3A_195 : vector<512x1xf32> to vector<512x32xf32>
    %mul3A_197 = arith.constant 4 : i32
    %mul3A_198 = vector.broadcast %mul3A_197 : i32 to vector<512x128xi32>
    %mul3A_199 = arith.muli %mul3A_198, %select_n3A_150 : vector<512x128xi32>
    %add3A_200 = arith.constant 3 : i32
    %add3A_201 = vector.broadcast %add3A_200 : i32 to vector<512x128xi32>
    %add3A_202 = arith.addi %mul3A_199, %add3A_201 : vector<512x128xi32>
    %eq3A_203 = arith.cmpi eq, %iota3A_151, %add3A_202 : vector<512x128xi32>
    %convert_element_type3A_204 = arith.extui %eq3A_203 : vector<512x128xi1> to vector<512x128xi32>
    %convert_element_type3A_205 = arith.sitofp %convert_element_type3A_204 : vector<512x128xi32> to vector<512x128xf32>
    %mul3A_206 = arith.mulf %dot_general3A_127, %convert_element_type3A_205 : vector<512x128xf32>
    %reduce_sum3A_207 = arith.constant dense<0.000000e+00> : vector<512xf32>
    %reduce_sum3A_208 = vector.multi_reduction <add>, %mul3A_206, %reduce_sum3A_207 [1] : vector<512x128xf32> to vector<512xf32>
    %broadcast_in_dim3A_209 = vector.shape_cast %reduce_sum3A_208 : vector<512xf32> to vector<512x1xf32>
    %broadcast_in_dim3A_210 = vector.shape_cast %broadcast_in_dim3A_209 : vector<512x1xf32> to vector<512x1xf32>
    %broadcast_in_dim3A_211 = vector.broadcast %broadcast_in_dim3A_210 : vector<512x1xf32> to vector<512x32xf32>
    %concatenate3A = tpu.concatenate %broadcast_in_dim3A_166, %broadcast_in_dim3A_181, %broadcast_in_dim3A_196, %broadcast_in_dim3A_211 in 1 : vector<512x32xf32>, vector<512x32xf32>, vector<512x32xf32>, vector<512x32xf32> -> vector<512x128xf32>
    %swap3A_212 = arith.constant 0 : index
    %swap3A_213 = arith.constant 0 : index
    %swap3A_214 = vector.load %arg5[%swap3A_212, %swap3A_213] : memref<512x128xf32, #tpu.memory_space<vmem>>, vector<512x128xf32>
    tpu.vector_store %arg5[%swap3A_212, %swap3A_213], %concatenate3A {strides = array<i32>} : memref<512x128xf32, #tpu.memory_space<vmem>>, vector<512x128xf32>,
    return
  }
  func.func @transform_0(%arg0: i32) -> (i32, i32) {
    %c0_i32 = arith.constant 0 : i32
    %c0_i32_0 = arith.constant 0 : i32
    return %arg0, %c0_i32 : i32, i32
  }
  func.func @transform_1(%arg0: i32) -> (i32, i32) {
    %c0_i32 = arith.constant 0 : i32
    %c0_i32_0 = arith.constant 0 : i32
    %c0_i32_1 = arith.constant 0 : i32
    return %c0_i32, %c0_i32_0 : i32, i32
  }
  func.func @transform_2(%arg0: i32) -> (i32, i32, i32) {
    %c0_i32 = arith.constant 0 : i32
    %c0_i32_0 = arith.constant 0 : i32
    %c0_i32_1 = arith.constant 0 : i32
    return %c0_i32, %arg0, %c0_i32_0 : i32, i32, i32
  }
  func.func @transform_3(%arg0: i32) -> (i32, i32) {
    %c0_i32 = arith.constant 0 : i32
    %c0_i32_0 = arith.constant 0 : i32
    return %arg0, %c0_i32 : i32, i32
  }
  func.func @transform_4(%arg0: i32) -> (i32, i32) {
    %c0_i32 = arith.constant 0 : i32
    %c0_i32_0 = arith.constant 0 : i32
    return %arg0, %c0_i32 : i32, i32
  }
}

module attributes {stable_mosaic.version = 14 : i64} {
  func.func @_tc2_body(%arg0: i32, %arg1: memref<2x512x128xf32, #tpu.memory_space<vmem>>, %arg2: memref<512x128xf32, #tpu.memory_space<vmem>>, %arg3: memref<1x128xf32, #tpu.memory_space<vmem>>, %arg4: memref<128x128xf32, #tpu.memory_space<vmem>>, %arg5: memref<512x128xf32, #tpu.memory_space<vmem>>) attributes {dimension_semantics = [#tpu.dimension_semantics<arbitrary>], iteration_bounds = array<i64: 5>, scalar_prefetch = 0 : i64, scratch_operands = 0 : i64, tpu.core_type = #tpu.core_type<tc>, window_params = [{transform_indices = @transform_0, window_bounds = array<i64: 2, 512, 128>}, {transform_indices = @transform_1, window_bounds = array<i64: 512, 128>}, {pipeline_mode = #tpu.pipeline_mode<synchronous>, transform_indices = @transform_2, window_bounds = array<i64: 1, 128>}, {pipeline_mode = #tpu.pipeline_mode<synchronous>, transform_indices = @transform_3, window_bounds = array<i64: 128, 128>}, {transform_indices = @transform_4, window_bounds = array<i64: 512, 128>}]} {
    %get3A = arith.constant 0 : index
    %get3A_0 = arith.constant 0 : index
    %get3A_1 = vector.load %arg2[%get3A, %get3A_0] : memref<512x128xf32, #tpu.memory_space<vmem>>, vector<512x128xf32>
    %get3A_2 = arith.constant 0 : index
    %get3A_3 = arith.constant 0 : index
    %get3A_4 = arith.constant 0 : index
    %get3A_5 = vector.load %arg1[%get3A_2, %get3A_3, %get3A_4] : memref<2x512x128xf32, #tpu.memory_space<vmem>>, vector<1x512x128xf32>
    %get3A_6 = vector.shape_cast %get3A_5 : vector<1x512x128xf32> to vector<512x128xf32>
    %get3A_7 = arith.constant 1 : index
    %get3A_8 = arith.constant 0 : index
    %get3A_9 = arith.constant 0 : index
    %get3A_10 = vector.load %arg1[%get3A_7, %get3A_8, %get3A_9] : memref<2x512x128xf32, #tpu.memory_space<vmem>>, vector<1x512x128xf32>
    %get3A_11 = vector.shape_cast %get3A_10 : vector<1x512x128xf32> to vector<512x128xf32>
    %add3A = arith.addf %get3A_6, %get3A_11 : vector<512x128xf32>
    %mul3A = arith.mulf %get3A_1, %add3A : vector<512x128xf32>
    %get3A_12 = arith.constant 0 : index
    %get3A_13 = arith.constant 0 : index
    %get3A_14 = vector.load %arg3[%get3A_12, %get3A_13] : memref<1x128xf32, #tpu.memory_space<vmem>>, vector<1x128xf32>
    %add3A_15 = vector.broadcast %get3A_14 : vector<1x128xf32> to vector<512x128xf32>
    %add3A_16 = arith.addf %mul3A, %add3A_15 : vector<512x128xf32>
    %max3A = arith.constant 0.000000e+00 : f32
    %max3A_17 = vector.broadcast %max3A : f32 to vector<512x128xf32>
    %max3A_18 = arith.maximumf %add3A_16, %max3A_17 : vector<512x128xf32>
    %get3A_19 = arith.constant 0 : index
    %get3A_20 = arith.constant 0 : index
    %get3A_21 = vector.load %arg4[%get3A_19, %get3A_20] : memref<128x128xf32, #tpu.memory_space<vmem>>, vector<128x128xf32>
    %dot_general3A = arith.constant dense<0.000000e+00> : vector<512x128xf32>
    %dot_general3A_22 = tpu.matmul %max3A_18, %get3A_21, %dot_general3A {dimension_numbers = #tpu.dot_dimension_numbers<[1], [0], [0], [1], [0, 0, 1, 1], [], []>, transpose_lhs_hint = false} : vector<512x128xf32>, vector<128x128xf32>, vector<512x128xf32> -> vector<512x128xf32>
    %mul3A_23 = arith.mulf %dot_general3A_22, %get3A_1 : vector<512x128xf32>
    %swap3A = arith.constant 0 : index
    %swap3A_24 = arith.constant 0 : index
    %swap3A_25 = vector.load %arg5[%swap3A, %swap3A_24] : memref<512x128xf32, #tpu.memory_space<vmem>>, vector<512x128xf32>
    tpu.vector_store %arg5[%swap3A, %swap3A_24], %mul3A_23 {strides = array<i32>} : memref<512x128xf32, #tpu.memory_space<vmem>>, vector<512x128xf32>,
    return
  }
  func.func @transform_0(%arg0: i32) -> (i32, i32, i32) {
    %c0_i32 = arith.constant 0 : i32
    %c0_i32_0 = arith.constant 0 : i32
    %c0_i32_1 = arith.constant 0 : i32
    return %c0_i32, %arg0, %c0_i32_0 : i32, i32, i32
  }
  func.func @transform_1(%arg0: i32) -> (i32, i32) {
    %c0_i32 = arith.constant 0 : i32
    %c0_i32_0 = arith.constant 0 : i32
    return %arg0, %c0_i32 : i32, i32
  }
  func.func @transform_2(%arg0: i32) -> (i32, i32) {
    %c0_i32 = arith.constant 0 : i32
    %c0_i32_0 = arith.constant 0 : i32
    %c0_i32_1 = arith.constant 0 : i32
    return %c0_i32, %c0_i32_0 : i32, i32
  }
  func.func @transform_3(%arg0: i32) -> (i32, i32) {
    %c0_i32 = arith.constant 0 : i32
    %c0_i32_0 = arith.constant 0 : i32
    %c0_i32_1 = arith.constant 0 : i32
    return %c0_i32, %c0_i32_0 : i32, i32
  }
  func.func @transform_4(%arg0: i32) -> (i32, i32) {
    %c0_i32 = arith.constant 0 : i32
    %c0_i32_0 = arith.constant 0 : i32
    return %arg0, %c0_i32 : i32, i32
  }
}

module attributes {stable_mosaic.version = 14 : i64} {
  func.func @_tc3_body(%arg0: i32, %arg1: memref<2x512x128xf32, #tpu.memory_space<vmem>>, %arg2: memref<512x128xf32, #tpu.memory_space<vmem>>, %arg3: memref<1x128xf32, #tpu.memory_space<vmem>>, %arg4: memref<4x512xi32, #tpu.memory_space<vmem>>, %arg5: memref<32x32xf32, #tpu.memory_space<vmem>>, %arg6: memref<1x32xf32, #tpu.memory_space<vmem>>, %arg7: memref<32x2xf32, #tpu.memory_space<vmem>>, %arg8: memref<1x2xf32, #tpu.memory_space<vmem>>, %arg9: memref<32x2xf32, #tpu.memory_space<vmem>>, %arg10: memref<1x2xf32, #tpu.memory_space<vmem>>, %arg11: memref<64x2xf32, #tpu.memory_space<vmem>>, %arg12: memref<64x2xf32, #tpu.memory_space<vmem>>, %arg13: memref<64x32xf32, #tpu.memory_space<vmem>>, %arg14: memref<64x1xf32, #tpu.memory_space<vmem>>) attributes {dimension_semantics = [#tpu.dimension_semantics<arbitrary>], iteration_bounds = array<i64: 5>, scalar_prefetch = 0 : i64, scratch_operands = 2 : i64, tpu.core_type = #tpu.core_type<tc>, window_params = [{transform_indices = @transform_0, window_bounds = array<i64: 2, 512, 128>}, {transform_indices = @transform_1, window_bounds = array<i64: 512, 128>}, {pipeline_mode = #tpu.pipeline_mode<synchronous>, transform_indices = @transform_2, window_bounds = array<i64: 1, 128>}, {transform_indices = @transform_3, window_bounds = array<i64: 4, 512>}, {pipeline_mode = #tpu.pipeline_mode<synchronous>, transform_indices = @transform_4, window_bounds = array<i64: 32, 32>}, {pipeline_mode = #tpu.pipeline_mode<synchronous>, transform_indices = @transform_5, window_bounds = array<i64: 1, 32>}, {pipeline_mode = #tpu.pipeline_mode<synchronous>, transform_indices = @transform_6, window_bounds = array<i64: 32, 2>}, {pipeline_mode = #tpu.pipeline_mode<synchronous>, transform_indices = @transform_7, window_bounds = array<i64: 1, 2>}, {pipeline_mode = #tpu.pipeline_mode<synchronous>, transform_indices = @transform_8, window_bounds = array<i64: 32, 2>}, {pipeline_mode = #tpu.pipeline_mode<synchronous>, transform_indices = @transform_9, window_bounds = array<i64: 1, 2>}, {pipeline_mode = #tpu.pipeline_mode<synchronous>, transform_indices = @transform_10, window_bounds = array<i64: 64, 2>}, {pipeline_mode = #tpu.pipeline_mode<synchronous>, transform_indices = @transform_11, window_bounds = array<i64: 64, 2>}]} {
    %eq3A = arith.constant 0 : i32
    %eq3A_0 = arith.cmpi eq, %arg0, %eq3A : i32
    %convert_element_type3A = arith.extui %eq3A_0 : i1 to i32
    %cond3A = arith.constant 0 : i32
    %cond3A_1 = arith.cmpi ne, %convert_element_type3A, %cond3A : i32
    scf.if %cond3A_1 {
      %broadcast_in_dim3A_124 = arith.constant 0.000000e+00 : f32
      %broadcast_in_dim3A_125 = vector.broadcast %broadcast_in_dim3A_124 : f32 to vector<64x32xf32>
      %swap3A_126 = arith.constant 0 : index
      %swap3A_127 = arith.constant 0 : index
      %swap3A_128 = vector.load %arg13[%swap3A_126, %swap3A_127] : memref<64x32xf32, #tpu.memory_space<vmem>>, vector<64x32xf32>
      tpu.vector_store %arg13[%swap3A_126, %swap3A_127], %broadcast_in_dim3A_125 {strides = array<i32>} : memref<64x32xf32, #tpu.memory_space<vmem>>, vector<64x32xf32>,
      %broadcast_in_dim3A_129 = arith.constant 0.000000e+00 : f32
      %broadcast_in_dim3A_130 = vector.broadcast %broadcast_in_dim3A_129 : f32 to vector<64x1xf32>
      %swap3A_131 = arith.constant 0 : index
      %swap3A_132 = arith.constant 0 : index
      %swap3A_133 = vector.load %arg14[%swap3A_131, %swap3A_132] : memref<64x1xf32, #tpu.memory_space<vmem>>, vector<64x1xf32>
      tpu.vector_store %arg14[%swap3A_131, %swap3A_132], %broadcast_in_dim3A_130 {strides = array<i32>} : memref<64x1xf32, #tpu.memory_space<vmem>>, vector<64x1xf32>,
    } else {
    }
    %get3A = arith.constant 0 : index
    %get3A_2 = arith.constant 0 : index
    %get3A_3 = vector.load %arg2[%get3A, %get3A_2] : memref<512x128xf32, #tpu.memory_space<vmem>>, vector<512x128xf32>
    %get3A_4 = arith.constant 0 : index
    %get3A_5 = arith.constant 0 : index
    %get3A_6 = arith.constant 0 : index
    %get3A_7 = vector.load %arg1[%get3A_4, %get3A_5, %get3A_6] : memref<2x512x128xf32, #tpu.memory_space<vmem>>, vector<1x512x128xf32>
    %get3A_8 = vector.shape_cast %get3A_7 : vector<1x512x128xf32> to vector<512x128xf32>
    %get3A_9 = arith.constant 1 : index
    %get3A_10 = arith.constant 0 : index
    %get3A_11 = arith.constant 0 : index
    %get3A_12 = vector.load %arg1[%get3A_9, %get3A_10, %get3A_11] : memref<2x512x128xf32, #tpu.memory_space<vmem>>, vector<1x512x128xf32>
    %get3A_13 = vector.shape_cast %get3A_12 : vector<1x512x128xf32> to vector<512x128xf32>
    %add3A = arith.addf %get3A_8, %get3A_13 : vector<512x128xf32>
    %mul3A = arith.mulf %get3A_3, %add3A : vector<512x128xf32>
    %get3A_14 = arith.constant 0 : index
    %get3A_15 = arith.constant 0 : index
    %get3A_16 = vector.load %arg3[%get3A_14, %get3A_15] : memref<1x128xf32, #tpu.memory_space<vmem>>, vector<1x128xf32>
    %add3A_17 = vector.broadcast %get3A_16 : vector<1x128xf32> to vector<512x128xf32>
    %add3A_18 = arith.addf %mul3A, %add3A_17 : vector<512x128xf32>
    %max3A = arith.constant 0.000000e+00 : f32
    %max3A_19 = vector.broadcast %max3A : f32 to vector<512x128xf32>
    %max3A_20 = arith.maximumf %add3A_18, %max3A_19 : vector<512x128xf32>
    %get3A_21 = arith.constant 0 : index
    %get3A_22 = arith.constant 0 : index
    %get3A_23 = vector.load %arg4[%get3A_21, %get3A_22] : memref<4x512xi32, #tpu.memory_space<vmem>>, vector<4x512xi32>
    %iota3A = tpu.iota {dimensions = array<i32: 0>} : vector<64x512xi32>
    %slice3A = vector.extract_strided_slice %get3A_23 {offsets = [0, 0], sizes = [1, 512], strides = [1, 1]} : vector<4x512xi32> to vector<1x512xi32>
    %eq3A_24 = vector.broadcast %slice3A : vector<1x512xi32> to vector<64x512xi32>
    %eq3A_25 = arith.cmpi eq, %iota3A, %eq3A_24 : vector<64x512xi32>
    %convert_element_type3A_26 = arith.extui %eq3A_25 : vector<64x512xi1> to vector<64x512xi32>
    %convert_element_type3A_27 = arith.sitofp %convert_element_type3A_26 : vector<64x512xi32> to vector<64x512xf32>
    %dot_general3A = arith.constant dense<0.000000e+00> : vector<64x128xf32>
    %dot_general3A_28 = tpu.matmul %convert_element_type3A_27, %max3A_20, %dot_general3A {dimension_numbers = #tpu.dot_dimension_numbers<[1], [0], [0], [1], [0, 0, 1, 1], [], []>, precision = #tpu.contract_precision<fp32>, transpose_lhs_hint = false} : vector<64x512xf32>, vector<512x128xf32>, vector<64x128xf32> -> vector<64x128xf32>
    %get3A_29 = arith.constant 0 : index
    %get3A_30 = arith.constant 0 : index
    %get3A_31 = vector.load %arg13[%get3A_29, %get3A_30] : memref<64x32xf32, #tpu.memory_space<vmem>>, vector<64x32xf32>
    %slice3A_32 = vector.extract_strided_slice %dot_general3A_28 {offsets = [0, 0], sizes = [64, 32], strides = [1, 1]} : vector<64x128xf32> to vector<64x32xf32>
    %add3A_33 = arith.addf %get3A_31, %slice3A_32 : vector<64x32xf32>
    %swap3A = arith.constant 0 : index
    %swap3A_34 = arith.constant 0 : index
    %swap3A_35 = vector.load %arg13[%swap3A, %swap3A_34] : memref<64x32xf32, #tpu.memory_space<vmem>>, vector<64x32xf32>
    tpu.vector_store %arg13[%swap3A, %swap3A_34], %add3A_33 {strides = array<i32>} : memref<64x32xf32, #tpu.memory_space<vmem>>, vector<64x32xf32>,
    %get3A_36 = arith.constant 0 : index
    %get3A_37 = arith.constant 0 : index
    %get3A_38 = vector.load %arg14[%get3A_36, %get3A_37] : memref<64x1xf32, #tpu.memory_space<vmem>>, vector<64x1xf32>
    %reduce_sum3A = arith.constant dense<0.000000e+00> : vector<64xf32>
    %reduce_sum3A_39 = vector.multi_reduction <add>, %convert_element_type3A_27, %reduce_sum3A [1] : vector<64x512xf32> to vector<64xf32>
    %broadcast_in_dim3A = vector.shape_cast %reduce_sum3A_39 : vector<64xf32> to vector<64x1xf32>
    %add3A_40 = arith.addf %get3A_38, %broadcast_in_dim3A : vector<64x1xf32>
    %swap3A_41 = arith.constant 0 : index
    %swap3A_42 = arith.constant 0 : index
    %swap3A_43 = vector.load %arg14[%swap3A_41, %swap3A_42] : memref<64x1xf32, #tpu.memory_space<vmem>>, vector<64x1xf32>
    tpu.vector_store %arg14[%swap3A_41, %swap3A_42], %add3A_40 {strides = array<i32>} : memref<64x1xf32, #tpu.memory_space<vmem>>, vector<64x1xf32>,
    %slice3A_44 = vector.extract_strided_slice %get3A_23 {offsets = [1, 0], sizes = [1, 512], strides = [1, 1]} : vector<4x512xi32> to vector<1x512xi32>
    %eq3A_45 = vector.broadcast %slice3A_44 : vector<1x512xi32> to vector<64x512xi32>
    %eq3A_46 = arith.cmpi eq, %iota3A, %eq3A_45 : vector<64x512xi32>
    %convert_element_type3A_47 = arith.extui %eq3A_46 : vector<64x512xi1> to vector<64x512xi32>
    %convert_element_type3A_48 = arith.sitofp %convert_element_type3A_47 : vector<64x512xi32> to vector<64x512xf32>
    %dot_general3A_49 = arith.constant dense<0.000000e+00> : vector<64x128xf32>
    %dot_general3A_50 = tpu.matmul %convert_element_type3A_48, %max3A_20, %dot_general3A_49 {dimension_numbers = #tpu.dot_dimension_numbers<[1], [0], [0], [1], [0, 0, 1, 1], [], []>, precision = #tpu.contract_precision<fp32>, transpose_lhs_hint = false} : vector<64x512xf32>, vector<512x128xf32>, vector<64x128xf32> -> vector<64x128xf32>
    %get3A_51 = arith.constant 0 : index
    %get3A_52 = arith.constant 0 : index
    %get3A_53 = vector.load %arg13[%get3A_51, %get3A_52] : memref<64x32xf32, #tpu.memory_space<vmem>>, vector<64x32xf32>
    %slice3A_54 = vector.extract_strided_slice %dot_general3A_50 {offsets = [0, 32], sizes = [64, 32], strides = [1, 1]} : vector<64x128xf32> to vector<64x32xf32>
    %add3A_55 = arith.addf %get3A_53, %slice3A_54 : vector<64x32xf32>
    %swap3A_56 = arith.constant 0 : index
    %swap3A_57 = arith.constant 0 : index
    %swap3A_58 = vector.load %arg13[%swap3A_56, %swap3A_57] : memref<64x32xf32, #tpu.memory_space<vmem>>, vector<64x32xf32>
    tpu.vector_store %arg13[%swap3A_56, %swap3A_57], %add3A_55 {strides = array<i32>} : memref<64x32xf32, #tpu.memory_space<vmem>>, vector<64x32xf32>,
    %get3A_59 = arith.constant 0 : index
    %get3A_60 = arith.constant 0 : index
    %get3A_61 = vector.load %arg14[%get3A_59, %get3A_60] : memref<64x1xf32, #tpu.memory_space<vmem>>, vector<64x1xf32>
    %reduce_sum3A_62 = arith.constant dense<0.000000e+00> : vector<64xf32>
    %reduce_sum3A_63 = vector.multi_reduction <add>, %convert_element_type3A_48, %reduce_sum3A_62 [1] : vector<64x512xf32> to vector<64xf32>
    %broadcast_in_dim3A_64 = vector.shape_cast %reduce_sum3A_63 : vector<64xf32> to vector<64x1xf32>
    %add3A_65 = arith.addf %get3A_61, %broadcast_in_dim3A_64 : vector<64x1xf32>
    %swap3A_66 = arith.constant 0 : index
    %swap3A_67 = arith.constant 0 : index
    %swap3A_68 = vector.load %arg14[%swap3A_66, %swap3A_67] : memref<64x1xf32, #tpu.memory_space<vmem>>, vector<64x1xf32>
    tpu.vector_store %arg14[%swap3A_66, %swap3A_67], %add3A_65 {strides = array<i32>} : memref<64x1xf32, #tpu.memory_space<vmem>>, vector<64x1xf32>,
    %slice3A_69 = vector.extract_strided_slice %get3A_23 {offsets = [2, 0], sizes = [1, 512], strides = [1, 1]} : vector<4x512xi32> to vector<1x512xi32>
    %eq3A_70 = vector.broadcast %slice3A_69 : vector<1x512xi32> to vector<64x512xi32>
    %eq3A_71 = arith.cmpi eq, %iota3A, %eq3A_70 : vector<64x512xi32>
    %convert_element_type3A_72 = arith.extui %eq3A_71 : vector<64x512xi1> to vector<64x512xi32>
    %convert_element_type3A_73 = arith.sitofp %convert_element_type3A_72 : vector<64x512xi32> to vector<64x512xf32>
    %dot_general3A_74 = arith.constant dense<0.000000e+00> : vector<64x128xf32>
    %dot_general3A_75 = tpu.matmul %convert_element_type3A_73, %max3A_20, %dot_general3A_74 {dimension_numbers = #tpu.dot_dimension_numbers<[1], [0], [0], [1], [0, 0, 1, 1], [], []>, precision = #tpu.contract_precision<fp32>, transpose_lhs_hint = false} : vector<64x512xf32>, vector<512x128xf32>, vector<64x128xf32> -> vector<64x128xf32>
    %get3A_76 = arith.constant 0 : index
    %get3A_77 = arith.constant 0 : index
    %get3A_78 = vector.load %arg13[%get3A_76, %get3A_77] : memref<64x32xf32, #tpu.memory_space<vmem>>, vector<64x32xf32>
    %slice3A_79 = vector.extract_strided_slice %dot_general3A_75 {offsets = [0, 64], sizes = [64, 32], strides = [1, 1]} : vector<64x128xf32> to vector<64x32xf32>
    %add3A_80 = arith.addf %get3A_78, %slice3A_79 : vector<64x32xf32>
    %swap3A_81 = arith.constant 0 : index
    %swap3A_82 = arith.constant 0 : index
    %swap3A_83 = vector.load %arg13[%swap3A_81, %swap3A_82] : memref<64x32xf32, #tpu.memory_space<vmem>>, vector<64x32xf32>
    tpu.vector_store %arg13[%swap3A_81, %swap3A_82], %add3A_80 {strides = array<i32>} : memref<64x32xf32, #tpu.memory_space<vmem>>, vector<64x32xf32>,
    %get3A_84 = arith.constant 0 : index
    %get3A_85 = arith.constant 0 : index
    %get3A_86 = vector.load %arg14[%get3A_84, %get3A_85] : memref<64x1xf32, #tpu.memory_space<vmem>>, vector<64x1xf32>
    %reduce_sum3A_87 = arith.constant dense<0.000000e+00> : vector<64xf32>
    %reduce_sum3A_88 = vector.multi_reduction <add>, %convert_element_type3A_73, %reduce_sum3A_87 [1] : vector<64x512xf32> to vector<64xf32>
    %broadcast_in_dim3A_89 = vector.shape_cast %reduce_sum3A_88 : vector<64xf32> to vector<64x1xf32>
    %add3A_90 = arith.addf %get3A_86, %broadcast_in_dim3A_89 : vector<64x1xf32>
    %swap3A_91 = arith.constant 0 : index
    %swap3A_92 = arith.constant 0 : index
    %swap3A_93 = vector.load %arg14[%swap3A_91, %swap3A_92] : memref<64x1xf32, #tpu.memory_space<vmem>>, vector<64x1xf32>
    tpu.vector_store %arg14[%swap3A_91, %swap3A_92], %add3A_90 {strides = array<i32>} : memref<64x1xf32, #tpu.memory_space<vmem>>, vector<64x1xf32>,
    %slice3A_94 = vector.extract_strided_slice %get3A_23 {offsets = [3, 0], sizes = [1, 512], strides = [1, 1]} : vector<4x512xi32> to vector<1x512xi32>
    %eq3A_95 = vector.broadcast %slice3A_94 : vector<1x512xi32> to vector<64x512xi32>
    %eq3A_96 = arith.cmpi eq, %iota3A, %eq3A_95 : vector<64x512xi32>
    %convert_element_type3A_97 = arith.extui %eq3A_96 : vector<64x512xi1> to vector<64x512xi32>
    %convert_element_type3A_98 = arith.sitofp %convert_element_type3A_97 : vector<64x512xi32> to vector<64x512xf32>
    %dot_general3A_99 = arith.constant dense<0.000000e+00> : vector<64x128xf32>
    %dot_general3A_100 = tpu.matmul %convert_element_type3A_98, %max3A_20, %dot_general3A_99 {dimension_numbers = #tpu.dot_dimension_numbers<[1], [0], [0], [1], [0, 0, 1, 1], [], []>, precision = #tpu.contract_precision<fp32>, transpose_lhs_hint = false} : vector<64x512xf32>, vector<512x128xf32>, vector<64x128xf32> -> vector<64x128xf32>
    %get3A_101 = arith.constant 0 : index
    %get3A_102 = arith.constant 0 : index
    %get3A_103 = vector.load %arg13[%get3A_101, %get3A_102] : memref<64x32xf32, #tpu.memory_space<vmem>>, vector<64x32xf32>
    %slice3A_104 = vector.extract_strided_slice %dot_general3A_100 {offsets = [0, 96], sizes = [64, 32], strides = [1, 1]} : vector<64x128xf32> to vector<64x32xf32>
    %add3A_105 = arith.addf %get3A_103, %slice3A_104 : vector<64x32xf32>
    %swap3A_106 = arith.constant 0 : index
    %swap3A_107 = arith.constant 0 : index
    %swap3A_108 = vector.load %arg13[%swap3A_106, %swap3A_107] : memref<64x32xf32, #tpu.memory_space<vmem>>, vector<64x32xf32>
    tpu.vector_store %arg13[%swap3A_106, %swap3A_107], %add3A_105 {strides = array<i32>} : memref<64x32xf32, #tpu.memory_space<vmem>>, vector<64x32xf32>,
    %get3A_109 = arith.constant 0 : index
    %get3A_110 = arith.constant 0 : index
    %get3A_111 = vector.load %arg14[%get3A_109, %get3A_110] : memref<64x1xf32, #tpu.memory_space<vmem>>, vector<64x1xf32>
    %reduce_sum3A_112 = arith.constant dense<0.000000e+00> : vector<64xf32>
    %reduce_sum3A_113 = vector.multi_reduction <add>, %convert_element_type3A_98, %reduce_sum3A_112 [1] : vector<64x512xf32> to vector<64xf32>
    %broadcast_in_dim3A_114 = vector.shape_cast %reduce_sum3A_113 : vector<64xf32> to vector<64x1xf32>
    %add3A_115 = arith.addf %get3A_111, %broadcast_in_dim3A_114 : vector<64x1xf32>
    %swap3A_116 = arith.constant 0 : index
    %swap3A_117 = arith.constant 0 : index
    %swap3A_118 = vector.load %arg14[%swap3A_116, %swap3A_117] : memref<64x1xf32, #tpu.memory_space<vmem>>, vector<64x1xf32>
    tpu.vector_store %arg14[%swap3A_116, %swap3A_117], %add3A_115 {strides = array<i32>} : memref<64x1xf32, #tpu.memory_space<vmem>>, vector<64x1xf32>,
    %eq3A_119 = arith.constant 4 : i32
    %eq3A_120 = arith.cmpi eq, %arg0, %eq3A_119 : i32
    %convert_element_type3A_121 = arith.extui %eq3A_120 : i1 to i32
    %cond3A_122 = arith.constant 0 : i32
    %cond3A_123 = arith.cmpi ne, %convert_element_type3A_121, %cond3A_122 : i32
    scf.if %cond3A_123 {
      %get3A_124 = arith.constant 0 : index
      %get3A_125 = arith.constant 0 : index
      %get3A_126 = vector.load %arg13[%get3A_124, %get3A_125] : memref<64x32xf32, #tpu.memory_space<vmem>>, vector<64x32xf32>
      %get3A_127 = arith.constant 0 : index
      %get3A_128 = arith.constant 0 : index
      %get3A_129 = vector.load %arg14[%get3A_127, %get3A_128] : memref<64x1xf32, #tpu.memory_space<vmem>>, vector<64x1xf32>
      %max3A_130 = arith.constant 1.000000e+00 : f32
      %max3A_131 = vector.broadcast %max3A_130 : f32 to vector<64x1xf32>
      %max3A_132 = arith.maximumf %get3A_129, %max3A_131 : vector<64x1xf32>
      %div3A = vector.broadcast %max3A_132 : vector<64x1xf32> to vector<64x32xf32>
      %div3A_133 = arith.divf %get3A_126, %div3A : vector<64x32xf32>
      %get3A_134 = arith.constant 0 : index
      %get3A_135 = arith.constant 0 : index
      %get3A_136 = vector.load %arg5[%get3A_134, %get3A_135] : memref<32x32xf32, #tpu.memory_space<vmem>>, vector<32x32xf32>
      %dot_general3A_137 = arith.constant dense<0.000000e+00> : vector<64x32xf32>
      %dot_general3A_138 = tpu.matmul %div3A_133, %get3A_136, %dot_general3A_137 {dimension_numbers = #tpu.dot_dimension_numbers<[1], [0], [0], [1], [0, 0, 1, 1], [], []>, transpose_lhs_hint = false} : vector<64x32xf32>, vector<32x32xf32>, vector<64x32xf32> -> vector<64x32xf32>
      %get3A_139 = arith.constant 0 : index
      %get3A_140 = arith.constant 0 : index
      %get3A_141 = vector.load %arg6[%get3A_139, %get3A_140] : memref<1x32xf32, #tpu.memory_space<vmem>>, vector<1x32xf32>
      %add3A_142 = vector.broadcast %get3A_141 : vector<1x32xf32> to vector<64x32xf32>
      %add3A_143 = arith.addf %dot_general3A_138, %add3A_142 : vector<64x32xf32>
      %max3A_144 = arith.constant 0.000000e+00 : f32
      %max3A_145 = vector.broadcast %max3A_144 : f32 to vector<64x32xf32>
      %max3A_146 = arith.maximumf %add3A_143, %max3A_145 : vector<64x32xf32>
      %get3A_147 = arith.constant 0 : index
      %get3A_148 = arith.constant 0 : index
      %get3A_149 = vector.load %arg7[%get3A_147, %get3A_148] : memref<32x2xf32, #tpu.memory_space<vmem>>, vector<32x2xf32>
      %dot_general3A_150 = arith.constant dense<0.000000e+00> : vector<64x2xf32>
      %dot_general3A_151 = tpu.matmul %max3A_146, %get3A_149, %dot_general3A_150 {dimension_numbers = #tpu.dot_dimension_numbers<[1], [0], [0], [1], [0, 0, 1, 1], [], []>, transpose_lhs_hint = false} : vector<64x32xf32>, vector<32x2xf32>, vector<64x2xf32> -> vector<64x2xf32>
      %get3A_152 = arith.constant 0 : index
      %get3A_153 = arith.constant 0 : index
      %get3A_154 = vector.load %arg8[%get3A_152, %get3A_153] : memref<1x2xf32, #tpu.memory_space<vmem>>, vector<1x2xf32>
      %add3A_155 = vector.broadcast %get3A_154 : vector<1x2xf32> to vector<64x2xf32>
      %add3A_156 = arith.addf %dot_general3A_151, %add3A_155 : vector<64x2xf32>
      %swap3A_157 = arith.constant 0 : index
      %swap3A_158 = arith.constant 0 : index
      %swap3A_159 = vector.load %arg11[%swap3A_157, %swap3A_158] : memref<64x2xf32, #tpu.memory_space<vmem>>, vector<64x2xf32>
      tpu.vector_store %arg11[%swap3A_157, %swap3A_158], %add3A_156 {strides = array<i32>} : memref<64x2xf32, #tpu.memory_space<vmem>>, vector<64x2xf32>,
      %get3A_160 = arith.constant 0 : index
      %get3A_161 = arith.constant 0 : index
      %get3A_162 = vector.load %arg9[%get3A_160, %get3A_161] : memref<32x2xf32, #tpu.memory_space<vmem>>, vector<32x2xf32>
      %dot_general3A_163 = arith.constant dense<0.000000e+00> : vector<64x2xf32>
      %dot_general3A_164 = tpu.matmul %max3A_146, %get3A_162, %dot_general3A_163 {dimension_numbers = #tpu.dot_dimension_numbers<[1], [0], [0], [1], [0, 0, 1, 1], [], []>, transpose_lhs_hint = false} : vector<64x32xf32>, vector<32x2xf32>, vector<64x2xf32> -> vector<64x2xf32>
      %get3A_165 = arith.constant 0 : index
      %get3A_166 = arith.constant 0 : index
      %get3A_167 = vector.load %arg10[%get3A_165, %get3A_166] : memref<1x2xf32, #tpu.memory_space<vmem>>, vector<1x2xf32>
      %add3A_168 = vector.broadcast %get3A_167 : vector<1x2xf32> to vector<64x2xf32>
      %add3A_169 = arith.addf %dot_general3A_164, %add3A_168 : vector<64x2xf32>
      %swap3A_170 = arith.constant 0 : index
      %swap3A_171 = arith.constant 0 : index
      %swap3A_172 = vector.load %arg12[%swap3A_170, %swap3A_171] : memref<64x2xf32, #tpu.memory_space<vmem>>, vector<64x2xf32>
      tpu.vector_store %arg12[%swap3A_170, %swap3A_171], %add3A_169 {strides = array<i32>} : memref<64x2xf32, #tpu.memory_space<vmem>>, vector<64x2xf32>,
    } else {
    }
    return
  }
  func.func @transform_0(%arg0: i32) -> (i32, i32, i32) {
    %c0_i32 = arith.constant 0 : i32
    %c0_i32_0 = arith.constant 0 : i32
    %c0_i32_1 = arith.constant 0 : i32
    return %c0_i32, %arg0, %c0_i32_0 : i32, i32, i32
  }
  func.func @transform_1(%arg0: i32) -> (i32, i32) {
    %c0_i32 = arith.constant 0 : i32
    %c0_i32_0 = arith.constant 0 : i32
    return %arg0, %c0_i32 : i32, i32
  }
  func.func @transform_2(%arg0: i32) -> (i32, i32) {
    %c0_i32 = arith.constant 0 : i32
    %c0_i32_0 = arith.constant 0 : i32
    %c0_i32_1 = arith.constant 0 : i32
    return %c0_i32, %c0_i32_0 : i32, i32
  }
  func.func @transform_3(%arg0: i32) -> (i32, i32) {
    %c0_i32 = arith.constant 0 : i32
    %c0_i32_0 = arith.constant 0 : i32
    return %c0_i32, %arg0 : i32, i32
  }
  func.func @transform_4(%arg0: i32) -> (i32, i32) {
    %c0_i32 = arith.constant 0 : i32
    %c0_i32_0 = arith.constant 0 : i32
    %c0_i32_1 = arith.constant 0 : i32
    return %c0_i32, %c0_i32_0 : i32, i32
  }
  func.func @transform_5(%arg0: i32) -> (i32, i32) {
    %c0_i32 = arith.constant 0 : i32
    %c0_i32_0 = arith.constant 0 : i32
    %c0_i32_1 = arith.constant 0 : i32
    return %c0_i32, %c0_i32_0 : i32, i32
  }
  func.func @transform_6(%arg0: i32) -> (i32, i32) {
    %c0_i32 = arith.constant 0 : i32
    %c0_i32_0 = arith.constant 0 : i32
    %c0_i32_1 = arith.constant 0 : i32
    return %c0_i32, %c0_i32_0 : i32, i32
  }
  func.func @transform_7(%arg0: i32) -> (i32, i32) {
    %c0_i32 = arith.constant 0 : i32
    %c0_i32_0 = arith.constant 0 : i32
    %c0_i32_1 = arith.constant 0 : i32
    return %c0_i32, %c0_i32_0 : i32, i32
  }
  func.func @transform_8(%arg0: i32) -> (i32, i32) {
    %c0_i32 = arith.constant 0 : i32
    %c0_i32_0 = arith.constant 0 : i32
    %c0_i32_1 = arith.constant 0 : i32
    return %c0_i32, %c0_i32_0 : i32, i32
  }
  func.func @transform_9(%arg0: i32) -> (i32, i32) {
    %c0_i32 = arith.constant 0 : i32
    %c0_i32_0 = arith.constant 0 : i32
    %c0_i32_1 = arith.constant 0 : i32
    return %c0_i32, %c0_i32_0 : i32, i32
  }
  func.func @transform_10(%arg0: i32) -> (i32, i32) {
    %c0_i32 = arith.constant 0 : i32
    %c0_i32_0 = arith.constant 0 : i32
    %c0_i32_1 = arith.constant 0 : i32
    return %c0_i32, %c0_i32_0 : i32, i32
  }
  func.func @transform_11(%arg0: i32) -> (i32, i32) {
    %c0_i32 = arith.constant 0 : i32
    %c0_i32_0 = arith.constant 0 : i32
    %c0_i32_1 = arith.constant 0 : i32
    return %c0_i32, %c0_i32_0 : i32, i32
  }
}

</mosaic_0001>

<sc_bundles>
// kernel: kernel.11.cloned.1.call-start
scs
__scs_entry_jumppad:
0x0: {  	(pc) =	sbr.rel $0x88, $3  }
0x1: {  	(tag) =	ssettag $0x0;
	lr =	simm.s32 $0x1  }
0x2: {  	[smem:$0x3F94] =	sst lr;
	_ =	strace $0xD0000000  }
0x3: {  	_ = 	snop  }
0x4: {  	_ = 	snop  }
0x5: {  	_ = 	snop  }
0x6: {  	_ = 	snop  }
0x7: {  	_ = 	snop  }
__scs_overlays_trampoline_lowered:
0x8: {  	[smem:$0x3FA3] =	sst s0  }
0x9: {  	[smem:$0x3FA4] =	sst s1  }
0xa: {  	[smem:$0x3FA5] =	sst s2  }
0xb: {  	[smem:$0x3FA6] =	sst s3  }
0xc: {  	[smem:$0x3FA7] =	sst s4  }
0xd: {  	[smem:$0x3FA8] =	sst s5  }
0xe: {  	[smem:$0x3FA9] =	sst s6  }
0xf: {  	[smem:$0x3FAA] =	sst s7  }
0x10: {  	[smem:$0x3FAB] =	sst s8  }
0x11: {  	[smem:$0x3FAC] =	sst s9;
	s0 =	simm.s32 @!p0 $0x0  }
0x12: {  	s1 =	sld [smem:$0x3F92];
	s0 =	simm.s32 @p0 $0x1  }
0x13: {  	[smem:$0x3FAD] =	sst s0;
	s0 =	simm.s32 @!p1 $0x0  }
0x14: {  	s2 =	sld [smem:$0x3F91];
	s0 =	simm.s32 @p1 $0x1  }
0x15: {  	[smem:$0x3FAE] =	sst s0;
	s0 =	simm.s32 @!p2 $0x0  }
0x16: {  	s3 =	sld [smem:$0x3FDB];
	s0 =	simm.s32 @p2 $0x1  }
0x17: {  	s4 =	simm.s32 $0x1BF5;
	[smem:$0x3FB0] =	sst s0  }
0x18: {  	s0 =	sld [smem:$0x3F93];
	_ =	swait.ge [sflag:s4], $0x0  }
0x19: {  	s7 =	sld [smem:$0x3F94]  }
0x1a: {  	s8 =	sadd.s32 $0xFFFFE003, lr  }
0x1b: {  	s9 =	sadd.s32 $0xFFFFFEF7, lr;
	s5 =	simm.s32 $0xFFFFFFFF;
	p2 =	slt.u32 s8, $0xFFFFF086  }
0x1c: {  	p1 =	slt.u32 s9, $0xF7A;
	s5 =	simm.s32 @!p2 $0x0  }
0x1d: {  	s5 =	simm.s32 @p1 $0x1;
	p0 =	seq.s32 s7, s2  }
0x1e: {  	s7 =	smul.u32 @!p0 $0xF7A, s2;
	p2 =	seq.s32 @!p0 s5, $0x0  }
0x1f: {  	s9 =	smul.u32 $0xF7A, s1;
	s8 =	simm.s32 @!p0 $0x1BF5;
	p2 =	por !p2, p0  }
0x20: {  	[sflag:s8] =	ssyncset.s32 @!p0 $0xFFFFF086;
	s6 =	sadd.s32 @!p0 s3, s7;
	s7 =	simm.s32 @!p0 $0x108  }
0x21: {  	s3 =	sadd.s32 s3, s9;
	s6 =	sadd.s32 @!p0 $0x88, s6;
	s7 =	simm.s32 @p2 $0x1082  }
0x22: {  	[simem:s7], [sflag:s8] =	dma.local @!p0 [hbm:s6], $0xF7A  }
0x23: {  	s9 =	sor.u32 $0xD0000000, s2;
	s6 =	simm.s32 $0x108;
	_ =	swait.ge @!p0 [sflag:s8], $0x0  }
0x24: {  	s3 =	sadd.s32 $0x88, s3;
	s6 =	simm.s32 @!p1 $0x1082;
	[sflag:s4] =	ssyncset.s32 $0xFFFFF086  }
0x25: {  	[simem:s6], [sflag:s4] =	dma.local [hbm:s3], $0xF7A  }
0x26: {  	[smem:$0x3F94] =	sst s1;
	(tag) =	ssettag s2;
	_ =	strace s9  }
0x27: {  	s1 =	sld [smem:$0x3FA4]  }
0x28: {  	s2 =	sld [smem:$0x3FA5]  }
0x29: {  	s4 =	sld [smem:$0x3FA7]  }
0x2a: {  	p0 =	seq.s32 s5, $0x0;
	s5 =	sld [smem:$0x3FA8]  }
0x2b: {  	s6 =	sld [smem:$0x3FA9]  }
0x2c: {  	s7 =	sld [smem:$0x3FAA]  }
0x2d: {  	s3 =	simm.s32 $0x108;
	s8 =	sld [smem:$0x3FAB]  }
0x2e: {  	s3 =	simm.s32 @!p0 $0x1082;
	s9 =	sld [smem:$0x3FAC]  }
0x2f: {  	lr =	sadd.s32 s0, s3;
	s0 =	sld [smem:$0x3FA3]  }
0x30: {  	s3 =	sld [smem:$0x3FA6]  }
0x31: {  	[smem:$0x3FAF] =	sst s10  }
0x32: {  	s10 =	sld [smem:$0x3FAD];
	_ =	sdelay $0x3  }
0x33: {  	p0 =	seq.s32 s10, $0x1;
	s10 =	sld [smem:$0x3FAF];
	_ =	sdelay $0x3  }
0x34: {  	[smem:$0x3FAF] =	sst s10  }
0x35: {  	s10 =	sld [smem:$0x3FAE];
	_ =	sdelay $0x3  }
0x36: {  	p1 =	seq.s32 s10, $0x1;
	s10 =	sld [smem:$0x3FAF];
	_ =	sdelay $0x3  }
0x37: {  	[smem:$0x3FAF] =	sst s10  }
0x38: {  	s10 =	sld [smem:$0x3FB0]  }
0x39: {  	_ = 	snop;
	(pc) =	sbr.ind lr, $3  }
0x3a: {  	_ = 	snop  }
0x3b: {  	_ = 	snop  }
0x3c: {  	p2 =	seq.s32 s10, $0x1;
	s10 =	sld [smem:$0x3FAF]  }
0x3d: {  	_ =	shalt  }
0x3e: {  	_ =	shalt  }
0x3f: {  	_ =	shalt  }
0x40: {  	_ =	shalt  }
0x41: {  	_ =	shalt  }
0x42: {  	_ =	shalt  }
0x43: {  	_ =	shalt  }
0x44: {  	_ =	shalt  }
0x45: {  	_ =	shalt  }
0x46: {  	_ =	shalt  }
0x47: {  	_ =	shalt  }
0x48: {  	_ =	shalt  }
0x49: {  	_ =	shalt  }
0x4a: {  	_ =	shalt  }
0x4b: {  	_ =	shalt  }
0x4c: {  	_ =	shalt  }
0x4d: {  	_ =	shalt  }
0x4e: {  	_ =	shalt  }
0x4f: {  	_ =	shalt  }
0x50: {  	_ =	shalt  }
0x51: {  	_ =	shalt  }
0x52: {  	_ =	shalt  }
0x53: {  	_ =	shalt  }
0x54: {  	_ =	shalt  }
0x55: {  	_ =	shalt  }
0x56: {  	_ =	shalt  }
0x57: {  	_ =	shalt  }
0x58: {  	_ =	shalt  }
0x59: {  	_ =	shalt  }
0x5a: {  	_ =	shalt  }
0x5b: {  	_ =	shalt  }
0x5c: {  	_ =	shalt  }
0x5d: {  	_ =	shalt  }
0x5e: {  	_ =	shalt  }
0x5f: {  	_ =	shalt  }
0x60: {  	_ =	shalt  }
0x61: {  	_ =	shalt  }
0x62: {  	_ =	shalt  }
0x63: {  	_ =	shalt  }
0x64: {  	_ =	shalt  }
0x65: {  	_ =	shalt  }
0x66: {  	_ =	shalt  }
0x67: {  	_ =	shalt  }
0x68: {  	_ =	shalt  }
0x69: {  	_ =	shalt  }
0x6a: {  	_ =	shalt  }
0x6b: {  	_ =	shalt  }
0x6c: {  	_ =	shalt  }
0x6d: {  	_ =	shalt  }
0x6e: {  	_ =	shalt  }
0x6f: {  	_ =	shalt  }
0x70: {  	_ =	shalt  }
0x71: {  	_ =	shalt  }
0x72: {  	_ =	shalt  }
0x73: {  	_ =	shalt  }
0x74: {  	_ =	shalt  }
0x75: {  	_ =	shalt  }
0x76: {  	_ =	shalt  }
0x77: {  	_ =	shalt  }
0x78: {  	_ =	shalt  }
0x79: {  	_ =	shalt  }
0x7a: {  	_ =	shalt  }
0x7b: {  	_ =	shalt  }
0x7c: {  	_ =	shalt  }
0x7d: {  	_ =	shalt  }
0x7e: {  	_ =	shalt  }
0x7f: {  	_ =	shalt  }
0x80: {  	_ =	shalt  }
0x81: {  	_ =	shalt  }
0x82: {  	_ =	shalt  }
0x83: {  	_ =	shalt  }
0x84: {  	_ =	shalt  }
0x85: {  	_ =	shalt  }
0x86: {  	_ =	shalt  }
0x87: {  	_ =	shalt  }
.Lfunc_end0:
.L_simem_size_0:
called_computation.1_lowered:
.L_overlay_start_0:
0x88: {  	s2 =	sld [smem:$0x3FD9]  }
0x89: {  	s3 =	sld [smem:$0x3FFE];
	_ =	sdelay $0x1  }
0x8a: {  	s1 =	srdreg.scid  }
0x8b: {  	s0 =	sand.u32 $0x1, s1  }
0x8c: {  	s16 =	sshll.u32 s0, $0xA;
	s2 =	sadd.s32 s3, s2  }
0x8d: {  	s2 =	sadd.s32 s2, s16  }
0x8e: {  	[smem:$0x3FBB] =	sst s2  }
0x8f: {  	_ = 	snop  }
0x90: {  	(tm) =	ssettm $0x1  }
0x91: {  	s17 =	sld [smem:$0x3FFB];
	_ =	sdelay $0x3  }
0x92: {  	_ =	strace s17  }
0x93: {  	s2 =	sld [smem:$0x3FFC];
	_ =	sdelay $0x3  }
0x94: {  	_ =	strace s2  }
0x95: {  	s2 =	sld [smem:$0x3FFD];
	_ =	sdelay $0x3  }
0x96: {  	_ =	strace s2  }
0x97: {  	_ =	strace $0x8FFFFFFF  }
0x98: {  	s18 =	sld [smem:$0x3FDB];
	_ =	sdelay $0x1  }
0x99: {  	s19 =	simm.s32 $_scs_section_size  }
0x9a: {  	s4 =	simm.s32 $_size__tile_overlayer_lowered;
	s5 =	simm.s32 $_tile_overlayer_lowered  }
0x9b: {  	s22 =	simm.s32 $0x1BFF;
	s21 =	sshll.u32 s5, $0x1;
	s2 =	sadd.s32 s19, s18  }
0x9c: {  	s6 =	simm.s32 $0x0;
	s20 =	sshll.u32 s4, $0x1;
	s4 =	sadd.s32 s21, s2  }
0x9d: {  	[timem:s6], [sflag:s22] =	dma.local [hbm:s4], s20  }
0x9e: {  	_ =	swait.ge [sflag:s22], s20  }
0x9f: {  	s3 =	ssub.s32 $0x0, s20;
	[sflag:s22] =	ssyncset.done $0x0  }
0xa0: {  	[sflag:s22] =	ssyncadd.s32 s3;
	_ =	sdelay $0x1  }
0xa1: {  	s23 =	simm.s32 $0x1B8B  }
0xa2: {  	_ =	swait.ge [sflag:s23], $0x1  }
0xa3: {  	[sflag:s23] =	ssyncset.done $0x0  }
0xa4: {  	s25 =	simm.s32 $0x1B8E;
	s24 =	sld [smem:$0x3FFE];
	[sflag:s23] =	ssyncadd.s32 $0xFFFFFFFF  }
0xa5: {  	s26 =	simm.s32 $execute0_lowered;
	[smem:$0x3FD2] =	sst s25  }
0xa6: {  	s4 =	sshll.u32 s26, $0x1;
	_ =	strace $0x80000049;
	[dreg:$0x1] =	wrdreg $0xFFFFFFFF  }
0xa7: {  	s28 =	simm.s32 $_size_execute0_lowered;
	s2 =	sadd.s32 s2, s4;
	[dreg:$0x0] =	wrdreg $0x0  }
0xa8: {  	s4 =	sshll.u32 s28, $0x1;
	[dreg:$0x2] =	wrdreg s2  }
0xa9: {  	[dreg:$0x3] =	wrdreg s4  }
0xaa: {  	[dreg:$0x4] =	wrdreg $0xC0  }
0xab: {  	_ =	task [dreg:s6], $0x5FFFF  }
0xac: {  	[dreg:$0x1] =	wrdreg $0xFFFFFFFF  }
0xad: {  	[dreg:$0x0] =	wrdreg $0x60  }
0xae: {  	[dreg:$0x2] =	wrdreg s24  }
0xaf: {  	[dreg:$0x3] =	wrdreg $0xA8000  }
0xb0: {  	[dreg:$0x4] =	wrdreg $0xF8000  }
0xb1: {  	[dreg:$0x5] =	wrdreg $0x9  }
0xb2: {  	_ =	task.clear_ibuf [dreg:s6], $0x6FFFF;
	_ =	strace $0x90000049  }
0xb3: {  	s29 =	simm.s32 $0x9;
	_ =	strace $0x8000004B  }
0xb4: {  	_ =	swait.ge [sflag:s29], $0x1  }
0xb5: {  	[sflag:s29] =	ssyncadd.s32 $0xFFFFFFFF  }
0xb6: {  	_ =	strace $0x9000004B  }
0xb7: {  	_ =	sfence  }
0xb8: {  	s30 =	sld [smem:$0x0];
	_ =	sdelay $0x2  }
0xb9: {  	s31 =	sshll.u32 s1, $0xD;
	s1 =	sshrl.u32 s1, $0x2  }
0xba: {  	s3 =	sand.u32 $0x4000, s31;
	s1 =	sadd.s32 s1, s30  }
0xbb: {  	s0 =	sor.u32 s3, s0;
	s1 =	sshll.u32 s1, $0x11  }
0xbc: {  	s0 =	sor.u32 s1, s0  }
0xbd: {  	s0 =	sadd.s32 $0x8F2B, s0  }
0xbe: {  	[sflag:s0] =	ssyncadd.remote.s32 $0x1  }
0xbf: {  	_ =	sfence.sel $0xFFFF  }
0xc0: {  	[dreg:$0x0] =	wrdreg $0xFFFFFFFF;
	(pc) =	sbr.abs _section_cstart, $3  }
0xc1: {  	[dreg:$0x1] =	wrdreg $0xFFFFFFFF  }
0xc2: {  	_ =	task.clear_ibuf [dreg:s6], $0x2FFFF;
	_ =	strace $0x9FFFFFFF  }
0xc3: {  	(tm) =	ssettm $0x7FFFFFFF  }
tec
execute0_lowered:
.L_overlay_start_1:
0x0: {  	(tag) =	ssettag $0x1  }
0x1: {  	s0 =	srdreg.scid;
	s1 =	rddreg [dreg:$0x0]  }
0x2: {  	s2 =	rddreg [dreg:$0x1];
	s10 =	stileid.u32  }
0x3: {  	s3 =	rddreg [dreg:$0x2];
	s6 =	simm.s32 $0x0;
	s28 =	simm.s32 $0x3800  }
0x4: {  	s30 =	simm.s32 $0x4800;
	s29 =	simm.s32 $0x8800;
	s31 =	simm.s32 $0x4  }
0x5: {  	s13 =	simm.s32 $0xB;
	s14 =	simm.s32 $0xC;
	s16 =	simm.s32 $0xF  }
0x6: {  	s0 =	sand.u32 $0x1, s0;
	s5 =	smul.u32 $0x5000, s10;
	[smem:$0x7FF] =	sst s6  }
0x7: {  	s8 =	smul.u32 $0x14000, s10;
	s26 =	sshll.u32 s10, $0x6;
	s4 =	sshll.u32 s0, $0x4  }
0x8: {  	s17 =	smul.u32 $0x50000, s0;
	_ =	strace $0x8000004A;
	s9 =	ssub.s32 $0x2, s0  }
0x9: {  	p0 =	sne.s32 s0, $0x0;
	[dreg:$0x10] =	wrdreg s26;
	s4 =	sor.u32 s10, s4  }
0xa: {  	s7 =	sshrl.u32 s5, $0x3;
	s8 =	sshrl.u32 s8, $0x2;
	s18 =	sshrl.u32 s9, $0x1  }
0xb: {  	s24 =	sadd.s32 s5, s3;
	s4 =	smul.u32 $0x280, s4;
	s7 =	sadd.s32 s7, s1  }
0xc: {  	s6 =	sadd.s32 s5, s17;
	s8 =	sadd.s32 s8, s2;
	s0 =	sshrl.u32 s24, $0x3  }
0xd: {  	s24 =	simm.s32 $0x3;
	s17 =	simm.s32 $0x10;
	s6 =	sshrl.u32 s6, $0x3  }
0xe: {  	s19 =	sadd.s32 $0x1000, s8;
	s20 =	sadd.s32 $0x2000, s8;
	[dreg:$0x4] =	wrdreg s8  }
0xf: {  	s21 =	sadd.s32 $0x3000, s8;
	s8 =	sadd.s32 $0x4000, s8;
	[dreg:$0x12] =	wrdreg s0  }
0x10: {  	s11 =	sadd.s32 $0xCA00, s7;
	s0 =	simm.s32 $0x6800;
	[dreg:$0x5] =	wrdreg s19  }
0x11: {  	s7 =	simm.s32 $0x7;
	s4 =	sadd.s32 s4, s1;
	[dreg:$0x6] =	wrdreg s20  }
0x12: {  	s1 =	sadd.s32 s6, s1;
	s6 =	ssub.s32 s9, s18;
	[dreg:$0x7] =	wrdreg s21  }
0x13: {  	[dreg:$0x8] =	wrdreg s8;
	s8 =	sadd.s32 s5, s2;
	s18 =	simm.s32 $0x7800  }
0x14: {  	s20 =	simm.s32 $0x11;
	s22 =	sadd.s32 $0x2A00, s4;
	[dreg:$0x9] =	wrdreg s8  }
0x15: {  	s21 =	simm.s32 $0x0;
	s23 =	sadd.s32 $0x7A00, s4;
	[dreg:$0xa] =	wrdreg s22  }
0x16: {  	s4 =	sshll.u32 @!p0 s10, $0x6;
	s1 =	sadd.s32 $0x16A00, s1;
	[dreg:$0xb] =	wrdreg s23  }
0x17: {  	s25 =	smax.u32 s6, $0x1;
	s6 =	simm.s32 $0x5;
	[dreg:$0xc] =	wrdreg s1  }
.Ltmp0:
0x18: {  	[dreg:$0xd] =	wrdreg s25;
	s1 =	sor.u32 @!p0 $0x1C0E, s4;
	(pc) =	sbr.rel .LBB2_1-.Ltmp0, $4  }
0x19: {  	s22 =	simm.s32 $0x1;
	s23 =	simm.s32 $0x2;
	s25 =	simm.s32 $0x80  }
0x1a: {  	s4 =	simm.s32 $0x9800;
	[dreg:$0xe] =	wrdreg s1;
	s1 =	sshrl.u32 @!p0 s8, $0x3  }
0x1b: {  	s8 =	simm.s32 $0x8;
	[dreg:$0xf] =	wrdreg s1;
	s1 =	sor.u32 $0x1C03, s26  }
0x1c: {  	v0 =	vimm.f32 $0.0e+00;
	s26 =	simm.s32 $0x2800;
	[dreg:$0x11] =	wrdreg s1;
	s1 =	simm.s32 $0x5800  }
.LBB2_6:
0x1d: {  	_ =	swait.ge [sflag:s8], $0x1000  }
0x1e: {  	[sflag:s8] =	ssyncset.done $0x0  }
0x1f: {  	s5 =	simm.s32 $0x9;
	[sflag:s8] =	ssyncadd.s32 $0xFFFFF000  }
0x20: {  	[spmem:s2] =	stream.indirect.scatter.add.f32 [tilespmem:s4], [sflag:$0x10], $0x20, s9, s25, $0xb8;
	[tilespmem:$0x14800] =	vst v63  }
0x21: {  	_ =	swait.ge [sflag:s5], $0x1000  }
0x22: {  	[sflag:s5] =	ssyncset.done $0x0  }
0x23: {  	s19 =	simm.s32 $0xA;
	[sflag:s5] =	ssyncadd.s32 $0xFFFFF000  }
0x24: {  	_ =	swait.ge [sflag:s19], $0x1000  }
0x25: {  	[sflag:s19] =	ssyncset.done $0x0  }
0x26: {  	[sflag:s19] =	ssyncadd.s32 $0xFFFFF000  }
0x27: {  	_ =	swait.ge [sflag:s13], $0x1000  }
0x28: {  	[sflag:s13] =	ssyncset.done $0x0  }
0x29: {  	[sflag:s13] =	ssyncadd.s32 $0xFFFFF000  }
0x2a: {  	_ =	swait.ge [sflag:s14], $0x1000  }
0x2b: {  	[sflag:s14] =	ssyncset.done $0x0  }
0x2c: {  	s9 =	simm.s32 $0xD;
	[sflag:s14] =	ssyncadd.s32 $0xFFFFF000  }
0x2d: {  	_ =	swait.ge [sflag:s9], $0x1000  }
0x2e: {  	[sflag:s9] =	ssyncset.done $0x0  }
0x2f: {  	s10 =	simm.s32 $0xE;
	[sflag:s9] =	ssyncadd.s32 $0xFFFFF000  }
0x30: {  	_ =	swait.ge [sflag:s10], $0x1000  }
0x31: {  	[sflag:s10] =	ssyncset.done $0x0  }
0x32: {  	[sflag:s10] =	ssyncadd.s32 $0xFFFFF000  }
0x33: {  	_ =	swait.ge [sflag:s16], $0x1000  }
0x34: {  	[sflag:s16] =	ssyncset.done $0x0  }
0x35: {  	[sflag:s16] =	ssyncadd.s32 $0xFFFFF000  }
0x36: {  	_ =	swait.ge [sflag:s17], $0x1000  }
0x37: {  	[sflag:s17] =	ssyncset.done $0x0  }
0x38: {  	[sflag:s17] =	ssyncadd.s32 $0xFFFFF000  }
0x39: {  	[bflag:$0x0] =	sbarrier.arrive $0xFFFF  }
0x3a: {  	s12 =	rddreg [dreg:$0x10]  }
0x3b: {  	s15 =	rddreg [dreg:$0x9]  }
0x3c: {  	s10 =	rddreg [dreg:$0xc];
	s5 =	sor.u32 $0x1C11, s12;
	s9 =	sshrl.u32 s15, $0x3  }
0x3d: {  	[hbm:s10], [sflag:s5] =	dma.local [spmem:s9], $0xA00  }
0x3e: {  	_ =	swait.ge [sflag:s20], $0xA00  }
0x3f: {  	s21 =	sadd.s32 $0x1, s21;
	s19 =	rddreg [dreg:$0xd]  }
0x40: {  	p1 =	sne.s32 s21, s19  }
.Ltmp1:
0x41: {  	_ = 	snop;
	(pc) =	sbr.rel @!p1 .LBB2_7-.Ltmp1, $3  }
0x42: {  	_ =	sdelay $0x1  }
0x43: {  	[sflag:s20] =	ssyncset.done $0x0  }
0x44: {  	[sflag:s20] =	ssyncadd.s32 $0xFFFFF600  }
.LBB2_1:
0x45: {  	s5 =	simm.s32 $0x80;
	s9 =	simm.s32 $0x0  }
.LBB2_2:
0x46: {  	p1 =	sne.s32 s5, $0x3F80;
	[tilespmem:s9+$0x2800] =	vst v0;
	s19 =	smov.u32 s5;
	s5 =	sadd.s32 $0x80, s5  }
.Ltmp2:
0x47: {  	[tilespmem:s9+$0x2810] =	vst v0;
	(pc) =	sbr.rel @p1 .LBB2_2-.Ltmp2, $2  }
0x48: {  	_ =	sdelay $0x2  }
0x49: {  	s9 =	sshra.s32 s19, $0x2  }
0x4a: {  	[tilespmem:s9+$0x2800] =	vst v0  }
0x4b: {  	[tilespmem:s9+$0x2810] =	vst v0;
	s5 =	simm.s32 @p0 $0x2800;
	s9 =	rddreg [dreg:$0x4]  }
0x4c: {  	[spmem:s9] =	stream.linear.scatter @p0 [tilespmem:s5], [sflag:$0x9], $0x1000, $0x38;
	[tilespmem:$0x14800] =	vst v63  }
0x4d: {  	s9 =	rddreg [dreg:$0x5]  }
0x4e: {  	[spmem:s9] =	stream.linear.scatter @p0 [tilespmem:s5], [sflag:$0xA], $0x1000, $0x38;
	[tilespmem:$0x14800] =	vst v63  }
0x4f: {  	s9 =	rddreg [dreg:$0x6]  }
0x50: {  	[spmem:s9] =	stream.linear.scatter @p0 [tilespmem:s5], [sflag:$0xB], $0x1000, $0x38;
	[tilespmem:$0x14800] =	vst v63  }
0x51: {  	s9 =	rddreg [dreg:$0x7]  }
0x52: {  	[spmem:s9] =	stream.linear.scatter @p0 [tilespmem:s5], [sflag:$0xC], $0x1000, $0x38;
	[tilespmem:$0x14800] =	vst v63  }
0x53: {  	s9 =	rddreg [dreg:$0x8]  }
0x54: {  	[spmem:s9] =	stream.linear.scatter @p0 [tilespmem:s5], [sflag:$0xD], $0x1000, $0x38;
	[tilespmem:$0x14800] =	vst v63  }
0x55: {  	s5 =	rddreg [dreg:$0xe]  }
0x56: {  	s9 =	rddreg [dreg:$0xf]  }
0x57: {  	[spmem:s9], [sflag:s5] =	dma.local @!p0 [hbm:s11], $0xA00  }
0x58: {  	s9 =	rddreg [dreg:$0xa]  }
0x59: {  	s15 =	simm.s32 $0x0;
	s19 =	rddreg [dreg:$0xb]  }
0x5a: {  	[tilespmem:s15], [sflag:$0x1] =	stream.linear.gather [hbm4b:s9+s15], $0x1400, $0x38;
	[tilespmem:$0x14800] =	vst v63  }
0x5b: {  	s10 =	simm.s32 $0x1400;
	s9 =	rddreg [dreg:$0x11]  }
0x5c: {  	[tilespmem:s10], [sflag:$0x2] =	stream.linear.gather [hbm4b:s19+s15], $0x1400, $0x38;
	[tilespmem:$0x14800] =	vst v63  }
0x5d: {  	s5 =	simm.s32 @p0 $0x9;
	s10 =	rddreg [dreg:$0x12]  }
0x5e: {  	[spmem:s10], [sflag:s9] =	dma.local [hbm:s11], $0xA00  }
0x5f: {  	_ =	swait.ge @p0 [sflag:s5], $0x1000  }
0x60: {  	[sflag:s5] =	ssyncset.done @p0 $0x0  }
0x61: {  	[sflag:s5] =	ssyncadd.s32 @p0 $0xFFFFF000;
	s5 =	simm.s32 @p0 $0xA  }
0x62: {  	_ =	swait.ge @p0 [sflag:s5], $0x1000  }
0x63: {  	[sflag:s5] =	ssyncset.done @p0 $0x0  }
0x64: {  	[sflag:s5] =	ssyncadd.s32 @p0 $0xFFFFF000;
	s5 =	simm.s32 @p0 $0xB  }
0x65: {  	_ =	swait.ge @p0 [sflag:s5], $0x1000  }
0x66: {  	[sflag:s5] =	ssyncset.done @p0 $0x0  }
0x67: {  	[sflag:s5] =	ssyncadd.s32 @p0 $0xFFFFF000;
	s5 =	simm.s32 @p0 $0xC  }
0x68: {  	_ =	swait.ge @p0 [sflag:s5], $0x1000  }
0x69: {  	[sflag:s5] =	ssyncset.done @p0 $0x0  }
0x6a: {  	[sflag:s5] =	ssyncadd.s32 @p0 $0xFFFFF000;
	s5 =	simm.s32 @p0 $0xD  }
0x6b: {  	_ =	swait.ge @p0 [sflag:s5], $0x1000  }
0x6c: {  	[sflag:s5] =	ssyncset.done @p0 $0x0  }
0x6d: {  	[sflag:s5] =	ssyncadd.s32 @p0 $0xFFFFF000;
	s5 =	simm.s32 @!p0 $0xE  }
0x6e: {  	_ =	swait.ge @!p0 [sflag:s5], $0xA00  }
0x6f: {  	[sflag:s5] =	ssyncset.done @!p0 $0x0  }
0x70: {  	[sflag:s5] =	ssyncadd.s32 @!p0 $0xFFFFF600  }
0x71: {  	_ =	swait.ge [sflag:s22], $0x1400  }
0x72: {  	[sflag:s22] =	ssyncset.done $0x0  }
0x73: {  	[sflag:s22] =	ssyncadd.s32 $0xFFFFEC00  }
0x74: {  	_ =	swait.ge [sflag:s23], $0x1400  }
0x75: {  	[sflag:s23] =	ssyncset.done $0x0  }
0x76: {  	[sflag:s23] =	ssyncadd.s32 $0xFFFFEC00  }
0x77: {  	_ =	swait.ge [sflag:s24], $0xA00  }
0x78: {  	[sflag:s24] =	ssyncset.done $0x0  }
0x79: {  	[sflag:s24] =	ssyncadd.s32 $0xFFFFF600  }
0x7a: {  	s19 =	simm.s32 $0x0;
	[bflag:$0x0] =	sbarrier.arrive $0xFFFF  }
0x7b: {  	[tilespmem:s26], [sflag:$0x1] =	stream.indirect.gather [spmem:s3], $0x20, s19, s25, $0xb8;
	[tilespmem:$0x14800] =	vst v63  }
0x7c: {  	_ = 	snop  }
0x7d: {  	[tilespmem:s28], [sflag:$0x2] =	stream.indirect.gather [spmem:s3], $0x20, s25, s25, $0xb8;
	[tilespmem:$0x14800] =	vst v63  }
0x7e: {  	s12 =	simm.s32 $0x100  }
0x7f: {  	[tilespmem:s30], [sflag:$0x3] =	stream.indirect.gather [spmem:s3], $0x20, s12, s25, $0xb8;
	[tilespmem:$0x14800] =	vst v63  }
0x80: {  	s15 =	simm.s32 $0x180  }
0x81: {  	[tilespmem:s1], [sflag:$0x4] =	stream.indirect.gather [spmem:s3], $0x20, s15, s25, $0xb8;
	[tilespmem:$0x14800] =	vst v63  }
.LBB2_4:
0x82: {  	_ =	swait.ge [sflag:s22], $0x1000  }
0x83: {  	s5 =	sshra.s32 s19, $0x2;
	[sflag:s22] =	ssyncset.done $0x0  }
0x84: {  	p1 =	seq.s32 s19, $0x0;
	s9 =	sadd.s32 $0x1400, s5;
	[sflag:s22] =	ssyncadd.s32 $0xFFFFF000  }
0x85: {  	[spmem:s2] =	stream.indirect.scatter.add.f32 [tilespmem:s26], [sflag:$0x9], $0x20, s9, s25, $0xb8;
	[tilespmem:$0x14800] =	vst v63  }
0x86: {  	s9 =	simm.s32 @!p1 $0xD  }
0x87: {  	_ =	swait.ge @!p1 [sflag:s9], $0x1000  }
0x88: {  	[sflag:s9] =	ssyncset.done @!p1 $0x0  }
0x89: {  	s10 =	sadd.s32 $0x200, s5;
	[sflag:s9] =	ssyncadd.s32 @!p1 $0xFFFFF000  }
0x8a: {  	[tilespmem:s0], [sflag:$0x5] =	stream.indirect.gather [spmem:s3], $0x20, s10, s25, $0xb8;
	[tilespmem:$0x14800] =	vst v63  }
0x8b: {  	_ =	swait.ge [sflag:s23], $0x1000  }
0x8c: {  	[sflag:s23] =	ssyncset.done $0x0  }
0x8d: {  	s12 =	sadd.s32 $0x1480, s5;
	s9 =	simm.s32 @!p1 $0xE;
	[sflag:s23] =	ssyncadd.s32 $0xFFFFF000  }
0x8e: {  	[spmem:s2] =	stream.indirect.scatter.add.f32 [tilespmem:s28], [sflag:$0xA], $0x20, s12, s25, $0xb8;
	[tilespmem:$0x14800] =	vst v63  }
0x8f: {  	_ =	swait.ge @!p1 [sflag:s9], $0x1000  }
0x90: {  	[sflag:s9] =	ssyncset.done @!p1 $0x0  }
0x91: {  	s15 =	sadd.s32 $0x280, s5;
	[sflag:s9] =	ssyncadd.s32 @!p1 $0xFFFFF000  }
0x92: {  	[tilespmem:s18], [sflag:$0x6] =	stream.indirect.gather [spmem:s3], $0x20, s15, s25, $0xb8;
	[tilespmem:$0x14800] =	vst v63  }
0x93: {  	_ =	swait.ge [sflag:s24], $0x1000  }
0x94: {  	[sflag:s24] =	ssyncset.done $0x0  }
0x95: {  	s10 =	sadd.s32 $0x1500, s5;
	s9 =	simm.s32 @!p1 $0xF;
	[sflag:s24] =	ssyncadd.s32 $0xFFFFF000  }
0x96: {  	[spmem:s2] =	stream.indirect.scatter.add.f32 [tilespmem:s30], [sflag:$0xB], $0x20, s10, s25, $0xb8;
	[tilespmem:$0x14800] =	vst v63  }
0x97: {  	_ =	swait.ge @!p1 [sflag:s9], $0x1000  }
0x98: {  	[sflag:s9] =	ssyncset.done @!p1 $0x0  }
0x99: {  	s12 =	sadd.s32 $0x300, s5;
	[sflag:s9] =	ssyncadd.s32 @!p1 $0xFFFFF000  }
0x9a: {  	[tilespmem:s29], [sflag:$0x7] =	stream.indirect.gather [spmem:s3], $0x20, s12, s25, $0xb8;
	[tilespmem:$0x14800] =	vst v63  }
0x9b: {  	_ =	swait.ge [sflag:s31], $0x1000  }
0x9c: {  	[sflag:s31] =	ssyncset.done $0x0  }
0x9d: {  	s15 =	sadd.s32 $0x1580, s5;
	s9 =	simm.s32 @!p1 $0x10;
	[sflag:s31] =	ssyncadd.s32 $0xFFFFF000  }
0x9e: {  	[spmem:s2] =	stream.indirect.scatter.add.f32 [tilespmem:s1], [sflag:$0xC], $0x20, s15, s25, $0xb8;
	[tilespmem:$0x14800] =	vst v63  }
0x9f: {  	_ =	swait.ge @!p1 [sflag:s9], $0x1000  }
0xa0: {  	[sflag:s9] =	ssyncset.done @!p1 $0x0  }
0xa1: {  	s10 =	sadd.s32 $0x380, s5;
	[sflag:s9] =	ssyncadd.s32 @!p1 $0xFFFFF000  }
0xa2: {  	[tilespmem:s4], [sflag:$0x8] =	stream.indirect.gather [spmem:s3], $0x20, s10, s25, $0xb8;
	[tilespmem:$0x14800] =	vst v63  }
0xa3: {  	_ =	swait.ge [sflag:s6], $0x1000  }
0xa4: {  	p1 =	seq.s32 s19, $0x4000;
	[sflag:s6] =	ssyncset.done $0x0  }
0xa5: {  	s12 =	sadd.s32 $0x1600, s5;
	s9 =	simm.s32 @p1 $0x6;
	[sflag:s6] =	ssyncadd.s32 $0xFFFFF000  }
0xa6: {  	[spmem:s2] =	stream.indirect.scatter.add.f32 [tilespmem:s0], [sflag:$0xD], $0x20, s12, s25, $0xb8;
	[tilespmem:$0x14800] =	vst v63  }
0xa7: {  	_ =	swait.ge @p1 [sflag:s9], $0x1000  }
0xa8: {  	[sflag:s9] =	ssyncset.done @p1 $0x0  }
0xa9: {  	[sflag:s9] =	ssyncadd.s32 @p1 $0xFFFFF000;
	s9 =	sshra.s32 @p1 s19, $0x2  }
0xaa: {  	s15 =	simm.s32 @p1 $0x7800;
	s12 =	simm.s32 @p1 $0x80;
	s9 =	sadd.s32 @p1 $0x1680, s9  }
0xab: {  	[spmem:s2] =	stream.indirect.scatter.add.f32 @p1 [tilespmem:s15], [sflag:$0xE], $0x20, s9, s12, $0xb8;
	[tilespmem:$0x14800] =	vst v63  }
0xac: {  	s9 =	simm.s32 @!p1 $0x9  }
0xad: {  	_ =	swait.ge @!p1 [sflag:s9], $0x1000  }
0xae: {  	[sflag:s9] =	ssyncset.done @!p1 $0x0  }
0xaf: {  	[sflag:s9] =	ssyncadd.s32 @!p1 $0xFFFFF000;
	s9 =	sshra.s32 @!p1 s19, $0x2  }
0xb0: {  	s10 =	simm.s32 @!p1 $0x2800;
	s15 =	simm.s32 @!p1 $0x80;
	s12 =	sadd.s32 @!p1 $0x400, s9  }
0xb1: {  	[tilespmem:s10], [sflag:$0x1] =	stream.indirect.gather @!p1 [spmem:s3], $0x20, s12, s15, $0xb8;
	[tilespmem:$0x14800] =	vst v63  }
0xb2: {  	s10 =	simm.s32 @!p1 $0x6  }
0xb3: {  	_ =	swait.ge @!p1 [sflag:s10], $0x1000  }
0xb4: {  	[sflag:s10] =	ssyncset.done @!p1 $0x0  }
0xb5: {  	s12 =	simm.s32 @!p1 $0x7800;
	[sflag:s10] =	ssyncadd.s32 @!p1 $0xFFFFF000;
	s10 =	sadd.s32 @!p1 $0x1680, s9  }
0xb6: {  	[spmem:s2] =	stream.indirect.scatter.add.f32 @!p1 [tilespmem:s12], [sflag:$0xE], $0x20, s10, s15, $0xb8;
	[tilespmem:$0x14800] =	vst v63  }
0xb7: {  	s10 =	simm.s32 @!p1 $0xA  }
0xb8: {  	_ =	swait.ge @!p1 [sflag:s10], $0x1000  }
0xb9: {  	[sflag:s10] =	ssyncset.done @!p1 $0x0  }
0xba: {  	s9 =	sadd.s32 @!p1 $0x480, s9;
	[sflag:s10] =	ssyncadd.s32 @!p1 $0xFFFFF000;
	s10 =	simm.s32 @!p1 $0x3800  }
0xbb: {  	[tilespmem:s10], [sflag:$0x2] =	stream.indirect.gather @!p1 [spmem:s3], $0x20, s9, s15, $0xb8;
	[tilespmem:$0x14800] =	vst v63  }
.Ltmp3:
0xbc: {  	_ = 	snop;
	(pc) =	sbr.rel @p1 .LBB2_6-.Ltmp3, $4  }
0xbd: {  	_ =	swait.ge [sflag:s7], $0x1000  }
0xbe: {  	[sflag:s7] =	ssyncset.done $0x0  }
0xbf: {  	s15 =	sadd.s32 $0x1700, s5;
	s9 =	sadd.s32 $0x1780, s5;
	[sflag:s7] =	ssyncadd.s32 $0xFFFFF000  }
0xc0: {  	[spmem:s2] =	stream.indirect.scatter.add.f32 [tilespmem:s29], [sflag:$0xF], $0x20, s15, s25, $0xb8;
	[tilespmem:$0x14800] =	vst v63  }
0xc1: {  	_ =	swait.ge [sflag:s13], $0x1000  }
0xc2: {  	[sflag:s13] =	ssyncset.done $0x0  }
0xc3: {  	s10 =	sadd.s32 $0x500, s5;
	[sflag:s13] =	ssyncadd.s32 $0xFFFFF000  }
0xc4: {  	[tilespmem:s30], [sflag:$0x3] =	stream.indirect.gather [spmem:s3], $0x20, s10, s25, $0xb8;
	[tilespmem:$0x14800] =	vst v63  }
0xc5: {  	_ =	swait.ge [sflag:s8], $0x1000  }
0xc6: {  	[sflag:s8] =	ssyncset.done $0x0  }
0xc7: {  	[sflag:s8] =	ssyncadd.s32 $0xFFFFF000  }
0xc8: {  	[spmem:s2] =	stream.indirect.scatter.add.f32 [tilespmem:s4], [sflag:$0x10], $0x20, s9, s25, $0xb8;
	[tilespmem:$0x14800] =	vst v63  }
.Ltmp4:
0xc9: {  	_ = 	snop;
	(pc) =	sbr.rel .LBB2_4-.Ltmp4, $4  }
0xca: {  	_ =	swait.ge [sflag:s14], $0x1000  }
0xcb: {  	[sflag:s14] =	ssyncset.done $0x0  }
0xcc: {  	s15 =	sadd.s32 $0x580, s5;
	s19 =	sadd.s32 $0x1000, s19;
	[sflag:s14] =	ssyncadd.s32 $0xFFFFF000  }
0xcd: {  	[tilespmem:s1], [sflag:$0x4] =	stream.indirect.gather [spmem:s3], $0x20, s15, s25, $0xb8;
	[tilespmem:$0x14800] =	vst v63  }
.LBB2_7:
0xce: {  	_ =	sfence.sel $0x180000  }
0xcf: {  	[bflag:$0x0] =	sbarrier.arrive $0xFFFF  }
0xd0: {  	_ =	strace $0x9000004A  }
0xd1: {  	s0 =	stileid.u32;
	[bflag:$0x2] =	sbarrier.arrive $0xFFFF  }
0xd2: {  	p0 =	sne.s32 s0, $0x0;
	s0 =	rddreg [dreg:$0x3]  }
0xd3: {  	s0 =	sadd.s32 @!p0 $0x100000, s0  }
0xd4: {  	[sflag:s0] =	ssyncadd.tile.s32 @!p0 $0x1;
	_ =	shalt  }
.Lfunc_end2:
_tile_overlayer_lowered:
.L_overlay_start_2:
0xd5: {  	(tag) =	ssettag $0x2  }
0xd6: {  	s0 =	rddreg [dreg:$0x0];
	s2 =	stileid.u32  }
0xd7: {  	s1 =	rddreg [dreg:$0x1];
	p0 =	sne.s32 s2, $0x0  }
0xd8: {  	s3 =	rddreg [dreg:$0x2];
	[bflag:$0x3] =	sbarrier.arrive $0xFFFF;
	s2 =	simm.s32 @!p0 $0x1C11  }
0xd9: {  	[timem:s3], [sflag:s2] =	dma.local @!p0 [hbm:s0], s1  }
0xda: {  	s0 =	simm.s32 @!p0 $0x11  }
0xdb: {  	_ =	swait.ge @!p0 [sflag:s0], s1  }
0xdc: {  	s1 =	ssub.s32 @!p0 $0x0, s1;
	[sflag:s0] =	ssyncset.done @!p0 $0x0  }
0xdd: {  	[sflag:s0] =	ssyncadd.s32 @!p0 s1  }
0xde: {  	[bflag:$0x3] =	sbarrier.arrive $0xFFFF  }
0xdf: {  	_ =	shalt  }

// kernel: kernel.14.cloned.1.call-start
scs
__scs_entry_jumppad:
0x0: {  	(pc) =	sbr.rel $0x88, $3  }
0x1: {  	(tag) =	ssettag $0x0;
	lr =	simm.s32 $0x1  }
0x2: {  	[smem:$0x3F94] =	sst lr;
	_ =	strace $0xD0000000  }
0x3: {  	_ = 	snop  }
0x4: {  	_ = 	snop  }
0x5: {  	_ = 	snop  }
0x6: {  	_ = 	snop  }
0x7: {  	_ = 	snop  }
__scs_overlays_trampoline_lowered:
0x8: {  	[smem:$0x3FA3] =	sst s0  }
0x9: {  	[smem:$0x3FA4] =	sst s1  }
0xa: {  	[smem:$0x3FA5] =	sst s2  }
0xb: {  	[smem:$0x3FA6] =	sst s3  }
0xc: {  	[smem:$0x3FA7] =	sst s4  }
0xd: {  	[smem:$0x3FA8] =	sst s5  }
0xe: {  	[smem:$0x3FA9] =	sst s6  }
0xf: {  	[smem:$0x3FAA] =	sst s7  }
0x10: {  	[smem:$0x3FAB] =	sst s8  }
0x11: {  	[smem:$0x3FAC] =	sst s9;
	s0 =	simm.s32 @!p0 $0x0  }
0x12: {  	s1 =	sld [smem:$0x3F92];
	s0 =	simm.s32 @p0 $0x1  }
0x13: {  	[smem:$0x3FAD] =	sst s0;
	s0 =	simm.s32 @!p1 $0x0  }
0x14: {  	s2 =	sld [smem:$0x3F91];
	s0 =	simm.s32 @p1 $0x1  }
0x15: {  	[smem:$0x3FAE] =	sst s0;
	s0 =	simm.s32 @!p2 $0x0  }
0x16: {  	s3 =	sld [smem:$0x3FDB];
	s0 =	simm.s32 @p2 $0x1  }
0x17: {  	s4 =	simm.s32 $0x1BF5;
	[smem:$0x3FB0] =	sst s0  }
0x18: {  	s0 =	sld [smem:$0x3F93];
	_ =	swait.ge [sflag:s4], $0x0  }
0x19: {  	s7 =	sld [smem:$0x3F94]  }
0x1a: {  	s8 =	sadd.s32 $0xFFFFE003, lr  }
0x1b: {  	s9 =	sadd.s32 $0xFFFFFEF7, lr;
	s5 =	simm.s32 $0xFFFFFFFF;
	p2 =	slt.u32 s8, $0xFFFFF086  }
0x1c: {  	p1 =	slt.u32 s9, $0xF7A;
	s5 =	simm.s32 @!p2 $0x0  }
0x1d: {  	s5 =	simm.s32 @p1 $0x1;
	p0 =	seq.s32 s7, s2  }
0x1e: {  	s7 =	smul.u32 @!p0 $0xF7A, s2;
	p2 =	seq.s32 @!p0 s5, $0x0  }
0x1f: {  	s9 =	smul.u32 $0xF7A, s1;
	s8 =	simm.s32 @!p0 $0x1BF5;
	p2 =	por !p2, p0  }
0x20: {  	[sflag:s8] =	ssyncset.s32 @!p0 $0xFFFFF086;
	s6 =	sadd.s32 @!p0 s3, s7;
	s7 =	simm.s32 @!p0 $0x108  }
0x21: {  	s3 =	sadd.s32 s3, s9;
	s6 =	sadd.s32 @!p0 $0x88, s6;
	s7 =	simm.s32 @p2 $0x1082  }
0x22: {  	[simem:s7], [sflag:s8] =	dma.local @!p0 [hbm:s6], $0xF7A  }
0x23: {  	s9 =	sor.u32 $0xD0000000, s2;
	s6 =	simm.s32 $0x108;
	_ =	swait.ge @!p0 [sflag:s8], $0x0  }
0x24: {  	s3 =	sadd.s32 $0x88, s3;
	s6 =	simm.s32 @!p1 $0x1082;
	[sflag:s4] =	ssyncset.s32 $0xFFFFF086  }
0x25: {  	[simem:s6], [sflag:s4] =	dma.local [hbm:s3], $0xF7A  }
0x26: {  	[smem:$0x3F94] =	sst s1;
	(tag) =	ssettag s2;
	_ =	strace s9  }
0x27: {  	s1 =	sld [smem:$0x3FA4]  }
0x28: {  	s2 =	sld [smem:$0x3FA5]  }
0x29: {  	s4 =	sld [smem:$0x3FA7]  }
0x2a: {  	p0 =	seq.s32 s5, $0x0;
	s5 =	sld [smem:$0x3FA8]  }
0x2b: {  	s6 =	sld [smem:$0x3FA9]  }
0x2c: {  	s7 =	sld [smem:$0x3FAA]  }
0x2d: {  	s3 =	simm.s32 $0x108;
	s8 =	sld [smem:$0x3FAB]  }
0x2e: {  	s3 =	simm.s32 @!p0 $0x1082;
	s9 =	sld [smem:$0x3FAC]  }
0x2f: {  	lr =	sadd.s32 s0, s3;
	s0 =	sld [smem:$0x3FA3]  }
0x30: {  	s3 =	sld [smem:$0x3FA6]  }
0x31: {  	[smem:$0x3FAF] =	sst s10  }
0x32: {  	s10 =	sld [smem:$0x3FAD];
	_ =	sdelay $0x3  }
0x33: {  	p0 =	seq.s32 s10, $0x1;
	s10 =	sld [smem:$0x3FAF];
	_ =	sdelay $0x3  }
0x34: {  	[smem:$0x3FAF] =	sst s10  }
0x35: {  	s10 =	sld [smem:$0x3FAE];
	_ =	sdelay $0x3  }
0x36: {  	p1 =	seq.s32 s10, $0x1;
	s10 =	sld [smem:$0x3FAF];
	_ =	sdelay $0x3  }
0x37: {  	[smem:$0x3FAF] =	sst s10  }
0x38: {  	s10 =	sld [smem:$0x3FB0]  }
0x39: {  	_ = 	snop;
	(pc) =	sbr.ind lr, $3  }
0x3a: {  	_ = 	snop  }
0x3b: {  	_ = 	snop  }
0x3c: {  	p2 =	seq.s32 s10, $0x1;
	s10 =	sld [smem:$0x3FAF]  }
0x3d: {  	_ =	shalt  }
0x3e: {  	_ =	shalt  }
0x3f: {  	_ =	shalt  }
0x40: {  	_ =	shalt  }
0x41: {  	_ =	shalt  }
0x42: {  	_ =	shalt  }
0x43: {  	_ =	shalt  }
0x44: {  	_ =	shalt  }
0x45: {  	_ =	shalt  }
0x46: {  	_ =	shalt  }
0x47: {  	_ =	shalt  }
0x48: {  	_ =	shalt  }
0x49: {  	_ =	shalt  }
0x4a: {  	_ =	shalt  }
0x4b: {  	_ =	shalt  }
0x4c: {  	_ =	shalt  }
0x4d: {  	_ =	shalt  }
0x4e: {  	_ =	shalt  }
0x4f: {  	_ =	shalt  }
0x50: {  	_ =	shalt  }
0x51: {  	_ =	shalt  }
0x52: {  	_ =	shalt  }
0x53: {  	_ =	shalt  }
0x54: {  	_ =	shalt  }
0x55: {  	_ =	shalt  }
0x56: {  	_ =	shalt  }
0x57: {  	_ =	shalt  }
0x58: {  	_ =	shalt  }
0x59: {  	_ =	shalt  }
0x5a: {  	_ =	shalt  }
0x5b: {  	_ =	shalt  }
0x5c: {  	_ =	shalt  }
0x5d: {  	_ =	shalt  }
0x5e: {  	_ =	shalt  }
0x5f: {  	_ =	shalt  }
0x60: {  	_ =	shalt  }
0x61: {  	_ =	shalt  }
0x62: {  	_ =	shalt  }
0x63: {  	_ =	shalt  }
0x64: {  	_ =	shalt  }
0x65: {  	_ =	shalt  }
0x66: {  	_ =	shalt  }
0x67: {  	_ =	shalt  }
0x68: {  	_ =	shalt  }
0x69: {  	_ =	shalt  }
0x6a: {  	_ =	shalt  }
0x6b: {  	_ =	shalt  }
0x6c: {  	_ =	shalt  }
0x6d: {  	_ =	shalt  }
0x6e: {  	_ =	shalt  }
0x6f: {  	_ =	shalt  }
0x70: {  	_ =	shalt  }
0x71: {  	_ =	shalt  }
0x72: {  	_ =	shalt  }
0x73: {  	_ =	shalt  }
0x74: {  	_ =	shalt  }
0x75: {  	_ =	shalt  }
0x76: {  	_ =	shalt  }
0x77: {  	_ =	shalt  }
0x78: {  	_ =	shalt  }
0x79: {  	_ =	shalt  }
0x7a: {  	_ =	shalt  }
0x7b: {  	_ =	shalt  }
0x7c: {  	_ =	shalt  }
0x7d: {  	_ =	shalt  }
0x7e: {  	_ =	shalt  }
0x7f: {  	_ =	shalt  }
0x80: {  	_ =	shalt  }
0x81: {  	_ =	shalt  }
0x82: {  	_ =	shalt  }
0x83: {  	_ =	shalt  }
0x84: {  	_ =	shalt  }
0x85: {  	_ =	shalt  }
0x86: {  	_ =	shalt  }
0x87: {  	_ =	shalt  }
.Lfunc_end0:
.L_simem_size_0:
called_computation.2_lowered:
.L_overlay_start_0:
0x88: {  	s2 =	sld [smem:$0x3FD9]  }
0x89: {  	s3 =	sld [smem:$0x3FFE];
	_ =	sdelay $0x1  }
0x8a: {  	s1 =	srdreg.scid  }
0x8b: {  	s0 =	sand.u32 $0x1, s1  }
0x8c: {  	s16 =	sshll.u32 s0, $0xA;
	s2 =	sadd.s32 s3, s2  }
0x8d: {  	s2 =	sadd.s32 s2, s16  }
0x8e: {  	[smem:$0x3FBB] =	sst s2  }
0x8f: {  	_ = 	snop  }
0x90: {  	(tm) =	ssettm $0x1  }
0x91: {  	s17 =	sld [smem:$0x3FFB];
	_ =	sdelay $0x3  }
0x92: {  	_ =	strace s17  }
0x93: {  	s2 =	sld [smem:$0x3FFC];
	_ =	sdelay $0x3  }
0x94: {  	_ =	strace s2  }
0x95: {  	s2 =	sld [smem:$0x3FFD];
	_ =	sdelay $0x3  }
0x96: {  	_ =	strace s2  }
0x97: {  	_ =	strace $0x8FFFFFFF  }
0x98: {  	s18 =	sld [smem:$0x3FDB];
	_ =	sdelay $0x1  }
0x99: {  	s19 =	simm.s32 $_scs_section_size  }
0x9a: {  	s4 =	simm.s32 $_size__tile_overlayer_lowered;
	s5 =	simm.s32 $_tile_overlayer_lowered  }
0x9b: {  	s22 =	simm.s32 $0x1BFF;
	s21 =	sshll.u32 s5, $0x1;
	s2 =	sadd.s32 s19, s18  }
0x9c: {  	s6 =	simm.s32 $0x0;
	s20 =	sshll.u32 s4, $0x1;
	s4 =	sadd.s32 s21, s2  }
0x9d: {  	[timem:s6], [sflag:s22] =	dma.local [hbm:s4], s20  }
0x9e: {  	_ =	swait.ge [sflag:s22], s20  }
0x9f: {  	s3 =	ssub.s32 $0x0, s20;
	[sflag:s22] =	ssyncset.done $0x0  }
0xa0: {  	[sflag:s22] =	ssyncadd.s32 s3;
	_ =	sdelay $0x1  }
0xa1: {  	s23 =	simm.s32 $0x1B8B  }
0xa2: {  	_ =	swait.ge [sflag:s23], $0x1  }
0xa3: {  	[sflag:s23] =	ssyncset.done $0x0  }
0xa4: {  	s25 =	simm.s32 $0x1B8E;
	s24 =	sld [smem:$0x3FFE];
	[sflag:s23] =	ssyncadd.s32 $0xFFFFFFFF  }
0xa5: {  	s26 =	simm.s32 $execute0_lowered;
	[smem:$0x3FD2] =	sst s25  }
0xa6: {  	s4 =	sshll.u32 s26, $0x1;
	_ =	strace $0x8000004C;
	[dreg:$0x1] =	wrdreg $0xFFFFFFFF  }
0xa7: {  	s28 =	simm.s32 $_size_execute0_lowered;
	s2 =	sadd.s32 s2, s4;
	[dreg:$0x0] =	wrdreg $0x0  }
0xa8: {  	s4 =	sshll.u32 s28, $0x1;
	[dreg:$0x2] =	wrdreg s2  }
0xa9: {  	[dreg:$0x3] =	wrdreg s4  }
0xaa: {  	[dreg:$0x4] =	wrdreg $0xC0  }
0xab: {  	_ =	task [dreg:s6], $0x5FFFF  }
0xac: {  	[dreg:$0x1] =	wrdreg $0xFFFFFFFF  }
0xad: {  	[dreg:$0x0] =	wrdreg $0x60  }
0xae: {  	[dreg:$0x2] =	wrdreg s24  }
0xaf: {  	[dreg:$0x3] =	wrdreg $0xA8000  }
0xb0: {  	[dreg:$0x4] =	wrdreg $0xF8000  }
0xb1: {  	[dreg:$0x5] =	wrdreg $0x9  }
0xb2: {  	_ =	task.clear_ibuf [dreg:s6], $0x6FFFF;
	_ =	strace $0x9000004C  }
0xb3: {  	s29 =	simm.s32 $0x9;
	_ =	strace $0x8000004E  }
0xb4: {  	_ =	swait.ge [sflag:s29], $0x1  }
0xb5: {  	[sflag:s29] =	ssyncadd.s32 $0xFFFFFFFF  }
0xb6: {  	_ =	strace $0x9000004E  }
0xb7: {  	_ =	sfence  }
0xb8: {  	s30 =	sld [smem:$0x0];
	_ =	sdelay $0x2  }
0xb9: {  	s31 =	sshll.u32 s1, $0xD;
	s1 =	sshrl.u32 s1, $0x2  }
0xba: {  	s3 =	sand.u32 $0x4000, s31;
	s1 =	sadd.s32 s1, s30  }
0xbb: {  	s0 =	sor.u32 s3, s0;
	s1 =	sshll.u32 s1, $0x11  }
0xbc: {  	s0 =	sor.u32 s1, s0  }
0xbd: {  	s0 =	sadd.s32 $0x8F2B, s0  }
0xbe: {  	[sflag:s0] =	ssyncadd.remote.s32 $0x1  }
0xbf: {  	_ =	sfence.sel $0xFFFF  }
0xc0: {  	[dreg:$0x0] =	wrdreg $0xFFFFFFFF;
	(pc) =	sbr.abs _section_cstart, $3  }
0xc1: {  	[dreg:$0x1] =	wrdreg $0xFFFFFFFF  }
0xc2: {  	_ =	task.clear_ibuf [dreg:s6], $0x2FFFF;
	_ =	strace $0x9FFFFFFF  }
0xc3: {  	(tm) =	ssettm $0x7FFFFFFF  }
tec
execute0_lowered:
.L_overlay_start_1:
0x0: {  	(tag) =	ssettag $0x1  }
0x1: {  	s0 =	srdreg.scid;
	s1 =	rddreg [dreg:$0x0]  }
0x2: {  	s2 =	rddreg [dreg:$0x1];
	s10 =	stileid.u32  }
0x3: {  	s3 =	rddreg [dreg:$0x2];
	s6 =	simm.s32 $0x0;
	s28 =	simm.s32 $0x3800  }
0x4: {  	s30 =	simm.s32 $0x4800;
	s29 =	simm.s32 $0x8800;
	s31 =	simm.s32 $0x4  }
0x5: {  	s13 =	simm.s32 $0xB;
	s14 =	simm.s32 $0xC;
	s16 =	simm.s32 $0xF  }
0x6: {  	s0 =	sand.u32 $0x1, s0;
	s5 =	smul.u32 $0x5000, s10;
	[smem:$0x7FF] =	sst s6  }
0x7: {  	s8 =	smul.u32 $0x14000, s10;
	s26 =	sshll.u32 s10, $0x6;
	s4 =	sshll.u32 s0, $0x4  }
0x8: {  	s17 =	smul.u32 $0x50000, s0;
	_ =	strace $0x8000004D;
	s9 =	ssub.s32 $0x2, s0  }
0x9: {  	p0 =	sne.s32 s0, $0x0;
	[dreg:$0x10] =	wrdreg s26;
	s4 =	sor.u32 s10, s4  }
0xa: {  	s7 =	sshrl.u32 s5, $0x3;
	s8 =	sshrl.u32 s8, $0x2;
	s18 =	sshrl.u32 s9, $0x1  }
0xb: {  	s24 =	sadd.s32 s5, s3;
	s4 =	smul.u32 $0x280, s4;
	s7 =	sadd.s32 s7, s1  }
0xc: {  	s6 =	sadd.s32 s5, s17;
	s8 =	sadd.s32 s8, s2;
	s0 =	sshrl.u32 s24, $0x3  }
0xd: {  	s24 =	simm.s32 $0x3;
	s17 =	simm.s32 $0x10;
	s6 =	sshrl.u32 s6, $0x3  }
0xe: {  	s19 =	sadd.s32 $0x1000, s8;
	s20 =	sadd.s32 $0x2000, s8;
	[dreg:$0x4] =	wrdreg s8  }
0xf: {  	s21 =	sadd.s32 $0x3000, s8;
	s8 =	sadd.s32 $0x4000, s8;
	[dreg:$0x12] =	wrdreg s0  }
0x10: {  	s11 =	sadd.s32 $0xCA00, s7;
	s0 =	simm.s32 $0x6800;
	[dreg:$0x5] =	wrdreg s19  }
0x11: {  	s7 =	simm.s32 $0x7;
	s4 =	sadd.s32 s4, s1;
	[dreg:$0x6] =	wrdreg s20  }
0x12: {  	s1 =	sadd.s32 s6, s1;
	s6 =	ssub.s32 s9, s18;
	[dreg:$0x7] =	wrdreg s21  }
0x13: {  	[dreg:$0x8] =	wrdreg s8;
	s8 =	sadd.s32 s5, s2;
	s18 =	simm.s32 $0x7800  }
0x14: {  	s20 =	simm.s32 $0x11;
	s22 =	sadd.s32 $0x2A00, s4;
	[dreg:$0x9] =	wrdreg s8  }
0x15: {  	s21 =	simm.s32 $0x0;
	s23 =	sadd.s32 $0x7A00, s4;
	[dreg:$0xa] =	wrdreg s22  }
0x16: {  	s4 =	sshll.u32 @!p0 s10, $0x6;
	s1 =	sadd.s32 $0x16A00, s1;
	[dreg:$0xb] =	wrdreg s23  }
0x17: {  	s25 =	smax.u32 s6, $0x1;
	s6 =	simm.s32 $0x5;
	[dreg:$0xc] =	wrdreg s1  }
.Ltmp0:
0x18: {  	[dreg:$0xd] =	wrdreg s25;
	s1 =	sor.u32 @!p0 $0x1C0E, s4;
	(pc) =	sbr.rel .LBB2_1-.Ltmp0, $4  }
0x19: {  	s22 =	simm.s32 $0x1;
	s23 =	simm.s32 $0x2;
	s25 =	simm.s32 $0x80  }
0x1a: {  	s4 =	simm.s32 $0x9800;
	[dreg:$0xe] =	wrdreg s1;
	s1 =	sshrl.u32 @!p0 s8, $0x3  }
0x1b: {  	s8 =	simm.s32 $0x8;
	[dreg:$0xf] =	wrdreg s1;
	s1 =	sor.u32 $0x1C03, s26  }
0x1c: {  	v0 =	vimm.f32 $0.0e+00;
	s26 =	simm.s32 $0x2800;
	[dreg:$0x11] =	wrdreg s1;
	s1 =	simm.s32 $0x5800  }
.LBB2_6:
0x1d: {  	_ =	swait.ge [sflag:s8], $0x1000  }
0x1e: {  	[sflag:s8] =	ssyncset.done $0x0  }
0x1f: {  	s5 =	simm.s32 $0x9;
	[sflag:s8] =	ssyncadd.s32 $0xFFFFF000  }
0x20: {  	[spmem:s2] =	stream.indirect.scatter.add.f32 [tilespmem:s4], [sflag:$0x10], $0x20, s9, s25, $0xb8;
	[tilespmem:$0x14800] =	vst v63  }
0x21: {  	_ =	swait.ge [sflag:s5], $0x1000  }
0x22: {  	[sflag:s5] =	ssyncset.done $0x0  }
0x23: {  	s19 =	simm.s32 $0xA;
	[sflag:s5] =	ssyncadd.s32 $0xFFFFF000  }
0x24: {  	_ =	swait.ge [sflag:s19], $0x1000  }
0x25: {  	[sflag:s19] =	ssyncset.done $0x0  }
0x26: {  	[sflag:s19] =	ssyncadd.s32 $0xFFFFF000  }
0x27: {  	_ =	swait.ge [sflag:s13], $0x1000  }
0x28: {  	[sflag:s13] =	ssyncset.done $0x0  }
0x29: {  	[sflag:s13] =	ssyncadd.s32 $0xFFFFF000  }
0x2a: {  	_ =	swait.ge [sflag:s14], $0x1000  }
0x2b: {  	[sflag:s14] =	ssyncset.done $0x0  }
0x2c: {  	s9 =	simm.s32 $0xD;
	[sflag:s14] =	ssyncadd.s32 $0xFFFFF000  }
0x2d: {  	_ =	swait.ge [sflag:s9], $0x1000  }
0x2e: {  	[sflag:s9] =	ssyncset.done $0x0  }
0x2f: {  	s10 =	simm.s32 $0xE;
	[sflag:s9] =	ssyncadd.s32 $0xFFFFF000  }
0x30: {  	_ =	swait.ge [sflag:s10], $0x1000  }
0x31: {  	[sflag:s10] =	ssyncset.done $0x0  }
0x32: {  	[sflag:s10] =	ssyncadd.s32 $0xFFFFF000  }
0x33: {  	_ =	swait.ge [sflag:s16], $0x1000  }
0x34: {  	[sflag:s16] =	ssyncset.done $0x0  }
0x35: {  	[sflag:s16] =	ssyncadd.s32 $0xFFFFF000  }
0x36: {  	_ =	swait.ge [sflag:s17], $0x1000  }
0x37: {  	[sflag:s17] =	ssyncset.done $0x0  }
0x38: {  	[sflag:s17] =	ssyncadd.s32 $0xFFFFF000  }
0x39: {  	[bflag:$0x0] =	sbarrier.arrive $0xFFFF  }
0x3a: {  	s12 =	rddreg [dreg:$0x10]  }
0x3b: {  	s15 =	rddreg [dreg:$0x9]  }
0x3c: {  	s10 =	rddreg [dreg:$0xc];
	s5 =	sor.u32 $0x1C11, s12;
	s9 =	sshrl.u32 s15, $0x3  }
0x3d: {  	[hbm:s10], [sflag:s5] =	dma.local [spmem:s9], $0xA00  }
0x3e: {  	_ =	swait.ge [sflag:s20], $0xA00  }
0x3f: {  	s21 =	sadd.s32 $0x1, s21;
	s19 =	rddreg [dreg:$0xd]  }
0x40: {  	p1 =	sne.s32 s21, s19  }
.Ltmp1:
0x41: {  	_ = 	snop;
	(pc) =	sbr.rel @!p1 .LBB2_7-.Ltmp1, $3  }
0x42: {  	_ =	sdelay $0x1  }
0x43: {  	[sflag:s20] =	ssyncset.done $0x0  }
0x44: {  	[sflag:s20] =	ssyncadd.s32 $0xFFFFF600  }
.LBB2_1:
0x45: {  	s5 =	simm.s32 $0x80;
	s9 =	simm.s32 $0x0  }
.LBB2_2:
0x46: {  	p1 =	sne.s32 s5, $0x3F80;
	[tilespmem:s9+$0x2800] =	vst v0;
	s19 =	smov.u32 s5;
	s5 =	sadd.s32 $0x80, s5  }
.Ltmp2:
0x47: {  	[tilespmem:s9+$0x2810] =	vst v0;
	(pc) =	sbr.rel @p1 .LBB2_2-.Ltmp2, $2  }
0x48: {  	_ =	sdelay $0x2  }
0x49: {  	s9 =	sshra.s32 s19, $0x2  }
0x4a: {  	[tilespmem:s9+$0x2800] =	vst v0  }
0x4b: {  	[tilespmem:s9+$0x2810] =	vst v0;
	s5 =	simm.s32 @p0 $0x2800;
	s9 =	rddreg [dreg:$0x4]  }
0x4c: {  	[spmem:s9] =	stream.linear.scatter @p0 [tilespmem:s5], [sflag:$0x9], $0x1000, $0x38;
	[tilespmem:$0x14800] =	vst v63  }
0x4d: {  	s9 =	rddreg [dreg:$0x5]  }
0x4e: {  	[spmem:s9] =	stream.linear.scatter @p0 [tilespmem:s5], [sflag:$0xA], $0x1000, $0x38;
	[tilespmem:$0x14800] =	vst v63  }
0x4f: {  	s9 =	rddreg [dreg:$0x6]  }
0x50: {  	[spmem:s9] =	stream.linear.scatter @p0 [tilespmem:s5], [sflag:$0xB], $0x1000, $0x38;
	[tilespmem:$0x14800] =	vst v63  }
0x51: {  	s9 =	rddreg [dreg:$0x7]  }
0x52: {  	[spmem:s9] =	stream.linear.scatter @p0 [tilespmem:s5], [sflag:$0xC], $0x1000, $0x38;
	[tilespmem:$0x14800] =	vst v63  }
0x53: {  	s9 =	rddreg [dreg:$0x8]  }
0x54: {  	[spmem:s9] =	stream.linear.scatter @p0 [tilespmem:s5], [sflag:$0xD], $0x1000, $0x38;
	[tilespmem:$0x14800] =	vst v63  }
0x55: {  	s5 =	rddreg [dreg:$0xe]  }
0x56: {  	s9 =	rddreg [dreg:$0xf]  }
0x57: {  	[spmem:s9], [sflag:s5] =	dma.local @!p0 [hbm:s11], $0xA00  }
0x58: {  	s9 =	rddreg [dreg:$0xa]  }
0x59: {  	s15 =	simm.s32 $0x0;
	s19 =	rddreg [dreg:$0xb]  }
0x5a: {  	[tilespmem:s15], [sflag:$0x1] =	stream.linear.gather [hbm4b:s9+s15], $0x1400, $0x38;
	[tilespmem:$0x14800] =	vst v63  }
0x5b: {  	s10 =	simm.s32 $0x1400;
	s9 =	rddreg [dreg:$0x11]  }
0x5c: {  	[tilespmem:s10], [sflag:$0x2] =	stream.linear.gather [hbm4b:s19+s15], $0x1400, $0x38;
	[tilespmem:$0x14800] =	vst v63  }
0x5d: {  	s5 =	simm.s32 @p0 $0x9;
	s10 =	rddreg [dreg:$0x12]  }
0x5e: {  	[spmem:s10], [sflag:s9] =	dma.local [hbm:s11], $0xA00  }
0x5f: {  	_ =	swait.ge @p0 [sflag:s5], $0x1000  }
0x60: {  	[sflag:s5] =	ssyncset.done @p0 $0x0  }
0x61: {  	[sflag:s5] =	ssyncadd.s32 @p0 $0xFFFFF000;
	s5 =	simm.s32 @p0 $0xA  }
0x62: {  	_ =	swait.ge @p0 [sflag:s5], $0x1000  }
0x63: {  	[sflag:s5] =	ssyncset.done @p0 $0x0  }
0x64: {  	[sflag:s5] =	ssyncadd.s32 @p0 $0xFFFFF000;
	s5 =	simm.s32 @p0 $0xB  }
0x65: {  	_ =	swait.ge @p0 [sflag:s5], $0x1000  }
0x66: {  	[sflag:s5] =	ssyncset.done @p0 $0x0  }
0x67: {  	[sflag:s5] =	ssyncadd.s32 @p0 $0xFFFFF000;
	s5 =	simm.s32 @p0 $0xC  }
0x68: {  	_ =	swait.ge @p0 [sflag:s5], $0x1000  }
0x69: {  	[sflag:s5] =	ssyncset.done @p0 $0x0  }
0x6a: {  	[sflag:s5] =	ssyncadd.s32 @p0 $0xFFFFF000;
	s5 =	simm.s32 @p0 $0xD  }
0x6b: {  	_ =	swait.ge @p0 [sflag:s5], $0x1000  }
0x6c: {  	[sflag:s5] =	ssyncset.done @p0 $0x0  }
0x6d: {  	[sflag:s5] =	ssyncadd.s32 @p0 $0xFFFFF000;
	s5 =	simm.s32 @!p0 $0xE  }
0x6e: {  	_ =	swait.ge @!p0 [sflag:s5], $0xA00  }
0x6f: {  	[sflag:s5] =	ssyncset.done @!p0 $0x0  }
0x70: {  	[sflag:s5] =	ssyncadd.s32 @!p0 $0xFFFFF600  }
0x71: {  	_ =	swait.ge [sflag:s22], $0x1400  }
0x72: {  	[sflag:s22] =	ssyncset.done $0x0  }
0x73: {  	[sflag:s22] =	ssyncadd.s32 $0xFFFFEC00  }
0x74: {  	_ =	swait.ge [sflag:s23], $0x1400  }
0x75: {  	[sflag:s23] =	ssyncset.done $0x0  }
0x76: {  	[sflag:s23] =	ssyncadd.s32 $0xFFFFEC00  }
0x77: {  	_ =	swait.ge [sflag:s24], $0xA00  }
0x78: {  	[sflag:s24] =	ssyncset.done $0x0  }
0x79: {  	[sflag:s24] =	ssyncadd.s32 $0xFFFFF600  }
0x7a: {  	s19 =	simm.s32 $0x0;
	[bflag:$0x0] =	sbarrier.arrive $0xFFFF  }
0x7b: {  	[tilespmem:s26], [sflag:$0x1] =	stream.indirect.gather [spmem:s3], $0x20, s19, s25, $0xb8;
	[tilespmem:$0x14800] =	vst v63  }
0x7c: {  	_ = 	snop  }
0x7d: {  	[tilespmem:s28], [sflag:$0x2] =	stream.indirect.gather [spmem:s3], $0x20, s25, s25, $0xb8;
	[tilespmem:$0x14800] =	vst v63  }
0x7e: {  	s12 =	simm.s32 $0x100  }
0x7f: {  	[tilespmem:s30], [sflag:$0x3] =	stream.indirect.gather [spmem:s3], $0x20, s12, s25, $0xb8;
	[tilespmem:$0x14800] =	vst v63  }
0x80: {  	s15 =	simm.s32 $0x180  }
0x81: {  	[tilespmem:s1], [sflag:$0x4] =	stream.indirect.gather [spmem:s3], $0x20, s15, s25, $0xb8;
	[tilespmem:$0x14800] =	vst v63  }
.LBB2_4:
0x82: {  	_ =	swait.ge [sflag:s22], $0x1000  }
0x83: {  	s5 =	sshra.s32 s19, $0x2;
	[sflag:s22] =	ssyncset.done $0x0  }
0x84: {  	p1 =	seq.s32 s19, $0x0;
	s9 =	sadd.s32 $0x1400, s5;
	[sflag:s22] =	ssyncadd.s32 $0xFFFFF000  }
0x85: {  	[spmem:s2] =	stream.indirect.scatter.add.f32 [tilespmem:s26], [sflag:$0x9], $0x20, s9, s25, $0xb8;
	[tilespmem:$0x14800] =	vst v63  }
0x86: {  	s9 =	simm.s32 @!p1 $0xD  }
0x87: {  	_ =	swait.ge @!p1 [sflag:s9], $0x1000  }
0x88: {  	[sflag:s9] =	ssyncset.done @!p1 $0x0  }
0x89: {  	s10 =	sadd.s32 $0x200, s5;
	[sflag:s9] =	ssyncadd.s32 @!p1 $0xFFFFF000  }
0x8a: {  	[tilespmem:s0], [sflag:$0x5] =	stream.indirect.gather [spmem:s3], $0x20, s10, s25, $0xb8;
	[tilespmem:$0x14800] =	vst v63  }
0x8b: {  	_ =	swait.ge [sflag:s23], $0x1000  }
0x8c: {  	[sflag:s23] =	ssyncset.done $0x0  }
0x8d: {  	s12 =	sadd.s32 $0x1480, s5;
	s9 =	simm.s32 @!p1 $0xE;
	[sflag:s23] =	ssyncadd.s32 $0xFFFFF000  }
0x8e: {  	[spmem:s2] =	stream.indirect.scatter.add.f32 [tilespmem:s28], [sflag:$0xA], $0x20, s12, s25, $0xb8;
	[tilespmem:$0x14800] =	vst v63  }
0x8f: {  	_ =	swait.ge @!p1 [sflag:s9], $0x1000  }
0x90: {  	[sflag:s9] =	ssyncset.done @!p1 $0x0  }
0x91: {  	s15 =	sadd.s32 $0x280, s5;
	[sflag:s9] =	ssyncadd.s32 @!p1 $0xFFFFF000  }
0x92: {  	[tilespmem:s18], [sflag:$0x6] =	stream.indirect.gather [spmem:s3], $0x20, s15, s25, $0xb8;
	[tilespmem:$0x14800] =	vst v63  }
0x93: {  	_ =	swait.ge [sflag:s24], $0x1000  }
0x94: {  	[sflag:s24] =	ssyncset.done $0x0  }
0x95: {  	s10 =	sadd.s32 $0x1500, s5;
	s9 =	simm.s32 @!p1 $0xF;
	[sflag:s24] =	ssyncadd.s32 $0xFFFFF000  }
0x96: {  	[spmem:s2] =	stream.indirect.scatter.add.f32 [tilespmem:s30], [sflag:$0xB], $0x20, s10, s25, $0xb8;
	[tilespmem:$0x14800] =	vst v63  }
0x97: {  	_ =	swait.ge @!p1 [sflag:s9], $0x1000  }
0x98: {  	[sflag:s9] =	ssyncset.done @!p1 $0x0  }
0x99: {  	s12 =	sadd.s32 $0x300, s5;
	[sflag:s9] =	ssyncadd.s32 @!p1 $0xFFFFF000  }
0x9a: {  	[tilespmem:s29], [sflag:$0x7] =	stream.indirect.gather [spmem:s3], $0x20, s12, s25, $0xb8;
	[tilespmem:$0x14800] =	vst v63  }
0x9b: {  	_ =	swait.ge [sflag:s31], $0x1000  }
0x9c: {  	[sflag:s31] =	ssyncset.done $0x0  }
0x9d: {  	s15 =	sadd.s32 $0x1580, s5;
	s9 =	simm.s32 @!p1 $0x10;
	[sflag:s31] =	ssyncadd.s32 $0xFFFFF000  }
0x9e: {  	[spmem:s2] =	stream.indirect.scatter.add.f32 [tilespmem:s1], [sflag:$0xC], $0x20, s15, s25, $0xb8;
	[tilespmem:$0x14800] =	vst v63  }
0x9f: {  	_ =	swait.ge @!p1 [sflag:s9], $0x1000  }
0xa0: {  	[sflag:s9] =	ssyncset.done @!p1 $0x0  }
0xa1: {  	s10 =	sadd.s32 $0x380, s5;
	[sflag:s9] =	ssyncadd.s32 @!p1 $0xFFFFF000  }
0xa2: {  	[tilespmem:s4], [sflag:$0x8] =	stream.indirect.gather [spmem:s3], $0x20, s10, s25, $0xb8;
	[tilespmem:$0x14800] =	vst v63  }
0xa3: {  	_ =	swait.ge [sflag:s6], $0x1000  }
0xa4: {  	p1 =	seq.s32 s19, $0x4000;
	[sflag:s6] =	ssyncset.done $0x0  }
0xa5: {  	s12 =	sadd.s32 $0x1600, s5;
	s9 =	simm.s32 @p1 $0x6;
	[sflag:s6] =	ssyncadd.s32 $0xFFFFF000  }
0xa6: {  	[spmem:s2] =	stream.indirect.scatter.add.f32 [tilespmem:s0], [sflag:$0xD], $0x20, s12, s25, $0xb8;
	[tilespmem:$0x14800] =	vst v63  }
0xa7: {  	_ =	swait.ge @p1 [sflag:s9], $0x1000  }
0xa8: {  	[sflag:s9] =	ssyncset.done @p1 $0x0  }
0xa9: {  	[sflag:s9] =	ssyncadd.s32 @p1 $0xFFFFF000;
	s9 =	sshra.s32 @p1 s19, $0x2  }
0xaa: {  	s15 =	simm.s32 @p1 $0x7800;
	s12 =	simm.s32 @p1 $0x80;
	s9 =	sadd.s32 @p1 $0x1680, s9  }
0xab: {  	[spmem:s2] =	stream.indirect.scatter.add.f32 @p1 [tilespmem:s15], [sflag:$0xE], $0x20, s9, s12, $0xb8;
	[tilespmem:$0x14800] =	vst v63  }
0xac: {  	s9 =	simm.s32 @!p1 $0x9  }
0xad: {  	_ =	swait.ge @!p1 [sflag:s9], $0x1000  }
0xae: {  	[sflag:s9] =	ssyncset.done @!p1 $0x0  }
0xaf: {  	[sflag:s9] =	ssyncadd.s32 @!p1 $0xFFFFF000;
	s9 =	sshra.s32 @!p1 s19, $0x2  }
0xb0: {  	s10 =	simm.s32 @!p1 $0x2800;
	s15 =	simm.s32 @!p1 $0x80;
	s12 =	sadd.s32 @!p1 $0x400, s9  }
0xb1: {  	[tilespmem:s10], [sflag:$0x1] =	stream.indirect.gather @!p1 [spmem:s3], $0x20, s12, s15, $0xb8;
	[tilespmem:$0x14800] =	vst v63  }
0xb2: {  	s10 =	simm.s32 @!p1 $0x6  }
0xb3: {  	_ =	swait.ge @!p1 [sflag:s10], $0x1000  }
0xb4: {  	[sflag:s10] =	ssyncset.done @!p1 $0x0  }
0xb5: {  	s12 =	simm.s32 @!p1 $0x7800;
	[sflag:s10] =	ssyncadd.s32 @!p1 $0xFFFFF000;
	s10 =	sadd.s32 @!p1 $0x1680, s9  }
0xb6: {  	[spmem:s2] =	stream.indirect.scatter.add.f32 @!p1 [tilespmem:s12], [sflag:$0xE], $0x20, s10, s15, $0xb8;
	[tilespmem:$0x14800] =	vst v63  }
0xb7: {  	s10 =	simm.s32 @!p1 $0xA  }
0xb8: {  	_ =	swait.ge @!p1 [sflag:s10], $0x1000  }
0xb9: {  	[sflag:s10] =	ssyncset.done @!p1 $0x0  }
0xba: {  	s9 =	sadd.s32 @!p1 $0x480, s9;
	[sflag:s10] =	ssyncadd.s32 @!p1 $0xFFFFF000;
	s10 =	simm.s32 @!p1 $0x3800  }
0xbb: {  	[tilespmem:s10], [sflag:$0x2] =	stream.indirect.gather @!p1 [spmem:s3], $0x20, s9, s15, $0xb8;
	[tilespmem:$0x14800] =	vst v63  }
.Ltmp3:
0xbc: {  	_ = 	snop;
	(pc) =	sbr.rel @p1 .LBB2_6-.Ltmp3, $4  }
0xbd: {  	_ =	swait.ge [sflag:s7], $0x1000  }
0xbe: {  	[sflag:s7] =	ssyncset.done $0x0  }
0xbf: {  	s15 =	sadd.s32 $0x1700, s5;
	s9 =	sadd.s32 $0x1780, s5;
	[sflag:s7] =	ssyncadd.s32 $0xFFFFF000  }
0xc0: {  	[spmem:s2] =	stream.indirect.scatter.add.f32 [tilespmem:s29], [sflag:$0xF], $0x20, s15, s25, $0xb8;
	[tilespmem:$0x14800] =	vst v63  }
0xc1: {  	_ =	swait.ge [sflag:s13], $0x1000  }
0xc2: {  	[sflag:s13] =	ssyncset.done $0x0  }
0xc3: {  	s10 =	sadd.s32 $0x500, s5;
	[sflag:s13] =	ssyncadd.s32 $0xFFFFF000  }
0xc4: {  	[tilespmem:s30], [sflag:$0x3] =	stream.indirect.gather [spmem:s3], $0x20, s10, s25, $0xb8;
	[tilespmem:$0x14800] =	vst v63  }
0xc5: {  	_ =	swait.ge [sflag:s8], $0x1000  }
0xc6: {  	[sflag:s8] =	ssyncset.done $0x0  }
0xc7: {  	[sflag:s8] =	ssyncadd.s32 $0xFFFFF000  }
0xc8: {  	[spmem:s2] =	stream.indirect.scatter.add.f32 [tilespmem:s4], [sflag:$0x10], $0x20, s9, s25, $0xb8;
	[tilespmem:$0x14800] =	vst v63  }
.Ltmp4:
0xc9: {  	_ = 	snop;
	(pc) =	sbr.rel .LBB2_4-.Ltmp4, $4  }
0xca: {  	_ =	swait.ge [sflag:s14], $0x1000  }
0xcb: {  	[sflag:s14] =	ssyncset.done $0x0  }
0xcc: {  	s15 =	sadd.s32 $0x580, s5;
	s19 =	sadd.s32 $0x1000, s19;
	[sflag:s14] =	ssyncadd.s32 $0xFFFFF000  }
0xcd: {  	[tilespmem:s1], [sflag:$0x4] =	stream.indirect.gather [spmem:s3], $0x20, s15, s25, $0xb8;
	[tilespmem:$0x14800] =	vst v63  }
.LBB2_7:
0xce: {  	_ =	sfence.sel $0x180000  }
0xcf: {  	[bflag:$0x0] =	sbarrier.arrive $0xFFFF  }
0xd0: {  	_ =	strace $0x9000004D  }
0xd1: {  	s0 =	stileid.u32;
	[bflag:$0x2] =	sbarrier.arrive $0xFFFF  }
0xd2: {  	p0 =	sne.s32 s0, $0x0;
	s0 =	rddreg [dreg:$0x3]  }
0xd3: {  	s0 =	sadd.s32 @!p0 $0x100000, s0  }
0xd4: {  	[sflag:s0] =	ssyncadd.tile.s32 @!p0 $0x1;
	_ =	shalt  }
.Lfunc_end2:
_tile_overlayer_lowered:
.L_overlay_start_2:
0xd5: {  	(tag) =	ssettag $0x2  }
0xd6: {  	s0 =	rddreg [dreg:$0x0];
	s2 =	stileid.u32  }
0xd7: {  	s1 =	rddreg [dreg:$0x1];
	p0 =	sne.s32 s2, $0x0  }
0xd8: {  	s3 =	rddreg [dreg:$0x2];
	[bflag:$0x3] =	sbarrier.arrive $0xFFFF;
	s2 =	simm.s32 @!p0 $0x1C11  }
0xd9: {  	[timem:s3], [sflag:s2] =	dma.local @!p0 [hbm:s0], s1  }
0xda: {  	s0 =	simm.s32 @!p0 $0x11  }
0xdb: {  	_ =	swait.ge @!p0 [sflag:s0], s1  }
0xdc: {  	s1 =	ssub.s32 @!p0 $0x0, s1;
	[sflag:s0] =	ssyncset.done @!p0 $0x0  }
0xdd: {  	[sflag:s0] =	ssyncadd.s32 @!p0 s1  }
0xde: {  	[bflag:$0x3] =	sbarrier.arrive $0xFFFF  }
0xdf: {  	_ =	shalt  }

// kernel: kernel.8.cloned.1.call-start
scs
__scs_entry_jumppad:
0x0: {  	(pc) =	sbr.rel $0x88, $3  }
0x1: {  	(tag) =	ssettag $0x0;
	lr =	simm.s32 $0x1  }
0x2: {  	[smem:$0x3F94] =	sst lr;
	_ =	strace $0xD0000000  }
0x3: {  	_ = 	snop  }
0x4: {  	_ = 	snop  }
0x5: {  	_ = 	snop  }
0x6: {  	_ = 	snop  }
0x7: {  	_ = 	snop  }
__scs_overlays_trampoline_lowered:
0x8: {  	[smem:$0x3FA3] =	sst s0  }
0x9: {  	[smem:$0x3FA4] =	sst s1  }
0xa: {  	[smem:$0x3FA5] =	sst s2  }
0xb: {  	[smem:$0x3FA6] =	sst s3  }
0xc: {  	[smem:$0x3FA7] =	sst s4  }
0xd: {  	[smem:$0x3FA8] =	sst s5  }
0xe: {  	[smem:$0x3FA9] =	sst s6  }
0xf: {  	[smem:$0x3FAA] =	sst s7  }
0x10: {  	[smem:$0x3FAB] =	sst s8  }
0x11: {  	[smem:$0x3FAC] =	sst s9;
	s0 =	simm.s32 @!p0 $0x0  }
0x12: {  	s1 =	sld [smem:$0x3F92];
	s0 =	simm.s32 @p0 $0x1  }
0x13: {  	[smem:$0x3FAD] =	sst s0;
	s0 =	simm.s32 @!p1 $0x0  }
0x14: {  	s2 =	sld [smem:$0x3F91];
	s0 =	simm.s32 @p1 $0x1  }
0x15: {  	[smem:$0x3FAE] =	sst s0;
	s0 =	simm.s32 @!p2 $0x0  }
0x16: {  	s3 =	sld [smem:$0x3FDB];
	s0 =	simm.s32 @p2 $0x1  }
0x17: {  	s4 =	simm.s32 $0x1BF5;
	[smem:$0x3FB0] =	sst s0  }
0x18: {  	s0 =	sld [smem:$0x3F93];
	_ =	swait.ge [sflag:s4], $0x0  }
0x19: {  	s7 =	sld [smem:$0x3F94]  }
0x1a: {  	s8 =	sadd.s32 $0xFFFFE003, lr  }
0x1b: {  	s9 =	sadd.s32 $0xFFFFFEF7, lr;
	s5 =	simm.s32 $0xFFFFFFFF;
	p2 =	slt.u32 s8, $0xFFFFF086  }
0x1c: {  	p1 =	slt.u32 s9, $0xF7A;
	s5 =	simm.s32 @!p2 $0x0  }
0x1d: {  	s5 =	simm.s32 @p1 $0x1;
	p0 =	seq.s32 s7, s2  }
0x1e: {  	s7 =	smul.u32 @!p0 $0xF7A, s2;
	p2 =	seq.s32 @!p0 s5, $0x0  }
0x1f: {  	s9 =	smul.u32 $0xF7A, s1;
	s8 =	simm.s32 @!p0 $0x1BF5;
	p2 =	por !p2, p0  }
0x20: {  	[sflag:s8] =	ssyncset.s32 @!p0 $0xFFFFF086;
	s6 =	sadd.s32 @!p0 s3, s7;
	s7 =	simm.s32 @!p0 $0x108  }
0x21: {  	s3 =	sadd.s32 s3, s9;
	s6 =	sadd.s32 @!p0 $0x88, s6;
	s7 =	simm.s32 @p2 $0x1082  }
0x22: {  	[simem:s7], [sflag:s8] =	dma.local @!p0 [hbm:s6], $0xF7A  }
0x23: {  	s9 =	sor.u32 $0xD0000000, s2;
	s6 =	simm.s32 $0x108;
	_ =	swait.ge @!p0 [sflag:s8], $0x0  }
0x24: {  	s3 =	sadd.s32 $0x88, s3;
	s6 =	simm.s32 @!p1 $0x1082;
	[sflag:s4] =	ssyncset.s32 $0xFFFFF086  }
0x25: {  	[simem:s6], [sflag:s4] =	dma.local [hbm:s3], $0xF7A  }
0x26: {  	[smem:$0x3F94] =	sst s1;
	(tag) =	ssettag s2;
	_ =	strace s9  }
0x27: {  	s1 =	sld [smem:$0x3FA4]  }
0x28: {  	s2 =	sld [smem:$0x3FA5]  }
0x29: {  	s4 =	sld [smem:$0x3FA7]  }
0x2a: {  	p0 =	seq.s32 s5, $0x0;
	s5 =	sld [smem:$0x3FA8]  }
0x2b: {  	s6 =	sld [smem:$0x3FA9]  }
0x2c: {  	s7 =	sld [smem:$0x3FAA]  }
0x2d: {  	s3 =	simm.s32 $0x108;
	s8 =	sld [smem:$0x3FAB]  }
0x2e: {  	s3 =	simm.s32 @!p0 $0x1082;
	s9 =	sld [smem:$0x3FAC]  }
0x2f: {  	lr =	sadd.s32 s0, s3;
	s0 =	sld [smem:$0x3FA3]  }
0x30: {  	s3 =	sld [smem:$0x3FA6]  }
0x31: {  	[smem:$0x3FAF] =	sst s10  }
0x32: {  	s10 =	sld [smem:$0x3FAD];
	_ =	sdelay $0x3  }
0x33: {  	p0 =	seq.s32 s10, $0x1;
	s10 =	sld [smem:$0x3FAF];
	_ =	sdelay $0x3  }
0x34: {  	[smem:$0x3FAF] =	sst s10  }
0x35: {  	s10 =	sld [smem:$0x3FAE];
	_ =	sdelay $0x3  }
0x36: {  	p1 =	seq.s32 s10, $0x1;
	s10 =	sld [smem:$0x3FAF];
	_ =	sdelay $0x3  }
0x37: {  	[smem:$0x3FAF] =	sst s10  }
0x38: {  	s10 =	sld [smem:$0x3FB0]  }
0x39: {  	_ = 	snop;
	(pc) =	sbr.ind lr, $3  }
0x3a: {  	_ = 	snop  }
0x3b: {  	_ = 	snop  }
0x3c: {  	p2 =	seq.s32 s10, $0x1;
	s10 =	sld [smem:$0x3FAF]  }
0x3d: {  	_ =	shalt  }
0x3e: {  	_ =	shalt  }
0x3f: {  	_ =	shalt  }
0x40: {  	_ =	shalt  }
0x41: {  	_ =	shalt  }
0x42: {  	_ =	shalt  }
0x43: {  	_ =	shalt  }
0x44: {  	_ =	shalt  }
0x45: {  	_ =	shalt  }
0x46: {  	_ =	shalt  }
0x47: {  	_ =	shalt  }
0x48: {  	_ =	shalt  }
0x49: {  	_ =	shalt  }
0x4a: {  	_ =	shalt  }
0x4b: {  	_ =	shalt  }
0x4c: {  	_ =	shalt  }
0x4d: {  	_ =	shalt  }
0x4e: {  	_ =	shalt  }
0x4f: {  	_ =	shalt  }
0x50: {  	_ =	shalt  }
0x51: {  	_ =	shalt  }
0x52: {  	_ =	shalt  }
0x53: {  	_ =	shalt  }
0x54: {  	_ =	shalt  }
0x55: {  	_ =	shalt  }
0x56: {  	_ =	shalt  }
0x57: {  	_ =	shalt  }
0x58: {  	_ =	shalt  }
0x59: {  	_ =	shalt  }
0x5a: {  	_ =	shalt  }
0x5b: {  	_ =	shalt  }
0x5c: {  	_ =	shalt  }
0x5d: {  	_ =	shalt  }
0x5e: {  	_ =	shalt  }
0x5f: {  	_ =	shalt  }
0x60: {  	_ =	shalt  }
0x61: {  	_ =	shalt  }
0x62: {  	_ =	shalt  }
0x63: {  	_ =	shalt  }
0x64: {  	_ =	shalt  }
0x65: {  	_ =	shalt  }
0x66: {  	_ =	shalt  }
0x67: {  	_ =	shalt  }
0x68: {  	_ =	shalt  }
0x69: {  	_ =	shalt  }
0x6a: {  	_ =	shalt  }
0x6b: {  	_ =	shalt  }
0x6c: {  	_ =	shalt  }
0x6d: {  	_ =	shalt  }
0x6e: {  	_ =	shalt  }
0x6f: {  	_ =	shalt  }
0x70: {  	_ =	shalt  }
0x71: {  	_ =	shalt  }
0x72: {  	_ =	shalt  }
0x73: {  	_ =	shalt  }
0x74: {  	_ =	shalt  }
0x75: {  	_ =	shalt  }
0x76: {  	_ =	shalt  }
0x77: {  	_ =	shalt  }
0x78: {  	_ =	shalt  }
0x79: {  	_ =	shalt  }
0x7a: {  	_ =	shalt  }
0x7b: {  	_ =	shalt  }
0x7c: {  	_ =	shalt  }
0x7d: {  	_ =	shalt  }
0x7e: {  	_ =	shalt  }
0x7f: {  	_ =	shalt  }
0x80: {  	_ =	shalt  }
0x81: {  	_ =	shalt  }
0x82: {  	_ =	shalt  }
0x83: {  	_ =	shalt  }
0x84: {  	_ =	shalt  }
0x85: {  	_ =	shalt  }
0x86: {  	_ =	shalt  }
0x87: {  	_ =	shalt  }
.Lfunc_end0:
.L_simem_size_0:
called_computation_lowered:
.L_overlay_start_0:
0x88: {  	s2 =	sld [smem:$0x3FD9]  }
0x89: {  	s3 =	sld [smem:$0x3FFE];
	_ =	sdelay $0x1  }
0x8a: {  	s1 =	srdreg.scid  }
0x8b: {  	s0 =	sand.u32 $0x1, s1  }
0x8c: {  	s16 =	sshll.u32 s0, $0xA;
	s2 =	sadd.s32 s3, s2  }
0x8d: {  	s2 =	sadd.s32 s2, s16  }
0x8e: {  	[smem:$0x3FBB] =	sst s2  }
0x8f: {  	_ = 	snop  }
0x90: {  	(tm) =	ssettm $0x1  }
0x91: {  	s17 =	sld [smem:$0x3FFB];
	_ =	sdelay $0x3  }
0x92: {  	_ =	strace s17  }
0x93: {  	s2 =	sld [smem:$0x3FFC];
	_ =	sdelay $0x3  }
0x94: {  	_ =	strace s2  }
0x95: {  	s2 =	sld [smem:$0x3FFD];
	_ =	sdelay $0x3  }
0x96: {  	_ =	strace s2  }
0x97: {  	_ =	strace $0x8FFFFFFF  }
0x98: {  	s18 =	sld [smem:$0x3FDB];
	_ =	sdelay $0x1  }
0x99: {  	s19 =	simm.s32 $_scs_section_size  }
0x9a: {  	s4 =	simm.s32 $_size__tile_overlayer_lowered;
	s5 =	simm.s32 $_tile_overlayer_lowered  }
0x9b: {  	s22 =	simm.s32 $0x1BFF;
	s21 =	sshll.u32 s5, $0x1;
	s2 =	sadd.s32 s19, s18  }
0x9c: {  	s6 =	simm.s32 $0x0;
	s20 =	sshll.u32 s4, $0x1;
	s4 =	sadd.s32 s21, s2  }
0x9d: {  	[timem:s6], [sflag:s22] =	dma.local [hbm:s4], s20  }
0x9e: {  	_ =	swait.ge [sflag:s22], s20  }
0x9f: {  	s3 =	ssub.s32 $0x0, s20;
	[sflag:s22] =	ssyncset.done $0x0  }
0xa0: {  	[sflag:s22] =	ssyncadd.s32 s3;
	_ =	sdelay $0x1  }
0xa1: {  	s23 =	simm.s32 $0x1B8B  }
0xa2: {  	_ =	swait.ge [sflag:s23], $0x1  }
0xa3: {  	[sflag:s23] =	ssyncset.done $0x0  }
0xa4: {  	s25 =	simm.s32 $0x1B8E;
	s24 =	sld [smem:$0x3FFE];
	[sflag:s23] =	ssyncadd.s32 $0xFFFFFFFF  }
0xa5: {  	s26 =	simm.s32 $execute0_lowered;
	[smem:$0x3FD2] =	sst s25  }
0xa6: {  	s4 =	sshll.u32 s26, $0x1;
	_ =	strace $0x80000046;
	[dreg:$0x1] =	wrdreg $0xFFFFFFFF  }
0xa7: {  	s28 =	simm.s32 $_size_execute0_lowered;
	s2 =	sadd.s32 s2, s4;
	[dreg:$0x0] =	wrdreg $0x0  }
0xa8: {  	s4 =	sshll.u32 s28, $0x1;
	[dreg:$0x2] =	wrdreg s2  }
0xa9: {  	[dreg:$0x3] =	wrdreg s4  }
0xaa: {  	[dreg:$0x4] =	wrdreg $0xC0  }
0xab: {  	_ =	task [dreg:s6], $0x5FFFF  }
0xac: {  	[dreg:$0x1] =	wrdreg $0xFFFFFFFF  }
0xad: {  	[dreg:$0x0] =	wrdreg $0x60  }
0xae: {  	[dreg:$0x2] =	wrdreg s24  }
0xaf: {  	[dreg:$0x3] =	wrdreg $0x14800  }
0xb0: {  	[dreg:$0x4] =	wrdreg $0x9  }
0xb1: {  	_ =	task.clear_ibuf [dreg:s6], $0x5FFFF;
	_ =	strace $0x90000046  }
0xb2: {  	s29 =	simm.s32 $0x9;
	_ =	strace $0x80000048  }
0xb3: {  	_ =	swait.ge [sflag:s29], $0x1  }
0xb4: {  	[sflag:s29] =	ssyncadd.s32 $0xFFFFFFFF  }
0xb5: {  	_ =	strace $0x90000048  }
0xb6: {  	_ =	sfence  }
0xb7: {  	s30 =	sld [smem:$0x0];
	_ =	sdelay $0x2  }
0xb8: {  	s31 =	sshll.u32 s1, $0xD;
	s1 =	sshrl.u32 s1, $0x2  }
0xb9: {  	s3 =	sand.u32 $0x4000, s31;
	s1 =	sadd.s32 s1, s30  }
0xba: {  	s0 =	sor.u32 s3, s0;
	s1 =	sshll.u32 s1, $0x11  }
0xbb: {  	s0 =	sor.u32 s1, s0  }
0xbc: {  	s0 =	sadd.s32 $0x8F2B, s0  }
0xbd: {  	[sflag:s0] =	ssyncadd.remote.s32 $0x1  }
0xbe: {  	_ =	sfence.sel $0xFFFF  }
0xbf: {  	[dreg:$0x0] =	wrdreg $0xFFFFFFFF;
	(pc) =	sbr.abs _section_cstart, $3  }
0xc0: {  	[dreg:$0x1] =	wrdreg $0xFFFFFFFF  }
0xc1: {  	_ =	task.clear_ibuf [dreg:s6], $0x2FFFF;
	_ =	strace $0x9FFFFFFF  }
0xc2: {  	(tm) =	ssettm $0x7FFFFFFF  }
0xc3: {  	_ =	shalt  }
tec
execute0_lowered:
.L_overlay_start_1:
0x0: {  	(tag) =	ssettag $0x1  }
0x1: {  	s4 =	rddreg [dreg:$0x0]  }
0x2: {  	s1 =	rddreg [dreg:$0x1]  }
0x3: {  	s2 =	srdreg.scid;
	s0 =	rddreg [dreg:$0x2];
	s3 =	simm.s32 $0x0  }
0x4: {  	s16 =	simm.s32 $0x3;
	s17 =	simm.s32 $0x80;
	s18 =	simm.s32 $0x1  }
0x5: {  	s19 =	simm.s32 $0x2;
	s20 =	simm.s32 $0x1400;
	s5 =	sand.u32 $0x1, s2  }
0x6: {  	s23 =	simm.s32 $0x0;
	s2 =	stileid.u32;
	s7 =	smul.u32 $0x2800, s5  }
0x7: {  	[smem:$0x7FF] =	sst s3;
	s6 =	sshll.u32 s5, $0x4;
	s8 =	smul.u32 $0x280, s2  }
0x8: {  	_ =	strace $0x80000047;
	s5 =	ssub.s32 $0x2, s5;
	s29 =	smul.u32 $0xA00, s2  }
0x9: {  	s21 =	sshll.u32 s2, $0x6;
	s6 =	sor.u32 s2, s6;
	s9 =	sshrl.u32 s5, $0x1  }
0xa: {  	s21 =	sor.u32 $0x1C03, s21;
	s6 =	smul.u32 $0x280, s6;
	s7 =	sadd.s32 s7, s8  }
0xb: {  	s30 =	ssub.s32 s5, s9;
	s31 =	sshrl.u32 s29, $0x2;
	s7 =	sshrl.u32 s7, $0x3  }
0xc: {  	s6 =	sadd.s32 s6, s4;
	s15 =	sadd.s32 s7, s4;
	s4 =	sadd.s32 s31, s1  }
0xd: {  	s7 =	smax.u32 s30, $0x1;
	s5 =	sadd.s32 $0x7A00, s6;
	s6 =	sadd.s32 $0xCA00, s15  }
0xe: {  	s8 =	sadd.s32 $0x80, s4;
	s9 =	sadd.s32 $0x100, s4;
	s10 =	sadd.s32 $0x180, s4  }
0xf: {  	s11 =	sadd.s32 $0x200, s4;
	s12 =	sadd.s32 $0xCA10, s15;
	s13 =	sadd.s32 $0xCA20, s15  }
0x10: {  	v0 =	vimm.f32 $0.0e+00;
	v1 =	vimm.f32 $1.000000000e+00;
	s14 =	sadd.s32 $0xCA30, s15;
	s15 =	sadd.s32 $0xCA40, s15;
	s22 =	sshrl.u32 s4, $0x3  }
.LBB2_1:
0x11: {  	[tilespmem:$0x0] =	vst v0  }
0x12: {  	[tilespmem:$0x10] =	vst v0  }
0x13: {  	[tilespmem:$0x20] =	vst v0  }
0x14: {  	[tilespmem:$0x30] =	vst v0  }
0x15: {  	[tilespmem:$0x40] =	vst v0  }
0x16: {  	[tilespmem:$0x50] =	vst v0  }
0x17: {  	[tilespmem:$0x60] =	vst v0  }
0x18: {  	[tilespmem:$0x70] =	vst v0  }
0x19: {  	[spmem:s4] =	stream.linear.scatter [tilespmem:s3], [sflag:$0x3], $0x80, $0x38;
	[tilespmem:$0x1700] =	vst v63  }
0x1a: {  	_ =	swait.ge [sflag:s16], $0x80  }
0x1b: {  	[sflag:s16] =	ssyncset.done $0x0  }
0x1c: {  	[sflag:s16] =	ssyncadd.s32 $0xFFFFFF80  }
0x1d: {  	[spmem:s8] =	stream.linear.scatter [tilespmem:s3], [sflag:$0x3], $0x80, $0x38;
	[tilespmem:$0x1700] =	vst v63  }
0x1e: {  	_ =	swait.ge [sflag:s16], $0x80  }
0x1f: {  	[sflag:s16] =	ssyncset.done $0x0  }
0x20: {  	[sflag:s16] =	ssyncadd.s32 $0xFFFFFF80  }
0x21: {  	[spmem:s9] =	stream.linear.scatter [tilespmem:s3], [sflag:$0x3], $0x80, $0x38;
	[tilespmem:$0x1700] =	vst v63  }
0x22: {  	_ =	swait.ge [sflag:s16], $0x80  }
0x23: {  	[sflag:s16] =	ssyncset.done $0x0  }
0x24: {  	[sflag:s16] =	ssyncadd.s32 $0xFFFFFF80  }
0x25: {  	[spmem:s10] =	stream.linear.scatter [tilespmem:s3], [sflag:$0x3], $0x80, $0x38;
	[tilespmem:$0x1700] =	vst v63  }
0x26: {  	_ =	swait.ge [sflag:s16], $0x80  }
0x27: {  	[sflag:s16] =	ssyncset.done $0x0  }
0x28: {  	[sflag:s16] =	ssyncadd.s32 $0xFFFFFF80  }
0x29: {  	[spmem:s11] =	stream.linear.scatter [tilespmem:s3], [sflag:$0x3], $0x80, $0x38;
	[tilespmem:$0x1700] =	vst v63  }
0x2a: {  	_ =	swait.ge [sflag:s16], $0x80  }
0x2b: {  	[sflag:s16] =	ssyncset.done $0x0  }
0x2c: {  	[sflag:s16] =	ssyncadd.s32 $0xFFFFFF80  }
0x2d: {  	[tilespmem:$0x0] =	vst v1  }
0x2e: {  	[tilespmem:$0x10] =	vst v1  }
0x2f: {  	[tilespmem:$0x20] =	vst v1  }
0x30: {  	[tilespmem:$0x30] =	vst v1  }
0x31: {  	[tilespmem:$0x40] =	vst v1  }
0x32: {  	[tilespmem:$0x50] =	vst v1  }
0x33: {  	[tilespmem:$0x60] =	vst v1  }
0x34: {  	[tilespmem:$0x70] =	vst v1  }
0x35: {  	[tilespmem:s17], [sflag:$0x3] =	stream.linear.gather [hbm4b:s5+s3], $0x1400, $0x38;
	[tilespmem:$0x1700] =	vst v63  }
0x36: {  	_ =	swait.ge [sflag:s16], $0x1400  }
0x37: {  	[sflag:s16] =	ssyncset.done $0x0  }
0x38: {  	[sflag:s16] =	ssyncadd.s32 $0xFFFFEC00  }
0x39: {  	[bflag:$0x0] =	sbarrier.arrive $0xFFFF  }
0x3a: {  	[spmem:s1] =	stream.indirect.scatter.add.f32 [tilespmem:s3], [sflag:$0x1], $0x1, s17, s17, $0xb8;
	[tilespmem:$0x1700] =	vst v63  }
0x3b: {  	s24 =	simm.s32 $0x100  }
0x3c: {  	[spmem:s1] =	stream.indirect.scatter.add.f32 [tilespmem:s3], [sflag:$0x2], $0x1, s24, s17, $0xb8;
	[tilespmem:$0x1700] =	vst v63  }
0x3d: {  	_ =	swait.ge [sflag:s18], $0x80  }
0x3e: {  	[sflag:s18] =	ssyncset.done $0x0  }
0x3f: {  	s31 =	simm.s32 $0x180;
	[sflag:s18] =	ssyncadd.s32 $0xFFFFFF80  }
0x40: {  	[spmem:s1] =	stream.indirect.scatter.add.f32 [tilespmem:s3], [sflag:$0x1], $0x1, s31, s17, $0xb8;
	[tilespmem:$0x1700] =	vst v63  }
0x41: {  	_ =	swait.ge [sflag:s19], $0x80  }
0x42: {  	s25 =	simm.s32 $0xFFFFBC00;
	s24 =	simm.s32 $0xFFFFEE00;
	[sflag:s19] =	ssyncset.done $0x0  }
.LBB2_2:
0x43: {  	s26 =	sadd.s32 $0x1400, s24  }
0x44: {  	[sflag:s19] =	ssyncadd.s32 $0xFFFFFF80;
	s28 =	smov.u32 s25;
	s29 =	sadd.s32 $0x400, s25  }
0x45: {  	[spmem:s1] =	stream.indirect.scatter.add.f32 [tilespmem:s3], [sflag:$0x2], $0x1, s26, s17, $0xb8;
	[tilespmem:$0x1700] =	vst v63  }
0x46: {  	p0 =	sne.s32 s25, $0xFFFFFC00;
	_ =	swait.ge [sflag:s18], $0x80  }
.Ltmp0:
0x47: {  	[sflag:s18] =	ssyncset.done $0x0;
	(pc) =	sbr.rel @p0 .LBB2_2-.Ltmp0, $4  }
0x48: {  	s24 =	sadd.s32 $0x1480, s24;
	[sflag:s18] =	ssyncadd.s32 $0xFFFFFF80  }
0x49: {  	[spmem:s1] =	stream.indirect.scatter.add.f32 [tilespmem:s3], [sflag:$0x1], $0x1, s24, s17, $0xb8;
	[tilespmem:$0x1700] =	vst v63  }
0x4a: {  	_ =	swait.ge [sflag:s19], $0x80  }
0x4b: {  	s25 =	smov.u32 s29;
	s24 =	sshra.s32 s28, $0x2;
	[sflag:s19] =	ssyncset.done $0x0  }
0x4c: {  	s25 =	sadd.s32 $0x1400, s24;
	[sflag:s19] =	ssyncadd.s32 $0xFFFFFF80  }
0x4d: {  	[spmem:s1] =	stream.indirect.scatter.add.f32 [tilespmem:s3], [sflag:$0x2], $0x1, s25, s17, $0xb8;
	[tilespmem:$0x1700] =	vst v63  }
0x4e: {  	_ =	swait.ge [sflag:s18], $0x80  }
0x4f: {  	[sflag:s18] =	ssyncset.done $0x0  }
0x50: {  	s26 =	sadd.s32 $0x1480, s24;
	[sflag:s18] =	ssyncadd.s32 $0xFFFFFF80  }
0x51: {  	[spmem:s1] =	stream.indirect.scatter.add.f32 [tilespmem:s3], [sflag:$0x1], $0x1, s26, s17, $0xb8;
	[tilespmem:$0x1700] =	vst v63  }
0x52: {  	_ =	swait.ge [sflag:s19], $0x80  }
0x53: {  	[sflag:s19] =	ssyncset.done $0x0  }
0x54: {  	[sflag:s19] =	ssyncadd.s32 $0xFFFFFF80  }
0x55: {  	[spmem:s1] =	stream.indirect.scatter.add.f32 [tilespmem:s3], [sflag:$0x2], $0x1, s20, s17, $0xb8;
	[tilespmem:$0x1700] =	vst v63  }
0x56: {  	_ =	swait.ge [sflag:s18], $0x80  }
0x57: {  	[sflag:s18] =	ssyncset.done $0x0  }
0x58: {  	[sflag:s18] =	ssyncadd.s32 $0xFFFFFF80  }
0x59: {  	_ =	swait.ge [sflag:s19], $0x80  }
0x5a: {  	[sflag:s19] =	ssyncset.done $0x0  }
0x5b: {  	[sflag:s19] =	ssyncadd.s32 $0xFFFFFF80  }
0x5c: {  	[bflag:$0x0] =	sbarrier.arrive $0xFFFF  }
0x5d: {  	[hbm:s6], [sflag:s21] =	dma.local [spmem:s22], $0x10  }
0x5e: {  	_ =	swait.ge [sflag:s16], $0x10  }
0x5f: {  	[sflag:s16] =	ssyncset.done $0x0  }
0x60: {  	s28 =	sshrl.u32 s8, $0x3;
	[sflag:s16] =	ssyncadd.s32 $0xFFFFFFF0  }
0x61: {  	[hbm:s12], [sflag:s21] =	dma.local [spmem:s28], $0x10  }
0x62: {  	_ =	swait.ge [sflag:s16], $0x10  }
0x63: {  	[sflag:s16] =	ssyncset.done $0x0  }
0x64: {  	s29 =	sshrl.u32 s9, $0x3;
	[sflag:s16] =	ssyncadd.s32 $0xFFFFFFF0  }
0x65: {  	[hbm:s13], [sflag:s21] =	dma.local [spmem:s29], $0x10  }
0x66: {  	_ =	swait.ge [sflag:s16], $0x10  }
0x67: {  	[sflag:s16] =	ssyncset.done $0x0  }
0x68: {  	s30 =	sshrl.u32 s10, $0x3;
	[sflag:s16] =	ssyncadd.s32 $0xFFFFFFF0  }
0x69: {  	[hbm:s14], [sflag:s21] =	dma.local [spmem:s30], $0x10  }
0x6a: {  	s23 =	sadd.s32 $0x1, s23;
	_ =	swait.ge [sflag:s16], $0x10  }
0x6b: {  	p0 =	sne.s32 s23, s7;
	[sflag:s16] =	ssyncset.done $0x0  }
.Ltmp1:
0x6c: {  	s31 =	sshrl.u32 s11, $0x3;
	[sflag:s16] =	ssyncadd.s32 $0xFFFFFFF0;
	(pc) =	sbr.rel @p0 .LBB2_1-.Ltmp1, $4  }
0x6d: {  	[hbm:s15], [sflag:s21] =	dma.local [spmem:s31], $0x10  }
0x6e: {  	_ =	swait.ge [sflag:s16], $0x10  }
0x6f: {  	[sflag:s16] =	ssyncset.done $0x0  }
0x70: {  	[sflag:s16] =	ssyncadd.s32 $0xFFFFFFF0  }
0x71: {  	_ =	sfence.sel $0x180000  }
0x72: {  	[bflag:$0x0] =	sbarrier.arrive $0xFFFF  }
0x73: {  	p0 =	sne.s32 s2, $0x0;
	_ =	strace $0x90000047  }
0x74: {  	s0 =	sadd.s32 @!p0 $0x100000, s0;
	[bflag:$0x2] =	sbarrier.arrive $0xFFFF  }
0x75: {  	[sflag:s0] =	ssyncadd.tile.s32 @!p0 $0x1;
	_ =	shalt  }
.Lfunc_end2:
_tile_overlayer_lowered:
.L_overlay_start_2:
0x76: {  	(tag) =	ssettag $0x2  }
0x77: {  	s0 =	rddreg [dreg:$0x0];
	s2 =	stileid.u32  }
0x78: {  	s1 =	rddreg [dreg:$0x1];
	p0 =	sne.s32 s2, $0x0  }
0x79: {  	s3 =	rddreg [dreg:$0x2];
	[bflag:$0x3] =	sbarrier.arrive $0xFFFF;
	s2 =	simm.s32 @!p0 $0x1C03  }
0x7a: {  	[timem:s3], [sflag:s2] =	dma.local @!p0 [hbm:s0], s1  }
0x7b: {  	s0 =	simm.s32 @!p0 $0x3  }
0x7c: {  	_ =	swait.ge @!p0 [sflag:s0], s1  }
0x7d: {  	s1 =	ssub.s32 @!p0 $0x0, s1;
	[sflag:s0] =	ssyncset.done @!p0 $0x0  }
0x7e: {  	[sflag:s0] =	ssyncadd.s32 @!p0 s1  }
0x7f: {  	[bflag:$0x3] =	sbarrier.arrive $0xFFFF  }
0x80: {  	_ =	shalt  }

</sc_bundles>
